<compile_context>
chip_gen: v7x
topology: tpu7x:2x2x1
jax: 0.10.2.dev20260603
libtpu: 0.0.44.dev20260713+nightly
codegen_flags: <defaults>
</compile_context>

<pallas_src>
import functools

import jax
import jax.numpy as jnp
from jax import lax
from jax.experimental import pallas as pl
from jax.experimental.pallas import tpu as pltpu
from jax.experimental.pallas import tpu_sc as plsc

B = 4096
N_USERS = 10000
N_ITEMS = 5000
D = 16
TW = 128

SC_CORES = 2
SC_SUBCORES = 16
NW = SC_CORES * SC_SUBCORES
BPW = B // NW

ROW_BLK = 256
N_ROW_BLKS = (N_ITEMS + 1 + ROW_BLK - 1) // ROW_BLK
ROWS_PAD = N_ROW_BLKS * ROW_BLK
W_COLS = N_USERS + 1


def _sweep_body(a_ref, wiT_ref, wuT_ref, iproj_ref, uproj_ref, acc_ref):
    step = pl.program_id(0)
    a = a_ref[...]
    row_ids = step * ROW_BLK + lax.broadcasted_iota(jnp.int32, (ROW_BLK, 1), 0)
    a = jnp.where(row_ids < N_ITEMS, a, 0.0)
    ip = jnp.dot(a, wiT_ref[...], preferred_element_type=jnp.float32)
    iproj_ref[...] = jnp.concatenate(
        [ip, jnp.zeros((ROW_BLK, TW - D), jnp.float32)], axis=1)
    contrib = lax.dot_general(
        a, wuT_ref[...], (((0,), (0,)), ((), ())),
        preferred_element_type=jnp.float32)

    @pl.when(step == 0)
    def _():
        acc_ref[...] = contrib

    @pl.when(step != 0)
    def _():
        acc_ref[...] += contrib

    @pl.when(step == N_ROW_BLKS - 1)
    def _():
        uproj_ref[...] = jnp.concatenate(
            [acc_ref[...], jnp.zeros((W_COLS, TW - D), jnp.float32)], axis=1)


def _projections(at, wiT_pad, wuT_pad):
    return pl.pallas_call(
        _sweep_body,
        grid=(N_ROW_BLKS,),
        in_specs=[
            pl.BlockSpec((ROW_BLK, W_COLS), lambda i: (i, 0)),
            pl.BlockSpec((W_COLS, D), lambda i: (0, 0)),
            pl.BlockSpec((ROW_BLK, D), lambda i: (i, 0)),
        ],
        out_specs=[
            pl.BlockSpec((ROW_BLK, TW), lambda i: (i, 0)),
            pl.BlockSpec((W_COLS, TW), lambda i: (0, 0)),
        ],
        out_shape=[
            jax.ShapeDtypeStruct((ROWS_PAD, TW), jnp.float32),
            jax.ShapeDtypeStruct((W_COLS, TW), jnp.float32),
        ],
        scratch_shapes=[pltpu.VMEM((W_COLS, D), jnp.float32)],
        compiler_params=pltpu.CompilerParams(
            dimension_semantics=("arbitrary",)),
    )(at, wiT_pad, wuT_pad)


def _sc_delta_body(uidx_hbm, iidx_hbm, at_hbm, out_w,
                   uidx_v, iidx_v, w_v, wsem):
    wid = lax.axis_index("s") * SC_CORES + lax.axis_index("c")
    base = wid * BPW
    pltpu.sync_copy(uidx_hbm.at[pl.ds(base, BPW)], uidx_v)
    pltpu.sync_copy(iidx_hbm.at[pl.ds(base, BPW)], iidx_v)

    def chunk(j):
        off = pl.multiple_of(j * 16, 16)
        u16 = uidx_v[pl.ds(off, 16)]
        i16 = iidx_v[pl.ds(off, 16)]
        r0 = (i16 >> 3) << 3
        c0 = (u16 >> 7) << 7
        sub = i16 & 7
        waits = []
        for k in range(16):
            r_s = pl.multiple_of(r0[k], 8)
            c_s = pl.multiple_of(c0[k], 128)
            waits.append(pltpu.async_copy(
                at_hbm.at[pl.ds(r_s, 8), pl.ds(c_s, 128)],
                w_v.at[pl.ds(k * 8, 8)], wsem))
        for c in waits:
            c.wait()
        for k in range(16):
            pltpu.sync_copy(w_v.at[pl.ds(k * 8 + sub[k], 1)],
                            out_w.at[pl.ds(base + off + k, 1)])

    pl.loop(0, BPW // 16)(chunk)


@functools.cache
def _sc_delta_kernel():
    return functools.partial(
        pl.kernel,
        mesh=plsc.VectorSubcoreMesh(core_axis_name="c", subcore_axis_name="s"),
        out_type=[
            jax.ShapeDtypeStruct((B, TW), jnp.float32),
        ],
        scratch_types=[
            pltpu.VMEM((BPW,), jnp.int32),
            pltpu.VMEM((BPW,), jnp.int32),
            pltpu.VMEM((128, TW), jnp.float32),
            pltpu.SemaphoreType.DMA,
        ],
    )(_sc_delta_body)


def _sc_static_body(uidx_hbm, iidx_hbm, ustat_hbm, istat_hbm,
                    out_us, out_is,
                    uidx_v, iidx_v, r_us, r_is, sem):
    wid = lax.axis_index("s") * SC_CORES + lax.axis_index("c")
    base = wid * BPW
    pltpu.sync_copy(uidx_hbm.at[pl.ds(base, BPW)], uidx_v)
    pltpu.sync_copy(iidx_hbm.at[pl.ds(base, BPW)], iidx_v)

    cu = pltpu.async_copy(ustat_hbm.at[uidx_v], r_us, sem)
    ci = pltpu.async_copy(istat_hbm.at[iidx_v], r_is, sem)
    cu.wait()
    ci.wait()
    pltpu.sync_copy(r_us, out_us.at[pl.ds(base, BPW)])
    pltpu.sync_copy(r_is, out_is.at[pl.ds(base, BPW)])


@functools.cache
def _sc_static_kernel():
    return functools.partial(
        pl.kernel,
        mesh=plsc.VectorSubcoreMesh(core_axis_name="c", subcore_axis_name="s"),
        out_type=[
            jax.ShapeDtypeStruct((B, TW), jnp.float32),
            jax.ShapeDtypeStruct((B, TW), jnp.float32),
        ],
        scratch_types=[
            pltpu.VMEM((BPW,), jnp.int32),
            pltpu.VMEM((BPW,), jnp.int32),
            pltpu.VMEM((BPW, TW), jnp.float32),
            pltpu.VMEM((BPW, TW), jnp.float32),
            pltpu.SemaphoreType.DMA,
        ],
    )(_sc_static_body)


def _sc_proj_body(uidx_hbm, iidx_hbm, uproj_hbm, iproj_hbm, order_hbm,
                  out_up, out_ip,
                  uidx_v, iidx_v, r_up, r_ip, sem):
    del order_hbm
    wid = lax.axis_index("s") * SC_CORES + lax.axis_index("c")
    base = wid * BPW
    pltpu.sync_copy(uidx_hbm.at[pl.ds(base, BPW)], uidx_v)
    pltpu.sync_copy(iidx_hbm.at[pl.ds(base, BPW)], iidx_v)

    cu = pltpu.async_copy(uproj_hbm.at[uidx_v], r_up, sem)
    ci = pltpu.async_copy(iproj_hbm.at[iidx_v], r_ip, sem)
    cu.wait()
    ci.wait()
    pltpu.sync_copy(r_up, out_up.at[pl.ds(base, BPW)])
    pltpu.sync_copy(r_ip, out_ip.at[pl.ds(base, BPW)])


@functools.cache
def _sc_proj_kernel():
    return functools.partial(
        pl.kernel,
        mesh=plsc.VectorSubcoreMesh(core_axis_name="c", subcore_axis_name="s"),
        out_type=[
            jax.ShapeDtypeStruct((B, TW), jnp.float32),
            jax.ShapeDtypeStruct((B, TW), jnp.float32),
        ],
        scratch_types=[
            pltpu.VMEM((BPW,), jnp.int32),
            pltpu.VMEM((BPW,), jnp.int32),
            pltpu.VMEM((BPW, TW), jnp.float32),
            pltpu.VMEM((BPW, TW), jnp.float32),
            pltpu.SemaphoreType.DMA,
        ],
    )(_sc_proj_body)


def _mlp_body(gus_ref, gis_ref, gup_ref, gip_ref, w3_ref, ui_ref, ii_ref,
              w1_ref, b1_ref, g1_ref, be1_ref, wl_ref, out_ref):
    ui = ui_ref[...]
    ln = lax.broadcasted_iota(jnp.int32, (B, TW), 1)
    oh = ln == (ui & 127)
    delta = jnp.sum(jnp.where(oh, w3_ref[...], 0.0), axis=-1, keepdims=True)
    gus = gus_ref[...]
    gis = gis_ref[...]
    proj_user = gup_ref[:, :D] - delta * gis[:, D:2 * D]
    proj_item = gip_ref[:, :D] - delta * gus[:, D:2 * D]
    x = jnp.concatenate([gus[:, :D], proj_user, gis[:, :D], proj_item],
                        axis=-1)
    h = lax.dot_general(x, w1_ref[...], (((1,), (1,)), ((), ())),
                        preferred_element_type=jnp.float32) + b1_ref[...]
    mu = jnp.mean(h, axis=-1, keepdims=True)
    var = jnp.mean(jnp.square(h - mu), axis=-1, keepdims=True)
    h = (h - mu) * lax.rsqrt(var + 1e-5) * g1_ref[...] + be1_ref[...]
    h = jnp.maximum(h, 0.0)
    out_ref[...] = lax.dot_general(h, wl_ref[...], (((1,), (1,)), ((), ())),
                                   preferred_element_type=jnp.float32)


def _mlp(gus, gis, gup, gip, w3, ui, ii, W1, b1, g1, be1, Wl):
    return pl.pallas_call(
        _mlp_body,
        out_shape=jax.ShapeDtypeStruct((B, 1), jnp.float32),
    )(gus, gis, gup, gip, w3, ui, ii, W1, b1, g1, be1, Wl)


def kernel(user_idx, item_idx, interactions, user_emb, item_emb, Wu, Wi,
           W1, b1, g1, be1, Wl, bl):
    at = interactions.T

    wiT_pad = jnp.zeros((W_COLS, D), jnp.float32).at[:N_USERS].set(Wi.T)
    wuT_pad = jnp.zeros((ROWS_PAD, D), jnp.float32).at[:N_ITEMS].set(Wu.T)

    zu = jnp.zeros((N_USERS, TW - 2 * D), jnp.float32)
    ustat = jnp.concatenate(
        [user_emb[:N_USERS], wiT_pad[:N_USERS], zu], axis=1)
    zi = jnp.zeros((N_ITEMS, TW - 2 * D), jnp.float32)
    istat = jnp.concatenate(
        [item_emb[:N_ITEMS], wuT_pad[:N_ITEMS], zi], axis=1)

    uidx = user_idx.astype(jnp.int32)
    iidx = item_idx.astype(jnp.int32)
    (w_rows,) = _sc_delta_kernel()(uidx, iidx, at)
    gus, gis = _sc_static_kernel()(uidx, iidx, ustat, istat)

    iproj_tab, uproj_tab = _projections(at, wiT_pad, wuT_pad)
    gup, gip = _sc_proj_kernel()(uidx, iidx, uproj_tab, iproj_tab, w_rows)

    logit = _mlp(gus, gis, gup, gip, w_rows,
                 uidx.reshape(B, 1), iidx.reshape(B, 1),
                 W1, b1.reshape(1, 32), g1.reshape(1, 32),
                 be1.reshape(1, 32), Wl)
    return logit.reshape(B) + bl

# --- scband reference (transcript-rebuilt; emitter-appended) ---
"""Pipeline reference for scband-module-7318624272489 (READ-ONLY COPY).

The authoritative reference and input builder live on the scoring server;
editing this copy changes nothing except your own understanding.
"""

import jax, jax.numpy as jnp
import numpy as np

B = 4096
N_USERS = 10000
N_ITEMS = 5000
D = 16


def _ln(x, g, b):
    mu = jnp.mean(x, axis=-1, keepdims=True)
    var = jnp.var(x, axis=-1, keepdims=True)
    return (x - mu) / jnp.sqrt(var + 1e-5) * g + b


def setup_inputs(seed: int = 0) -> dict:
    key = jax.random.key(seed)
    ks = jax.random.split(key, 16)
    interactions = (jax.random.uniform(ks[0], (N_USERS + 1, N_ITEMS + 1)) < 0.01).astype(jnp.float32)
    user_idx = jax.random.randint(ks[1], (B,), 0, N_USERS)
    item_idx = jax.random.randint(ks[2], (B,), 0, N_ITEMS)
    user_emb = jax.random.normal(ks[3], (N_USERS + 1, D), dtype=jnp.float32) * 0.01
    item_emb = jax.random.normal(ks[4], (N_ITEMS + 1, D), dtype=jnp.float32) * 0.01
    Wu = jax.random.normal(ks[5], (D, N_ITEMS), dtype=jnp.float32) / np.sqrt(N_ITEMS)
    Wi = jax.random.normal(ks[6], (D, N_USERS), dtype=jnp.float32) / np.sqrt(N_USERS)
    W1 = jax.random.normal(ks[7], (32, 64), dtype=jnp.float32) / np.sqrt(64)
    b1 = jnp.zeros((32,), dtype=jnp.float32)
    g1 = jnp.ones((32,), dtype=jnp.float32)
    be1 = jnp.zeros((32,), dtype=jnp.float32)
    Wl = jax.random.normal(ks[8], (1, 32), dtype=jnp.float32) / np.sqrt(32)
    bl = jnp.zeros((1,), dtype=jnp.float32)
    return {"user_idx": user_idx, "item_idx": item_idx, "interactions": interactions,
            "user_emb": user_emb, "item_emb": item_emb, "Wu": Wu, "Wi": Wi,
            "W1": W1, "b1": b1, "g1": g1, "be1": be1, "Wl": Wl, "bl": bl}


def reference(user_idx, item_idx, interactions, user_emb, item_emb, Wu, Wi, W1, b1, g1, be1, Wl, bl):
    batch = jnp.arange(user_idx.shape[0])
    # user representation
    user_id = jnp.take(user_emb, user_idx, axis=0)
    user_slice = interactions[user_idx, :-1]
    user_slice = user_slice.at[batch, item_idx].set(0.0)
    proj_user = user_slice @ Wu.T
    rep_user = jnp.concatenate([user_id, proj_user], axis=-1)
    # item representation
    item_id = jnp.take(item_emb, item_idx, axis=0)
    item_slice = interactions.T[item_idx, :-1]
    item_slice = item_slice.at[batch, user_idx].set(0.0)
    proj_item = item_slice @ Wi.T
    rep_item = jnp.concatenate([item_id, proj_item], axis=-1)
    # MLP (dropout is identity at inference)
    x = jnp.concatenate([rep_user, rep_item], axis=-1)
    x = jax.nn.relu(_ln(x @ W1.T + b1, g1, be1))
    logit = (x @ Wl.T + bl).squeeze(-1)
    return logit

if __name__ == "__main__":
    import jax
    _d = setup_inputs()
    print(jax.jit(kernel)(*tuple(_d.values())))

</pallas_src>

<mosaic_0001>
#map = affine_map<(d0, d1) -> (0)>
#map1 = affine_map<(d0, d1) -> (0, 0)>
module attributes {stable_mosaic.version = 14 : i64} {
  func.func @_sc_proj_body(%arg0: i32, %arg1: i32, %arg2: memref<4096xi32, #tpu.memory_space<hbm>>, %arg3: memref<4096xi32, #tpu.memory_space<hbm>>, %arg4: memref<10001x128xf32, #tpu.memory_space<hbm>>, %arg5: memref<5120x128xf32, #tpu.memory_space<hbm>>, %arg6: memref<4096x128xf32, #tpu.memory_space<hbm>>, %arg7: memref<4096x128xf32, #tpu.memory_space<hbm>>, %arg8: memref<4096x128xf32, #tpu.memory_space<hbm>>, %arg9: memref<128xi32, #tpu.memory_space<vmem>>, %arg10: memref<128xi32, #tpu.memory_space<vmem>>, %arg11: memref<128x128xf32, #tpu.memory_space<vmem>>, %arg12: memref<128x128xf32, #tpu.memory_space<vmem>>, %arg13: memref<!tpu.dma_semaphore, #tpu.memory_space<semaphore_mem>>) attributes {dimension_semantics = [#tpu.dimension_semantics<core_parallel>, #tpu.dimension_semantics<subcore_parallel>], iteration_bounds = array<i64: 2, 16>, scalar_prefetch = 0 : i64, scratch_operands = 5 : i64, tpu.core_type = #tpu.core_type<sc_vector_subcore>, window_params = [{transform_indices = #map}, {transform_indices = #map}, {transform_indices = #map1}, {transform_indices = #map1}, {transform_indices = #map1}, {transform_indices = #map1}, {transform_indices = #map1}]} {
    %mul3A = arith.constant 2 : i32
    %mul3A_0 = arith.muli %arg1, %mul3A : i32
    %add3A = arith.addi %mul3A_0, %arg0 : i32
    %mul3A_1 = arith.constant 128 : i32
    %mul3A_2 = arith.muli %add3A, %mul3A_1 : i32
    "tpu.region"() ({
      %run_scoped3A = tpu.sem_alloc : memref<!tpu.dma_semaphore, #tpu.memory_space<semaphore_mem>>
      %dma_start3A_13 = tpu.memref_slice %arg2[%mul3A_2] : memref<4096xi32, #tpu.memory_space<hbm>> -> memref<128xi32, #tpu.memory_space<hbm>>
      %dma_start3A_14 = tpu.memref_slice %arg2[%mul3A_2] : memref<4096xi32, #tpu.memory_space<hbm>> -> memref<128xi32, #tpu.memory_space<hbm>>
      tpu.enqueue_dma source(%dma_start3A_14 : memref<128xi32, #tpu.memory_space<hbm>>) target(%arg9 : memref<128xi32, #tpu.memory_space<vmem>>) target_semaphore(%run_scoped3A : memref<!tpu.dma_semaphore, #tpu.memory_space<semaphore_mem>>)
      %dma_wait3A_15 = tpu.memref_slice %arg2[%mul3A_2] : memref<4096xi32, #tpu.memory_space<hbm>> -> memref<128xi32, #tpu.memory_space<hbm>>
      %dma_wait3A_16 = tpu.memref_slice %arg2[%mul3A_2] : memref<4096xi32, #tpu.memory_space<hbm>> -> memref<128xi32, #tpu.memory_space<hbm>>
      tpu.wait_dma2 semaphore(%run_scoped3A : memref<!tpu.dma_semaphore, #tpu.memory_space<semaphore_mem>>) src(%dma_wait3A_16 : memref<128xi32, #tpu.memory_space<hbm>>) dst(%arg9 : memref<128xi32, #tpu.memory_space<vmem>>)
      tpu.yield
    }) : () -> ()
    "tpu.region"() ({
      %run_scoped3A = tpu.sem_alloc : memref<!tpu.dma_semaphore, #tpu.memory_space<semaphore_mem>>
      %dma_start3A_13 = tpu.memref_slice %arg3[%mul3A_2] : memref<4096xi32, #tpu.memory_space<hbm>> -> memref<128xi32, #tpu.memory_space<hbm>>
      %dma_start3A_14 = tpu.memref_slice %arg3[%mul3A_2] : memref<4096xi32, #tpu.memory_space<hbm>> -> memref<128xi32, #tpu.memory_space<hbm>>
      tpu.enqueue_dma source(%dma_start3A_14 : memref<128xi32, #tpu.memory_space<hbm>>) target(%arg10 : memref<128xi32, #tpu.memory_space<vmem>>) target_semaphore(%run_scoped3A : memref<!tpu.dma_semaphore, #tpu.memory_space<semaphore_mem>>)
      %dma_wait3A_15 = tpu.memref_slice %arg3[%mul3A_2] : memref<4096xi32, #tpu.memory_space<hbm>> -> memref<128xi32, #tpu.memory_space<hbm>>
      %dma_wait3A_16 = tpu.memref_slice %arg3[%mul3A_2] : memref<4096xi32, #tpu.memory_space<hbm>> -> memref<128xi32, #tpu.memory_space<hbm>>
      tpu.wait_dma2 semaphore(%run_scoped3A : memref<!tpu.dma_semaphore, #tpu.memory_space<semaphore_mem>>) src(%dma_wait3A_16 : memref<128xi32, #tpu.memory_space<hbm>>) dst(%arg10 : memref<128xi32, #tpu.memory_space<vmem>>)
      tpu.yield
    }) : () -> ()
    %dma_start3A = arith.constant 0 : i32
    %dma_start3A_3 = arith.constant 0 : i32
    %dma_start3A_4 = tpu.memref_slice %arg4[%dma_start3A, %dma_start3A_3] : memref<10001x128xf32, #tpu.memory_space<hbm>> -> memref<10001x128xf32, #tpu.memory_space<hbm>>
    tpu.enqueue_indirect_dma source(%dma_start3A_4 : memref<10001x128xf32, #tpu.memory_space<hbm>>) target(%arg11 : memref<128x128xf32, #tpu.memory_space<vmem>>) offsets(%arg9 : memref<128xi32, #tpu.memory_space<vmem>>) semaphore(%arg13 : memref<!tpu.dma_semaphore, #tpu.memory_space<semaphore_mem>>)
    %dma_start3A_5 = arith.constant 0 : i32
    %dma_start3A_6 = arith.constant 0 : i32
    %dma_start3A_7 = tpu.memref_slice %arg5[%dma_start3A_5, %dma_start3A_6] : memref<5120x128xf32, #tpu.memory_space<hbm>> -> memref<5120x128xf32, #tpu.memory_space<hbm>>
    tpu.enqueue_indirect_dma source(%dma_start3A_7 : memref<5120x128xf32, #tpu.memory_space<hbm>>) target(%arg12 : memref<128x128xf32, #tpu.memory_space<vmem>>) offsets(%arg10 : memref<128xi32, #tpu.memory_space<vmem>>) semaphore(%arg13 : memref<!tpu.dma_semaphore, #tpu.memory_space<semaphore_mem>>)
    %dma_wait3A = arith.constant 0 : i32
    %dma_wait3A_8 = arith.constant 0 : i32
    %dma_wait3A_9 = tpu.memref_slice %arg4[%dma_wait3A, %dma_wait3A_8] : memref<10001x128xf32, #tpu.memory_space<hbm>> -> memref<10001x128xf32, #tpu.memory_space<hbm>>
    tpu.wait_indirect_dma semaphore(%arg13 : memref<!tpu.dma_semaphore, #tpu.memory_space<semaphore_mem>>) src(%dma_wait3A_9 : memref<10001x128xf32, #tpu.memory_space<hbm>>) dst(%arg11 : memref<128x128xf32, #tpu.memory_space<vmem>>)
    %dma_wait3A_10 = arith.constant 0 : i32
    %dma_wait3A_11 = arith.constant 0 : i32
    %dma_wait3A_12 = tpu.memref_slice %arg5[%dma_wait3A_10, %dma_wait3A_11] : memref<5120x128xf32, #tpu.memory_space<hbm>> -> memref<5120x128xf32, #tpu.memory_space<hbm>>
    tpu.wait_indirect_dma semaphore(%arg13 : memref<!tpu.dma_semaphore, #tpu.memory_space<semaphore_mem>>) src(%dma_wait3A_12 : memref<5120x128xf32, #tpu.memory_space<hbm>>) dst(%arg12 : memref<128x128xf32, #tpu.memory_space<vmem>>)
    "tpu.region"() ({
      %run_scoped3A = tpu.sem_alloc : memref<!tpu.dma_semaphore, #tpu.memory_space<semaphore_mem>>
      %dma_start3A_13 = arith.constant 0 : i32
      %dma_start3A_14 = tpu.memref_slice %arg7[%mul3A_2, %dma_start3A_13] : memref<4096x128xf32, #tpu.memory_space<hbm>> -> memref<128x128xf32, #tpu.memory_space<hbm>>
      %dma_start3A_15 = arith.constant 0 : i32
      %dma_start3A_16 = tpu.memref_slice %arg7[%mul3A_2, %dma_start3A_15] : memref<4096x128xf32, #tpu.memory_space<hbm>> -> memref<128x128xf32, #tpu.memory_space<hbm>>
      tpu.enqueue_dma source(%arg11 : memref<128x128xf32, #tpu.memory_space<vmem>>) target(%dma_start3A_16 : memref<128x128xf32, #tpu.memory_space<hbm>>) target_semaphore(%run_scoped3A : memref<!tpu.dma_semaphore, #tpu.memory_space<semaphore_mem>>)
      %dma_wait3A_17 = arith.constant 0 : i32
      %dma_wait3A_18 = tpu.memref_slice %arg7[%mul3A_2, %dma_wait3A_17] : memref<4096x128xf32, #tpu.memory_space<hbm>> -> memref<128x128xf32, #tpu.memory_space<hbm>>
      %dma_wait3A_19 = arith.constant 0 : i32
      %dma_wait3A_20 = tpu.memref_slice %arg7[%mul3A_2, %dma_wait3A_19] : memref<4096x128xf32, #tpu.memory_space<hbm>> -> memref<128x128xf32, #tpu.memory_space<hbm>>
      tpu.wait_dma2 semaphore(%run_scoped3A : memref<!tpu.dma_semaphore, #tpu.memory_space<semaphore_mem>>) src(%arg11 : memref<128x128xf32, #tpu.memory_space<vmem>>) dst(%dma_wait3A_20 : memref<128x128xf32, #tpu.memory_space<hbm>>)
      tpu.yield
    }) : () -> ()
    "tpu.region"() ({
      %run_scoped3A = tpu.sem_alloc : memref<!tpu.dma_semaphore, #tpu.memory_space<semaphore_mem>>
      %dma_start3A_13 = arith.constant 0 : i32
      %dma_start3A_14 = tpu.memref_slice %arg8[%mul3A_2, %dma_start3A_13] : memref<4096x128xf32, #tpu.memory_space<hbm>> -> memref<128x128xf32, #tpu.memory_space<hbm>>
      %dma_start3A_15 = arith.constant 0 : i32
      %dma_start3A_16 = tpu.memref_slice %arg8[%mul3A_2, %dma_start3A_15] : memref<4096x128xf32, #tpu.memory_space<hbm>> -> memref<128x128xf32, #tpu.memory_space<hbm>>
      tpu.enqueue_dma source(%arg12 : memref<128x128xf32, #tpu.memory_space<vmem>>) target(%dma_start3A_16 : memref<128x128xf32, #tpu.memory_space<hbm>>) target_semaphore(%run_scoped3A : memref<!tpu.dma_semaphore, #tpu.memory_space<semaphore_mem>>)
      %dma_wait3A_17 = arith.constant 0 : i32
      %dma_wait3A_18 = tpu.memref_slice %arg8[%mul3A_2, %dma_wait3A_17] : memref<4096x128xf32, #tpu.memory_space<hbm>> -> memref<128x128xf32, #tpu.memory_space<hbm>>
      %dma_wait3A_19 = arith.constant 0 : i32
      %dma_wait3A_20 = tpu.memref_slice %arg8[%mul3A_2, %dma_wait3A_19] : memref<4096x128xf32, #tpu.memory_space<hbm>> -> memref<128x128xf32, #tpu.memory_space<hbm>>
      tpu.wait_dma2 semaphore(%run_scoped3A : memref<!tpu.dma_semaphore, #tpu.memory_space<semaphore_mem>>) src(%arg12 : memref<128x128xf32, #tpu.memory_space<vmem>>) dst(%dma_wait3A_20 : memref<128x128xf32, #tpu.memory_space<hbm>>)
      tpu.yield
    }) : () -> ()
    return
  }
}

#map = affine_map<(d0, d1) -> (0)>
#map1 = affine_map<(d0, d1) -> (0, 0)>
module attributes {stable_mosaic.version = 14 : i64} {
  func.func @_sc_static_body(%arg0: i32, %arg1: i32, %arg2: memref<4096xi32, #tpu.memory_space<hbm>>, %arg3: memref<4096xi32, #tpu.memory_space<hbm>>, %arg4: memref<10000x128xf32, #tpu.memory_space<hbm>>, %arg5: memref<5000x128xf32, #tpu.memory_space<hbm>>, %arg6: memref<4096x128xf32, #tpu.memory_space<hbm>>, %arg7: memref<4096x128xf32, #tpu.memory_space<hbm>>, %arg8: memref<128xi32, #tpu.memory_space<vmem>>, %arg9: memref<128xi32, #tpu.memory_space<vmem>>, %arg10: memref<128x128xf32, #tpu.memory_space<vmem>>, %arg11: memref<128x128xf32, #tpu.memory_space<vmem>>, %arg12: memref<!tpu.dma_semaphore, #tpu.memory_space<semaphore_mem>>) attributes {dimension_semantics = [#tpu.dimension_semantics<core_parallel>, #tpu.dimension_semantics<subcore_parallel>], iteration_bounds = array<i64: 2, 16>, scalar_prefetch = 0 : i64, scratch_operands = 5 : i64, tpu.core_type = #tpu.core_type<sc_vector_subcore>, window_params = [{transform_indices = #map}, {transform_indices = #map}, {transform_indices = #map1}, {transform_indices = #map1}, {transform_indices = #map1}, {transform_indices = #map1}]} {
    %mul3A = arith.constant 2 : i32
    %mul3A_0 = arith.muli %arg1, %mul3A : i32
    %add3A = arith.addi %mul3A_0, %arg0 : i32
    %mul3A_1 = arith.constant 128 : i32
    %mul3A_2 = arith.muli %add3A, %mul3A_1 : i32
    "tpu.region"() ({
      %run_scoped3A = tpu.sem_alloc : memref<!tpu.dma_semaphore, #tpu.memory_space<semaphore_mem>>
      %dma_start3A_13 = tpu.memref_slice %arg2[%mul3A_2] : memref<4096xi32, #tpu.memory_space<hbm>> -> memref<128xi32, #tpu.memory_space<hbm>>
      %dma_start3A_14 = tpu.memref_slice %arg2[%mul3A_2] : memref<4096xi32, #tpu.memory_space<hbm>> -> memref<128xi32, #tpu.memory_space<hbm>>
      tpu.enqueue_dma source(%dma_start3A_14 : memref<128xi32, #tpu.memory_space<hbm>>) target(%arg8 : memref<128xi32, #tpu.memory_space<vmem>>) target_semaphore(%run_scoped3A : memref<!tpu.dma_semaphore, #tpu.memory_space<semaphore_mem>>)
      %dma_wait3A_15 = tpu.memref_slice %arg2[%mul3A_2] : memref<4096xi32, #tpu.memory_space<hbm>> -> memref<128xi32, #tpu.memory_space<hbm>>
      %dma_wait3A_16 = tpu.memref_slice %arg2[%mul3A_2] : memref<4096xi32, #tpu.memory_space<hbm>> -> memref<128xi32, #tpu.memory_space<hbm>>
      tpu.wait_dma2 semaphore(%run_scoped3A : memref<!tpu.dma_semaphore, #tpu.memory_space<semaphore_mem>>) src(%dma_wait3A_16 : memref<128xi32, #tpu.memory_space<hbm>>) dst(%arg8 : memref<128xi32, #tpu.memory_space<vmem>>)
      tpu.yield
    }) : () -> ()
    "tpu.region"() ({
      %run_scoped3A = tpu.sem_alloc : memref<!tpu.dma_semaphore, #tpu.memory_space<semaphore_mem>>
      %dma_start3A_13 = tpu.memref_slice %arg3[%mul3A_2] : memref<4096xi32, #tpu.memory_space<hbm>> -> memref<128xi32, #tpu.memory_space<hbm>>
      %dma_start3A_14 = tpu.memref_slice %arg3[%mul3A_2] : memref<4096xi32, #tpu.memory_space<hbm>> -> memref<128xi32, #tpu.memory_space<hbm>>
      tpu.enqueue_dma source(%dma_start3A_14 : memref<128xi32, #tpu.memory_space<hbm>>) target(%arg9 : memref<128xi32, #tpu.memory_space<vmem>>) target_semaphore(%run_scoped3A : memref<!tpu.dma_semaphore, #tpu.memory_space<semaphore_mem>>)
      %dma_wait3A_15 = tpu.memref_slice %arg3[%mul3A_2] : memref<4096xi32, #tpu.memory_space<hbm>> -> memref<128xi32, #tpu.memory_space<hbm>>
      %dma_wait3A_16 = tpu.memref_slice %arg3[%mul3A_2] : memref<4096xi32, #tpu.memory_space<hbm>> -> memref<128xi32, #tpu.memory_space<hbm>>
      tpu.wait_dma2 semaphore(%run_scoped3A : memref<!tpu.dma_semaphore, #tpu.memory_space<semaphore_mem>>) src(%dma_wait3A_16 : memref<128xi32, #tpu.memory_space<hbm>>) dst(%arg9 : memref<128xi32, #tpu.memory_space<vmem>>)
      tpu.yield
    }) : () -> ()
    %dma_start3A = arith.constant 0 : i32
    %dma_start3A_3 = arith.constant 0 : i32
    %dma_start3A_4 = tpu.memref_slice %arg4[%dma_start3A, %dma_start3A_3] : memref<10000x128xf32, #tpu.memory_space<hbm>> -> memref<10000x128xf32, #tpu.memory_space<hbm>>
    tpu.enqueue_indirect_dma source(%dma_start3A_4 : memref<10000x128xf32, #tpu.memory_space<hbm>>) target(%arg10 : memref<128x128xf32, #tpu.memory_space<vmem>>) offsets(%arg8 : memref<128xi32, #tpu.memory_space<vmem>>) semaphore(%arg12 : memref<!tpu.dma_semaphore, #tpu.memory_space<semaphore_mem>>)
    %dma_start3A_5 = arith.constant 0 : i32
    %dma_start3A_6 = arith.constant 0 : i32
    %dma_start3A_7 = tpu.memref_slice %arg5[%dma_start3A_5, %dma_start3A_6] : memref<5000x128xf32, #tpu.memory_space<hbm>> -> memref<5000x128xf32, #tpu.memory_space<hbm>>
    tpu.enqueue_indirect_dma source(%dma_start3A_7 : memref<5000x128xf32, #tpu.memory_space<hbm>>) target(%arg11 : memref<128x128xf32, #tpu.memory_space<vmem>>) offsets(%arg9 : memref<128xi32, #tpu.memory_space<vmem>>) semaphore(%arg12 : memref<!tpu.dma_semaphore, #tpu.memory_space<semaphore_mem>>)
    %dma_wait3A = arith.constant 0 : i32
    %dma_wait3A_8 = arith.constant 0 : i32
    %dma_wait3A_9 = tpu.memref_slice %arg4[%dma_wait3A, %dma_wait3A_8] : memref<10000x128xf32, #tpu.memory_space<hbm>> -> memref<10000x128xf32, #tpu.memory_space<hbm>>
    tpu.wait_indirect_dma semaphore(%arg12 : memref<!tpu.dma_semaphore, #tpu.memory_space<semaphore_mem>>) src(%dma_wait3A_9 : memref<10000x128xf32, #tpu.memory_space<hbm>>) dst(%arg10 : memref<128x128xf32, #tpu.memory_space<vmem>>)
    %dma_wait3A_10 = arith.constant 0 : i32
    %dma_wait3A_11 = arith.constant 0 : i32
    %dma_wait3A_12 = tpu.memref_slice %arg5[%dma_wait3A_10, %dma_wait3A_11] : memref<5000x128xf32, #tpu.memory_space<hbm>> -> memref<5000x128xf32, #tpu.memory_space<hbm>>
    tpu.wait_indirect_dma semaphore(%arg12 : memref<!tpu.dma_semaphore, #tpu.memory_space<semaphore_mem>>) src(%dma_wait3A_12 : memref<5000x128xf32, #tpu.memory_space<hbm>>) dst(%arg11 : memref<128x128xf32, #tpu.memory_space<vmem>>)
    "tpu.region"() ({
      %run_scoped3A = tpu.sem_alloc : memref<!tpu.dma_semaphore, #tpu.memory_space<semaphore_mem>>
      %dma_start3A_13 = arith.constant 0 : i32
      %dma_start3A_14 = tpu.memref_slice %arg6[%mul3A_2, %dma_start3A_13] : memref<4096x128xf32, #tpu.memory_space<hbm>> -> memref<128x128xf32, #tpu.memory_space<hbm>>
      %dma_start3A_15 = arith.constant 0 : i32
      %dma_start3A_16 = tpu.memref_slice %arg6[%mul3A_2, %dma_start3A_15] : memref<4096x128xf32, #tpu.memory_space<hbm>> -> memref<128x128xf32, #tpu.memory_space<hbm>>
      tpu.enqueue_dma source(%arg10 : memref<128x128xf32, #tpu.memory_space<vmem>>) target(%dma_start3A_16 : memref<128x128xf32, #tpu.memory_space<hbm>>) target_semaphore(%run_scoped3A : memref<!tpu.dma_semaphore, #tpu.memory_space<semaphore_mem>>)
      %dma_wait3A_17 = arith.constant 0 : i32
      %dma_wait3A_18 = tpu.memref_slice %arg6[%mul3A_2, %dma_wait3A_17] : memref<4096x128xf32, #tpu.memory_space<hbm>> -> memref<128x128xf32, #tpu.memory_space<hbm>>
      %dma_wait3A_19 = arith.constant 0 : i32
      %dma_wait3A_20 = tpu.memref_slice %arg6[%mul3A_2, %dma_wait3A_19] : memref<4096x128xf32, #tpu.memory_space<hbm>> -> memref<128x128xf32, #tpu.memory_space<hbm>>
      tpu.wait_dma2 semaphore(%run_scoped3A : memref<!tpu.dma_semaphore, #tpu.memory_space<semaphore_mem>>) src(%arg10 : memref<128x128xf32, #tpu.memory_space<vmem>>) dst(%dma_wait3A_20 : memref<128x128xf32, #tpu.memory_space<hbm>>)
      tpu.yield
    }) : () -> ()
    "tpu.region"() ({
      %run_scoped3A = tpu.sem_alloc : memref<!tpu.dma_semaphore, #tpu.memory_space<semaphore_mem>>
      %dma_start3A_13 = arith.constant 0 : i32
      %dma_start3A_14 = tpu.memref_slice %arg7[%mul3A_2, %dma_start3A_13] : memref<4096x128xf32, #tpu.memory_space<hbm>> -> memref<128x128xf32, #tpu.memory_space<hbm>>
      %dma_start3A_15 = arith.constant 0 : i32
      %dma_start3A_16 = tpu.memref_slice %arg7[%mul3A_2, %dma_start3A_15] : memref<4096x128xf32, #tpu.memory_space<hbm>> -> memref<128x128xf32, #tpu.memory_space<hbm>>
      tpu.enqueue_dma source(%arg11 : memref<128x128xf32, #tpu.memory_space<vmem>>) target(%dma_start3A_16 : memref<128x128xf32, #tpu.memory_space<hbm>>) target_semaphore(%run_scoped3A : memref<!tpu.dma_semaphore, #tpu.memory_space<semaphore_mem>>)
      %dma_wait3A_17 = arith.constant 0 : i32
      %dma_wait3A_18 = tpu.memref_slice %arg7[%mul3A_2, %dma_wait3A_17] : memref<4096x128xf32, #tpu.memory_space<hbm>> -> memref<128x128xf32, #tpu.memory_space<hbm>>
      %dma_wait3A_19 = arith.constant 0 : i32
      %dma_wait3A_20 = tpu.memref_slice %arg7[%mul3A_2, %dma_wait3A_19] : memref<4096x128xf32, #tpu.memory_space<hbm>> -> memref<128x128xf32, #tpu.memory_space<hbm>>
      tpu.wait_dma2 semaphore(%run_scoped3A : memref<!tpu.dma_semaphore, #tpu.memory_space<semaphore_mem>>) src(%arg11 : memref<128x128xf32, #tpu.memory_space<vmem>>) dst(%dma_wait3A_20 : memref<128x128xf32, #tpu.memory_space<hbm>>)
      tpu.yield
    }) : () -> ()
    return
  }
}

#map = affine_map<(d0, d1) -> (0)>
#map1 = affine_map<(d0, d1) -> (0, 0)>
module attributes {stable_mosaic.version = 14 : i64} {
  func.func @_sc_delta_body(%arg0: i32, %arg1: i32, %arg2: memref<4096xi32, #tpu.memory_space<hbm>>, %arg3: memref<4096xi32, #tpu.memory_space<hbm>>, %arg4: memref<5001x10001xf32, #tpu.memory_space<hbm>>, %arg5: memref<4096x128xf32, #tpu.memory_space<hbm>>, %arg6: memref<128xi32, #tpu.memory_space<vmem>>, %arg7: memref<128xi32, #tpu.memory_space<vmem>>, %arg8: memref<128x128xf32, #tpu.memory_space<vmem>>, %arg9: memref<!tpu.dma_semaphore, #tpu.memory_space<semaphore_mem>>) attributes {dimension_semantics = [#tpu.dimension_semantics<core_parallel>, #tpu.dimension_semantics<subcore_parallel>], iteration_bounds = array<i64: 2, 16>, scalar_prefetch = 0 : i64, scratch_operands = 4 : i64, tpu.core_type = #tpu.core_type<sc_vector_subcore>, window_params = [{transform_indices = #map}, {transform_indices = #map}, {transform_indices = #map1}, {transform_indices = #map1}]} {
    %mul3A = arith.constant 2 : i32
    %mul3A_0 = arith.muli %arg1, %mul3A : i32
    %add3A = arith.addi %mul3A_0, %arg0 : i32
    %mul3A_1 = arith.constant 128 : i32
    %mul3A_2 = arith.muli %add3A, %mul3A_1 : i32
    "tpu.region"() ({
      %run_scoped3A = tpu.sem_alloc : memref<!tpu.dma_semaphore, #tpu.memory_space<semaphore_mem>>
      %dma_start3A = tpu.memref_slice %arg2[%mul3A_2] : memref<4096xi32, #tpu.memory_space<hbm>> -> memref<128xi32, #tpu.memory_space<hbm>>
      %dma_start3A_7 = tpu.memref_slice %arg2[%mul3A_2] : memref<4096xi32, #tpu.memory_space<hbm>> -> memref<128xi32, #tpu.memory_space<hbm>>
      tpu.enqueue_dma source(%dma_start3A_7 : memref<128xi32, #tpu.memory_space<hbm>>) target(%arg6 : memref<128xi32, #tpu.memory_space<vmem>>) target_semaphore(%run_scoped3A : memref<!tpu.dma_semaphore, #tpu.memory_space<semaphore_mem>>)
      %dma_wait3A = tpu.memref_slice %arg2[%mul3A_2] : memref<4096xi32, #tpu.memory_space<hbm>> -> memref<128xi32, #tpu.memory_space<hbm>>
      %dma_wait3A_8 = tpu.memref_slice %arg2[%mul3A_2] : memref<4096xi32, #tpu.memory_space<hbm>> -> memref<128xi32, #tpu.memory_space<hbm>>
      tpu.wait_dma2 semaphore(%run_scoped3A : memref<!tpu.dma_semaphore, #tpu.memory_space<semaphore_mem>>) src(%dma_wait3A_8 : memref<128xi32, #tpu.memory_space<hbm>>) dst(%arg6 : memref<128xi32, #tpu.memory_space<vmem>>)
      tpu.yield
    }) : () -> ()
    "tpu.region"() ({
      %run_scoped3A = tpu.sem_alloc : memref<!tpu.dma_semaphore, #tpu.memory_space<semaphore_mem>>
      %dma_start3A = tpu.memref_slice %arg3[%mul3A_2] : memref<4096xi32, #tpu.memory_space<hbm>> -> memref<128xi32, #tpu.memory_space<hbm>>
      %dma_start3A_7 = tpu.memref_slice %arg3[%mul3A_2] : memref<4096xi32, #tpu.memory_space<hbm>> -> memref<128xi32, #tpu.memory_space<hbm>>
      tpu.enqueue_dma source(%dma_start3A_7 : memref<128xi32, #tpu.memory_space<hbm>>) target(%arg7 : memref<128xi32, #tpu.memory_space<vmem>>) target_semaphore(%run_scoped3A : memref<!tpu.dma_semaphore, #tpu.memory_space<semaphore_mem>>)
      %dma_wait3A = tpu.memref_slice %arg3[%mul3A_2] : memref<4096xi32, #tpu.memory_space<hbm>> -> memref<128xi32, #tpu.memory_space<hbm>>
      %dma_wait3A_8 = tpu.memref_slice %arg3[%mul3A_2] : memref<4096xi32, #tpu.memory_space<hbm>> -> memref<128xi32, #tpu.memory_space<hbm>>
      tpu.wait_dma2 semaphore(%run_scoped3A : memref<!tpu.dma_semaphore, #tpu.memory_space<semaphore_mem>>) src(%dma_wait3A_8 : memref<128xi32, #tpu.memory_space<hbm>>) dst(%arg7 : memref<128xi32, #tpu.memory_space<vmem>>)
      tpu.yield
    }) : () -> ()
    %scan3A = arith.constant 0 : i32
    %scan3A_3 = arith.constant 8 : i32
    %scan3A_4 = arith.addi %scan3A, %scan3A_3 : i32
    %scan3A_5 = arith.constant 1 : i32
    scf.for %scan3A_7 = %scan3A to %scan3A_4 step %scan3A_5  : i32 {
      %mul3A_8 = arith.constant 1 : i32
      %mul3A_9 = arith.muli %scan3A_7, %mul3A_8 : i32
      %add3A_10 = arith.constant 0 : i32
      %add3A_11 = arith.addi %add3A_10, %mul3A_9 : i32
      %mul3A_12 = arith.constant 16 : i32
      %mul3A_13 = arith.muli %add3A_11, %mul3A_12 : i32
      %multiple_of3A = tpu.assume_multiple %mul3A_13, 16 : i32
      %get3A = arith.index_cast %multiple_of3A : i32 to index
      %get3A_14 = tpu.vector_load %arg6[%get3A] {strides = array<i32>} : memref<128xi32, #tpu.memory_space<vmem>>, vector<16xi32>,
      %get3A_15 = vector.shape_cast %get3A_14 : vector<16xi32> to vector<16xi32>
      %get3A_16 = arith.index_cast %multiple_of3A : i32 to index
      %get3A_17 = tpu.vector_load %arg7[%get3A_16] {strides = array<i32>} : memref<128xi32, #tpu.memory_space<vmem>>, vector<16xi32>,
      %get3A_18 = vector.shape_cast %get3A_17 : vector<16xi32> to vector<16xi32>
      %shift_right_arithmetic3A = arith.constant 3 : i32
      %shift_right_arithmetic3A_19 = vector.broadcast %shift_right_arithmetic3A : i32 to vector<16xi32>
      %shift_right_arithmetic3A_20 = arith.shrsi %get3A_18, %shift_right_arithmetic3A_19 : vector<16xi32>
      %shift_left3A = arith.constant 3 : i32
      %shift_left3A_21 = vector.broadcast %shift_left3A : i32 to vector<16xi32>
      %shift_left3A_22 = arith.shli %shift_right_arithmetic3A_20, %shift_left3A_21 : vector<16xi32>
      %shift_right_arithmetic3A_23 = arith.constant 7 : i32
      %shift_right_arithmetic3A_24 = vector.broadcast %shift_right_arithmetic3A_23 : i32 to vector<16xi32>
      %shift_right_arithmetic3A_25 = arith.shrsi %get3A_15, %shift_right_arithmetic3A_24 : vector<16xi32>
      %shift_left3A_26 = arith.constant 7 : i32
      %shift_left3A_27 = vector.broadcast %shift_left3A_26 : i32 to vector<16xi32>
      %shift_left3A_28 = arith.shli %shift_right_arithmetic3A_25, %shift_left3A_27 : vector<16xi32>
      %and3A = arith.constant 7 : i32
      %and3A_29 = vector.broadcast %and3A : i32 to vector<16xi32>
      %and3A_30 = arith.andi %get3A_18, %and3A_29 : vector<16xi32>
      %slice3A = vector.extract_strided_slice %shift_left3A_22 {offsets = [0], sizes = [1], strides = [1]} : vector<16xi32> to vector<1xi32>
      %squeeze3A = vector.extract %slice3A[0] : i32 from vector<1xi32>
      %multiple_of3A_31 = tpu.assume_multiple %squeeze3A, 8 : i32
      %slice3A_32 = vector.extract_strided_slice %shift_left3A_28 {offsets = [0], sizes = [1], strides = [1]} : vector<16xi32> to vector<1xi32>
      %squeeze3A_33 = vector.extract %slice3A_32[0] : i32 from vector<1xi32>
      %multiple_of3A_34 = tpu.assume_multiple %squeeze3A_33, 128 : i32
      %dma_start3A = arith.constant 0 : i32
      %dma_start3A_35 = arith.constant 0 : i32
      %dma_start3A_36 = tpu.memref_slice %arg8[%dma_start3A, %dma_start3A_35] : memref<128x128xf32, #tpu.memory_space<vmem>> -> memref<8x128xf32, #tpu.memory_space<vmem>>
      %dma_start3A_37 = tpu.memref_slice %arg4[%multiple_of3A_31, %multiple_of3A_34] : memref<5001x10001xf32, #tpu.memory_space<hbm>> -> memref<8x128xf32, #tpu.memory_space<hbm>>
      %dma_start3A_38 = arith.constant 0 : i32
      %dma_start3A_39 = arith.constant 0 : i32
      %dma_start3A_40 = tpu.memref_slice %arg8[%dma_start3A_38, %dma_start3A_39] : memref<128x128xf32, #tpu.memory_space<vmem>> -> memref<8x128xf32, #tpu.memory_space<vmem>>
      %dma_start3A_41 = tpu.memref_slice %arg4[%multiple_of3A_31, %multiple_of3A_34] : memref<5001x10001xf32, #tpu.memory_space<hbm>> -> memref<8x128xf32, #tpu.memory_space<hbm>>
      tpu.enqueue_dma source(%dma_start3A_41 : memref<8x128xf32, #tpu.memory_space<hbm>>) target(%dma_start3A_40 : memref<8x128xf32, #tpu.memory_space<vmem>>) target_semaphore(%arg9 : memref<!tpu.dma_semaphore, #tpu.memory_space<semaphore_mem>>)
      %slice3A_42 = vector.extract_strided_slice %shift_left3A_22 {offsets = [1], sizes = [1], strides = [1]} : vector<16xi32> to vector<1xi32>
      %squeeze3A_43 = vector.extract %slice3A_42[0] : i32 from vector<1xi32>
      %multiple_of3A_44 = tpu.assume_multiple %squeeze3A_43, 8 : i32
      %slice3A_45 = vector.extract_strided_slice %shift_left3A_28 {offsets = [1], sizes = [1], strides = [1]} : vector<16xi32> to vector<1xi32>
      %squeeze3A_46 = vector.extract %slice3A_45[0] : i32 from vector<1xi32>
      %multiple_of3A_47 = tpu.assume_multiple %squeeze3A_46, 128 : i32
      %dma_start3A_48 = arith.constant 8 : i32
      %dma_start3A_49 = arith.constant 0 : i32
      %dma_start3A_50 = tpu.memref_slice %arg8[%dma_start3A_48, %dma_start3A_49] : memref<128x128xf32, #tpu.memory_space<vmem>> -> memref<8x128xf32, #tpu.memory_space<vmem>>
      %dma_start3A_51 = tpu.memref_slice %arg4[%multiple_of3A_44, %multiple_of3A_47] : memref<5001x10001xf32, #tpu.memory_space<hbm>> -> memref<8x128xf32, #tpu.memory_space<hbm>>
      %dma_start3A_52 = arith.constant 8 : i32
      %dma_start3A_53 = arith.constant 0 : i32
      %dma_start3A_54 = tpu.memref_slice %arg8[%dma_start3A_52, %dma_start3A_53] : memref<128x128xf32, #tpu.memory_space<vmem>> -> memref<8x128xf32, #tpu.memory_space<vmem>>
      %dma_start3A_55 = tpu.memref_slice %arg4[%multiple_of3A_44, %multiple_of3A_47] : memref<5001x10001xf32, #tpu.memory_space<hbm>> -> memref<8x128xf32, #tpu.memory_space<hbm>>
      tpu.enqueue_dma source(%dma_start3A_55 : memref<8x128xf32, #tpu.memory_space<hbm>>) target(%dma_start3A_54 : memref<8x128xf32, #tpu.memory_space<vmem>>) target_semaphore(%arg9 : memref<!tpu.dma_semaphore, #tpu.memory_space<semaphore_mem>>)
      %slice3A_56 = vector.extract_strided_slice %shift_left3A_22 {offsets = [2], sizes = [1], strides = [1]} : vector<16xi32> to vector<1xi32>
      %squeeze3A_57 = vector.extract %slice3A_56[0] : i32 from vector<1xi32>
      %multiple_of3A_58 = tpu.assume_multiple %squeeze3A_57, 8 : i32
      %slice3A_59 = vector.extract_strided_slice %shift_left3A_28 {offsets = [2], sizes = [1], strides = [1]} : vector<16xi32> to vector<1xi32>
      %squeeze3A_60 = vector.extract %slice3A_59[0] : i32 from vector<1xi32>
      %multiple_of3A_61 = tpu.assume_multiple %squeeze3A_60, 128 : i32
      %dma_start3A_62 = arith.constant 16 : i32
      %dma_start3A_63 = arith.constant 0 : i32
      %dma_start3A_64 = tpu.memref_slice %arg8[%dma_start3A_62, %dma_start3A_63] : memref<128x128xf32, #tpu.memory_space<vmem>> -> memref<8x128xf32, #tpu.memory_space<vmem>>
      %dma_start3A_65 = tpu.memref_slice %arg4[%multiple_of3A_58, %multiple_of3A_61] : memref<5001x10001xf32, #tpu.memory_space<hbm>> -> memref<8x128xf32, #tpu.memory_space<hbm>>
      %dma_start3A_66 = arith.constant 16 : i32
      %dma_start3A_67 = arith.constant 0 : i32
      %dma_start3A_68 = tpu.memref_slice %arg8[%dma_start3A_66, %dma_start3A_67] : memref<128x128xf32, #tpu.memory_space<vmem>> -> memref<8x128xf32, #tpu.memory_space<vmem>>
      %dma_start3A_69 = tpu.memref_slice %arg4[%multiple_of3A_58, %multiple_of3A_61] : memref<5001x10001xf32, #tpu.memory_space<hbm>> -> memref<8x128xf32, #tpu.memory_space<hbm>>
      tpu.enqueue_dma source(%dma_start3A_69 : memref<8x128xf32, #tpu.memory_space<hbm>>) target(%dma_start3A_68 : memref<8x128xf32, #tpu.memory_space<vmem>>) target_semaphore(%arg9 : memref<!tpu.dma_semaphore, #tpu.memory_space<semaphore_mem>>)
      %slice3A_70 = vector.extract_strided_slice %shift_left3A_22 {offsets = [3], sizes = [1], strides = [1]} : vector<16xi32> to vector<1xi32>
      %squeeze3A_71 = vector.extract %slice3A_70[0] : i32 from vector<1xi32>
      %multiple_of3A_72 = tpu.assume_multiple %squeeze3A_71, 8 : i32
      %slice3A_73 = vector.extract_strided_slice %shift_left3A_28 {offsets = [3], sizes = [1], strides = [1]} : vector<16xi32> to vector<1xi32>
      %squeeze3A_74 = vector.extract %slice3A_73[0] : i32 from vector<1xi32>
      %multiple_of3A_75 = tpu.assume_multiple %squeeze3A_74, 128 : i32
      %dma_start3A_76 = arith.constant 24 : i32
      %dma_start3A_77 = arith.constant 0 : i32
      %dma_start3A_78 = tpu.memref_slice %arg8[%dma_start3A_76, %dma_start3A_77] : memref<128x128xf32, #tpu.memory_space<vmem>> -> memref<8x128xf32, #tpu.memory_space<vmem>>
      %dma_start3A_79 = tpu.memref_slice %arg4[%multiple_of3A_72, %multiple_of3A_75] : memref<5001x10001xf32, #tpu.memory_space<hbm>> -> memref<8x128xf32, #tpu.memory_space<hbm>>
      %dma_start3A_80 = arith.constant 24 : i32
      %dma_start3A_81 = arith.constant 0 : i32
      %dma_start3A_82 = tpu.memref_slice %arg8[%dma_start3A_80, %dma_start3A_81] : memref<128x128xf32, #tpu.memory_space<vmem>> -> memref<8x128xf32, #tpu.memory_space<vmem>>
      %dma_start3A_83 = tpu.memref_slice %arg4[%multiple_of3A_72, %multiple_of3A_75] : memref<5001x10001xf32, #tpu.memory_space<hbm>> -> memref<8x128xf32, #tpu.memory_space<hbm>>
      tpu.enqueue_dma source(%dma_start3A_83 : memref<8x128xf32, #tpu.memory_space<hbm>>) target(%dma_start3A_82 : memref<8x128xf32, #tpu.memory_space<vmem>>) target_semaphore(%arg9 : memref<!tpu.dma_semaphore, #tpu.memory_space<semaphore_mem>>)
      %slice3A_84 = vector.extract_strided_slice %shift_left3A_22 {offsets = [4], sizes = [1], strides = [1]} : vector<16xi32> to vector<1xi32>
      %squeeze3A_85 = vector.extract %slice3A_84[0] : i32 from vector<1xi32>
      %multiple_of3A_86 = tpu.assume_multiple %squeeze3A_85, 8 : i32
      %slice3A_87 = vector.extract_strided_slice %shift_left3A_28 {offsets = [4], sizes = [1], strides = [1]} : vector<16xi32> to vector<1xi32>
      %squeeze3A_88 = vector.extract %slice3A_87[0] : i32 from vector<1xi32>
      %multiple_of3A_89 = tpu.assume_multiple %squeeze3A_88, 128 : i32
      %dma_start3A_90 = arith.constant 32 : i32
      %dma_start3A_91 = arith.constant 0 : i32
      %dma_start3A_92 = tpu.memref_slice %arg8[%dma_start3A_90, %dma_start3A_91] : memref<128x128xf32, #tpu.memory_space<vmem>> -> memref<8x128xf32, #tpu.memory_space<vmem>>
      %dma_start3A_93 = tpu.memref_slice %arg4[%multiple_of3A_86, %multiple_of3A_89] : memref<5001x10001xf32, #tpu.memory_space<hbm>> -> memref<8x128xf32, #tpu.memory_space<hbm>>
      %dma_start3A_94 = arith.constant 32 : i32
      %dma_start3A_95 = arith.constant 0 : i32
      %dma_start3A_96 = tpu.memref_slice %arg8[%dma_start3A_94, %dma_start3A_95] : memref<128x128xf32, #tpu.memory_space<vmem>> -> memref<8x128xf32, #tpu.memory_space<vmem>>
      %dma_start3A_97 = tpu.memref_slice %arg4[%multiple_of3A_86, %multiple_of3A_89] : memref<5001x10001xf32, #tpu.memory_space<hbm>> -> memref<8x128xf32, #tpu.memory_space<hbm>>
      tpu.enqueue_dma source(%dma_start3A_97 : memref<8x128xf32, #tpu.memory_space<hbm>>) target(%dma_start3A_96 : memref<8x128xf32, #tpu.memory_space<vmem>>) target_semaphore(%arg9 : memref<!tpu.dma_semaphore, #tpu.memory_space<semaphore_mem>>)
      %slice3A_98 = vector.extract_strided_slice %shift_left3A_22 {offsets = [5], sizes = [1], strides = [1]} : vector<16xi32> to vector<1xi32>
      %squeeze3A_99 = vector.extract %slice3A_98[0] : i32 from vector<1xi32>
      %multiple_of3A_100 = tpu.assume_multiple %squeeze3A_99, 8 : i32
      %slice3A_101 = vector.extract_strided_slice %shift_left3A_28 {offsets = [5], sizes = [1], strides = [1]} : vector<16xi32> to vector<1xi32>
      %squeeze3A_102 = vector.extract %slice3A_101[0] : i32 from vector<1xi32>
      %multiple_of3A_103 = tpu.assume_multiple %squeeze3A_102, 128 : i32
      %dma_start3A_104 = arith.constant 40 : i32
      %dma_start3A_105 = arith.constant 0 : i32
      %dma_start3A_106 = tpu.memref_slice %arg8[%dma_start3A_104, %dma_start3A_105] : memref<128x128xf32, #tpu.memory_space<vmem>> -> memref<8x128xf32, #tpu.memory_space<vmem>>
      %dma_start3A_107 = tpu.memref_slice %arg4[%multiple_of3A_100, %multiple_of3A_103] : memref<5001x10001xf32, #tpu.memory_space<hbm>> -> memref<8x128xf32, #tpu.memory_space<hbm>>
      %dma_start3A_108 = arith.constant 40 : i32
      %dma_start3A_109 = arith.constant 0 : i32
      %dma_start3A_110 = tpu.memref_slice %arg8[%dma_start3A_108, %dma_start3A_109] : memref<128x128xf32, #tpu.memory_space<vmem>> -> memref<8x128xf32, #tpu.memory_space<vmem>>
      %dma_start3A_111 = tpu.memref_slice %arg4[%multiple_of3A_100, %multiple_of3A_103] : memref<5001x10001xf32, #tpu.memory_space<hbm>> -> memref<8x128xf32, #tpu.memory_space<hbm>>
      tpu.enqueue_dma source(%dma_start3A_111 : memref<8x128xf32, #tpu.memory_space<hbm>>) target(%dma_start3A_110 : memref<8x128xf32, #tpu.memory_space<vmem>>) target_semaphore(%arg9 : memref<!tpu.dma_semaphore, #tpu.memory_space<semaphore_mem>>)
      %slice3A_112 = vector.extract_strided_slice %shift_left3A_22 {offsets = [6], sizes = [1], strides = [1]} : vector<16xi32> to vector<1xi32>
      %squeeze3A_113 = vector.extract %slice3A_112[0] : i32 from vector<1xi32>
      %multiple_of3A_114 = tpu.assume_multiple %squeeze3A_113, 8 : i32
      %slice3A_115 = vector.extract_strided_slice %shift_left3A_28 {offsets = [6], sizes = [1], strides = [1]} : vector<16xi32> to vector<1xi32>
      %squeeze3A_116 = vector.extract %slice3A_115[0] : i32 from vector<1xi32>
      %multiple_of3A_117 = tpu.assume_multiple %squeeze3A_116, 128 : i32
      %dma_start3A_118 = arith.constant 48 : i32
      %dma_start3A_119 = arith.constant 0 : i32
      %dma_start3A_120 = tpu.memref_slice %arg8[%dma_start3A_118, %dma_start3A_119] : memref<128x128xf32, #tpu.memory_space<vmem>> -> memref<8x128xf32, #tpu.memory_space<vmem>>
      %dma_start3A_121 = tpu.memref_slice %arg4[%multiple_of3A_114, %multiple_of3A_117] : memref<5001x10001xf32, #tpu.memory_space<hbm>> -> memref<8x128xf32, #tpu.memory_space<hbm>>
      %dma_start3A_122 = arith.constant 48 : i32
      %dma_start3A_123 = arith.constant 0 : i32
      %dma_start3A_124 = tpu.memref_slice %arg8[%dma_start3A_122, %dma_start3A_123] : memref<128x128xf32, #tpu.memory_space<vmem>> -> memref<8x128xf32, #tpu.memory_space<vmem>>
      %dma_start3A_125 = tpu.memref_slice %arg4[%multiple_of3A_114, %multiple_of3A_117] : memref<5001x10001xf32, #tpu.memory_space<hbm>> -> memref<8x128xf32, #tpu.memory_space<hbm>>
      tpu.enqueue_dma source(%dma_start3A_125 : memref<8x128xf32, #tpu.memory_space<hbm>>) target(%dma_start3A_124 : memref<8x128xf32, #tpu.memory_space<vmem>>) target_semaphore(%arg9 : memref<!tpu.dma_semaphore, #tpu.memory_space<semaphore_mem>>)
      %slice3A_126 = vector.extract_strided_slice %shift_left3A_22 {offsets = [7], sizes = [1], strides = [1]} : vector<16xi32> to vector<1xi32>
      %squeeze3A_127 = vector.extract %slice3A_126[0] : i32 from vector<1xi32>
      %multiple_of3A_128 = tpu.assume_multiple %squeeze3A_127, 8 : i32
      %slice3A_129 = vector.extract_strided_slice %shift_left3A_28 {offsets = [7], sizes = [1], strides = [1]} : vector<16xi32> to vector<1xi32>
      %squeeze3A_130 = vector.extract %slice3A_129[0] : i32 from vector<1xi32>
      %multiple_of3A_131 = tpu.assume_multiple %squeeze3A_130, 128 : i32
      %dma_start3A_132 = arith.constant 56 : i32
      %dma_start3A_133 = arith.constant 0 : i32
      %dma_start3A_134 = tpu.memref_slice %arg8[%dma_start3A_132, %dma_start3A_133] : memref<128x128xf32, #tpu.memory_space<vmem>> -> memref<8x128xf32, #tpu.memory_space<vmem>>
      %dma_start3A_135 = tpu.memref_slice %arg4[%multiple_of3A_128, %multiple_of3A_131] : memref<5001x10001xf32, #tpu.memory_space<hbm>> -> memref<8x128xf32, #tpu.memory_space<hbm>>
      %dma_start3A_136 = arith.constant 56 : i32
      %dma_start3A_137 = arith.constant 0 : i32
      %dma_start3A_138 = tpu.memref_slice %arg8[%dma_start3A_136, %dma_start3A_137] : memref<128x128xf32, #tpu.memory_space<vmem>> -> memref<8x128xf32, #tpu.memory_space<vmem>>
      %dma_start3A_139 = tpu.memref_slice %arg4[%multiple_of3A_128, %multiple_of3A_131] : memref<5001x10001xf32, #tpu.memory_space<hbm>> -> memref<8x128xf32, #tpu.memory_space<hbm>>
      tpu.enqueue_dma source(%dma_start3A_139 : memref<8x128xf32, #tpu.memory_space<hbm>>) target(%dma_start3A_138 : memref<8x128xf32, #tpu.memory_space<vmem>>) target_semaphore(%arg9 : memref<!tpu.dma_semaphore, #tpu.memory_space<semaphore_mem>>)
      %slice3A_140 = vector.extract_strided_slice %shift_left3A_22 {offsets = [8], sizes = [1], strides = [1]} : vector<16xi32> to vector<1xi32>
      %squeeze3A_141 = vector.extract %slice3A_140[0] : i32 from vector<1xi32>
      %multiple_of3A_142 = tpu.assume_multiple %squeeze3A_141, 8 : i32
      %slice3A_143 = vector.extract_strided_slice %shift_left3A_28 {offsets = [8], sizes = [1], strides = [1]} : vector<16xi32> to vector<1xi32>
      %squeeze3A_144 = vector.extract %slice3A_143[0] : i32 from vector<1xi32>
      %multiple_of3A_145 = tpu.assume_multiple %squeeze3A_144, 128 : i32
      %dma_start3A_146 = arith.constant 64 : i32
      %dma_start3A_147 = arith.constant 0 : i32
      %dma_start3A_148 = tpu.memref_slice %arg8[%dma_start3A_146, %dma_start3A_147] : memref<128x128xf32, #tpu.memory_space<vmem>> -> memref<8x128xf32, #tpu.memory_space<vmem>>
      %dma_start3A_149 = tpu.memref_slice %arg4[%multiple_of3A_142, %multiple_of3A_145] : memref<5001x10001xf32, #tpu.memory_space<hbm>> -> memref<8x128xf32, #tpu.memory_space<hbm>>
      %dma_start3A_150 = arith.constant 64 : i32
      %dma_start3A_151 = arith.constant 0 : i32
      %dma_start3A_152 = tpu.memref_slice %arg8[%dma_start3A_150, %dma_start3A_151] : memref<128x128xf32, #tpu.memory_space<vmem>> -> memref<8x128xf32, #tpu.memory_space<vmem>>
      %dma_start3A_153 = tpu.memref_slice %arg4[%multiple_of3A_142, %multiple_of3A_145] : memref<5001x10001xf32, #tpu.memory_space<hbm>> -> memref<8x128xf32, #tpu.memory_space<hbm>>
      tpu.enqueue_dma source(%dma_start3A_153 : memref<8x128xf32, #tpu.memory_space<hbm>>) target(%dma_start3A_152 : memref<8x128xf32, #tpu.memory_space<vmem>>) target_semaphore(%arg9 : memref<!tpu.dma_semaphore, #tpu.memory_space<semaphore_mem>>)
      %slice3A_154 = vector.extract_strided_slice %shift_left3A_22 {offsets = [9], sizes = [1], strides = [1]} : vector<16xi32> to vector<1xi32>
      %squeeze3A_155 = vector.extract %slice3A_154[0] : i32 from vector<1xi32>
      %multiple_of3A_156 = tpu.assume_multiple %squeeze3A_155, 8 : i32
      %slice3A_157 = vector.extract_strided_slice %shift_left3A_28 {offsets = [9], sizes = [1], strides = [1]} : vector<16xi32> to vector<1xi32>
      %squeeze3A_158 = vector.extract %slice3A_157[0] : i32 from vector<1xi32>
      %multiple_of3A_159 = tpu.assume_multiple %squeeze3A_158, 128 : i32
      %dma_start3A_160 = arith.constant 72 : i32
      %dma_start3A_161 = arith.constant 0 : i32
      %dma_start3A_162 = tpu.memref_slice %arg8[%dma_start3A_160, %dma_start3A_161] : memref<128x128xf32, #tpu.memory_space<vmem>> -> memref<8x128xf32, #tpu.memory_space<vmem>>
      %dma_start3A_163 = tpu.memref_slice %arg4[%multiple_of3A_156, %multiple_of3A_159] : memref<5001x10001xf32, #tpu.memory_space<hbm>> -> memref<8x128xf32, #tpu.memory_space<hbm>>
      %dma_start3A_164 = arith.constant 72 : i32
      %dma_start3A_165 = arith.constant 0 : i32
      %dma_start3A_166 = tpu.memref_slice %arg8[%dma_start3A_164, %dma_start3A_165] : memref<128x128xf32, #tpu.memory_space<vmem>> -> memref<8x128xf32, #tpu.memory_space<vmem>>
      %dma_start3A_167 = tpu.memref_slice %arg4[%multiple_of3A_156, %multiple_of3A_159] : memref<5001x10001xf32, #tpu.memory_space<hbm>> -> memref<8x128xf32, #tpu.memory_space<hbm>>
      tpu.enqueue_dma source(%dma_start3A_167 : memref<8x128xf32, #tpu.memory_space<hbm>>) target(%dma_start3A_166 : memref<8x128xf32, #tpu.memory_space<vmem>>) target_semaphore(%arg9 : memref<!tpu.dma_semaphore, #tpu.memory_space<semaphore_mem>>)
      %slice3A_168 = vector.extract_strided_slice %shift_left3A_22 {offsets = [10], sizes = [1], strides = [1]} : vector<16xi32> to vector<1xi32>
      %squeeze3A_169 = vector.extract %slice3A_168[0] : i32 from vector<1xi32>
      %multiple_of3A_170 = tpu.assume_multiple %squeeze3A_169, 8 : i32
      %slice3A_171 = vector.extract_strided_slice %shift_left3A_28 {offsets = [10], sizes = [1], strides = [1]} : vector<16xi32> to vector<1xi32>
      %squeeze3A_172 = vector.extract %slice3A_171[0] : i32 from vector<1xi32>
      %multiple_of3A_173 = tpu.assume_multiple %squeeze3A_172, 128 : i32
      %dma_start3A_174 = arith.constant 80 : i32
      %dma_start3A_175 = arith.constant 0 : i32
      %dma_start3A_176 = tpu.memref_slice %arg8[%dma_start3A_174, %dma_start3A_175] : memref<128x128xf32, #tpu.memory_space<vmem>> -> memref<8x128xf32, #tpu.memory_space<vmem>>
      %dma_start3A_177 = tpu.memref_slice %arg4[%multiple_of3A_170, %multiple_of3A_173] : memref<5001x10001xf32, #tpu.memory_space<hbm>> -> memref<8x128xf32, #tpu.memory_space<hbm>>
      %dma_start3A_178 = arith.constant 80 : i32
      %dma_start3A_179 = arith.constant 0 : i32
      %dma_start3A_180 = tpu.memref_slice %arg8[%dma_start3A_178, %dma_start3A_179] : memref<128x128xf32, #tpu.memory_space<vmem>> -> memref<8x128xf32, #tpu.memory_space<vmem>>
      %dma_start3A_181 = tpu.memref_slice %arg4[%multiple_of3A_170, %multiple_of3A_173] : memref<5001x10001xf32, #tpu.memory_space<hbm>> -> memref<8x128xf32, #tpu.memory_space<hbm>>
      tpu.enqueue_dma source(%dma_start3A_181 : memref<8x128xf32, #tpu.memory_space<hbm>>) target(%dma_start3A_180 : memref<8x128xf32, #tpu.memory_space<vmem>>) target_semaphore(%arg9 : memref<!tpu.dma_semaphore, #tpu.memory_space<semaphore_mem>>)
      %slice3A_182 = vector.extract_strided_slice %shift_left3A_22 {offsets = [11], sizes = [1], strides = [1]} : vector<16xi32> to vector<1xi32>
      %squeeze3A_183 = vector.extract %slice3A_182[0] : i32 from vector<1xi32>
      %multiple_of3A_184 = tpu.assume_multiple %squeeze3A_183, 8 : i32
      %slice3A_185 = vector.extract_strided_slice %shift_left3A_28 {offsets = [11], sizes = [1], strides = [1]} : vector<16xi32> to vector<1xi32>
      %squeeze3A_186 = vector.extract %slice3A_185[0] : i32 from vector<1xi32>
      %multiple_of3A_187 = tpu.assume_multiple %squeeze3A_186, 128 : i32
      %dma_start3A_188 = arith.constant 88 : i32
      %dma_start3A_189 = arith.constant 0 : i32
      %dma_start3A_190 = tpu.memref_slice %arg8[%dma_start3A_188, %dma_start3A_189] : memref<128x128xf32, #tpu.memory_space<vmem>> -> memref<8x128xf32, #tpu.memory_space<vmem>>
      %dma_start3A_191 = tpu.memref_slice %arg4[%multiple_of3A_184, %multiple_of3A_187] : memref<5001x10001xf32, #tpu.memory_space<hbm>> -> memref<8x128xf32, #tpu.memory_space<hbm>>
      %dma_start3A_192 = arith.constant 88 : i32
      %dma_start3A_193 = arith.constant 0 : i32
      %dma_start3A_194 = tpu.memref_slice %arg8[%dma_start3A_192, %dma_start3A_193] : memref<128x128xf32, #tpu.memory_space<vmem>> -> memref<8x128xf32, #tpu.memory_space<vmem>>
      %dma_start3A_195 = tpu.memref_slice %arg4[%multiple_of3A_184, %multiple_of3A_187] : memref<5001x10001xf32, #tpu.memory_space<hbm>> -> memref<8x128xf32, #tpu.memory_space<hbm>>
      tpu.enqueue_dma source(%dma_start3A_195 : memref<8x128xf32, #tpu.memory_space<hbm>>) target(%dma_start3A_194 : memref<8x128xf32, #tpu.memory_space<vmem>>) target_semaphore(%arg9 : memref<!tpu.dma_semaphore, #tpu.memory_space<semaphore_mem>>)
      %slice3A_196 = vector.extract_strided_slice %shift_left3A_22 {offsets = [12], sizes = [1], strides = [1]} : vector<16xi32> to vector<1xi32>
      %squeeze3A_197 = vector.extract %slice3A_196[0] : i32 from vector<1xi32>
      %multiple_of3A_198 = tpu.assume_multiple %squeeze3A_197, 8 : i32
      %slice3A_199 = vector.extract_strided_slice %shift_left3A_28 {offsets = [12], sizes = [1], strides = [1]} : vector<16xi32> to vector<1xi32>
      %squeeze3A_200 = vector.extract %slice3A_199[0] : i32 from vector<1xi32>
      %multiple_of3A_201 = tpu.assume_multiple %squeeze3A_200, 128 : i32
      %dma_start3A_202 = arith.constant 96 : i32
      %dma_start3A_203 = arith.constant 0 : i32
      %dma_start3A_204 = tpu.memref_slice %arg8[%dma_start3A_202, %dma_start3A_203] : memref<128x128xf32, #tpu.memory_space<vmem>> -> memref<8x128xf32, #tpu.memory_space<vmem>>
      %dma_start3A_205 = tpu.memref_slice %arg4[%multiple_of3A_198, %multiple_of3A_201] : memref<5001x10001xf32, #tpu.memory_space<hbm>> -> memref<8x128xf32, #tpu.memory_space<hbm>>
      %dma_start3A_206 = arith.constant 96 : i32
      %dma_start3A_207 = arith.constant 0 : i32
      %dma_start3A_208 = tpu.memref_slice %arg8[%dma_start3A_206, %dma_start3A_207] : memref<128x128xf32, #tpu.memory_space<vmem>> -> memref<8x128xf32, #tpu.memory_space<vmem>>
      %dma_start3A_209 = tpu.memref_slice %arg4[%multiple_of3A_198, %multiple_of3A_201] : memref<5001x10001xf32, #tpu.memory_space<hbm>> -> memref<8x128xf32, #tpu.memory_space<hbm>>
      tpu.enqueue_dma source(%dma_start3A_209 : memref<8x128xf32, #tpu.memory_space<hbm>>) target(%dma_start3A_208 : memref<8x128xf32, #tpu.memory_space<vmem>>) target_semaphore(%arg9 : memref<!tpu.dma_semaphore, #tpu.memory_space<semaphore_mem>>)
      %slice3A_210 = vector.extract_strided_slice %shift_left3A_22 {offsets = [13], sizes = [1], strides = [1]} : vector<16xi32> to vector<1xi32>
      %squeeze3A_211 = vector.extract %slice3A_210[0] : i32 from vector<1xi32>
      %multiple_of3A_212 = tpu.assume_multiple %squeeze3A_211, 8 : i32
      %slice3A_213 = vector.extract_strided_slice %shift_left3A_28 {offsets = [13], sizes = [1], strides = [1]} : vector<16xi32> to vector<1xi32>
      %squeeze3A_214 = vector.extract %slice3A_213[0] : i32 from vector<1xi32>
      %multiple_of3A_215 = tpu.assume_multiple %squeeze3A_214, 128 : i32
      %dma_start3A_216 = arith.constant 104 : i32
      %dma_start3A_217 = arith.constant 0 : i32
      %dma_start3A_218 = tpu.memref_slice %arg8[%dma_start3A_216, %dma_start3A_217] : memref<128x128xf32, #tpu.memory_space<vmem>> -> memref<8x128xf32, #tpu.memory_space<vmem>>
      %dma_start3A_219 = tpu.memref_slice %arg4[%multiple_of3A_212, %multiple_of3A_215] : memref<5001x10001xf32, #tpu.memory_space<hbm>> -> memref<8x128xf32, #tpu.memory_space<hbm>>
      %dma_start3A_220 = arith.constant 104 : i32
      %dma_start3A_221 = arith.constant 0 : i32
      %dma_start3A_222 = tpu.memref_slice %arg8[%dma_start3A_220, %dma_start3A_221] : memref<128x128xf32, #tpu.memory_space<vmem>> -> memref<8x128xf32, #tpu.memory_space<vmem>>
      %dma_start3A_223 = tpu.memref_slice %arg4[%multiple_of3A_212, %multiple_of3A_215] : memref<5001x10001xf32, #tpu.memory_space<hbm>> -> memref<8x128xf32, #tpu.memory_space<hbm>>
      tpu.enqueue_dma source(%dma_start3A_223 : memref<8x128xf32, #tpu.memory_space<hbm>>) target(%dma_start3A_222 : memref<8x128xf32, #tpu.memory_space<vmem>>) target_semaphore(%arg9 : memref<!tpu.dma_semaphore, #tpu.memory_space<semaphore_mem>>)
      %slice3A_224 = vector.extract_strided_slice %shift_left3A_22 {offsets = [14], sizes = [1], strides = [1]} : vector<16xi32> to vector<1xi32>
      %squeeze3A_225 = vector.extract %slice3A_224[0] : i32 from vector<1xi32>
      %multiple_of3A_226 = tpu.assume_multiple %squeeze3A_225, 8 : i32
      %slice3A_227 = vector.extract_strided_slice %shift_left3A_28 {offsets = [14], sizes = [1], strides = [1]} : vector<16xi32> to vector<1xi32>
      %squeeze3A_228 = vector.extract %slice3A_227[0] : i32 from vector<1xi32>
      %multiple_of3A_229 = tpu.assume_multiple %squeeze3A_228, 128 : i32
      %dma_start3A_230 = arith.constant 112 : i32
      %dma_start3A_231 = arith.constant 0 : i32
      %dma_start3A_232 = tpu.memref_slice %arg8[%dma_start3A_230, %dma_start3A_231] : memref<128x128xf32, #tpu.memory_space<vmem>> -> memref<8x128xf32, #tpu.memory_space<vmem>>
      %dma_start3A_233 = tpu.memref_slice %arg4[%multiple_of3A_226, %multiple_of3A_229] : memref<5001x10001xf32, #tpu.memory_space<hbm>> -> memref<8x128xf32, #tpu.memory_space<hbm>>
      %dma_start3A_234 = arith.constant 112 : i32
      %dma_start3A_235 = arith.constant 0 : i32
      %dma_start3A_236 = tpu.memref_slice %arg8[%dma_start3A_234, %dma_start3A_235] : memref<128x128xf32, #tpu.memory_space<vmem>> -> memref<8x128xf32, #tpu.memory_space<vmem>>
      %dma_start3A_237 = tpu.memref_slice %arg4[%multiple_of3A_226, %multiple_of3A_229] : memref<5001x10001xf32, #tpu.memory_space<hbm>> -> memref<8x128xf32, #tpu.memory_space<hbm>>
      tpu.enqueue_dma source(%dma_start3A_237 : memref<8x128xf32, #tpu.memory_space<hbm>>) target(%dma_start3A_236 : memref<8x128xf32, #tpu.memory_space<vmem>>) target_semaphore(%arg9 : memref<!tpu.dma_semaphore, #tpu.memory_space<semaphore_mem>>)
      %slice3A_238 = vector.extract_strided_slice %shift_left3A_22 {offsets = [15], sizes = [1], strides = [1]} : vector<16xi32> to vector<1xi32>
      %squeeze3A_239 = vector.extract %slice3A_238[0] : i32 from vector<1xi32>
      %multiple_of3A_240 = tpu.assume_multiple %squeeze3A_239, 8 : i32
      %slice3A_241 = vector.extract_strided_slice %shift_left3A_28 {offsets = [15], sizes = [1], strides = [1]} : vector<16xi32> to vector<1xi32>
      %squeeze3A_242 = vector.extract %slice3A_241[0] : i32 from vector<1xi32>
      %multiple_of3A_243 = tpu.assume_multiple %squeeze3A_242, 128 : i32
      %dma_start3A_244 = arith.constant 120 : i32
      %dma_start3A_245 = arith.constant 0 : i32
      %dma_start3A_246 = tpu.memref_slice %arg8[%dma_start3A_244, %dma_start3A_245] : memref<128x128xf32, #tpu.memory_space<vmem>> -> memref<8x128xf32, #tpu.memory_space<vmem>>
      %dma_start3A_247 = tpu.memref_slice %arg4[%multiple_of3A_240, %multiple_of3A_243] : memref<5001x10001xf32, #tpu.memory_space<hbm>> -> memref<8x128xf32, #tpu.memory_space<hbm>>
      %dma_start3A_248 = arith.constant 120 : i32
      %dma_start3A_249 = arith.constant 0 : i32
      %dma_start3A_250 = tpu.memref_slice %arg8[%dma_start3A_248, %dma_start3A_249] : memref<128x128xf32, #tpu.memory_space<vmem>> -> memref<8x128xf32, #tpu.memory_space<vmem>>
      %dma_start3A_251 = tpu.memref_slice %arg4[%multiple_of3A_240, %multiple_of3A_243] : memref<5001x10001xf32, #tpu.memory_space<hbm>> -> memref<8x128xf32, #tpu.memory_space<hbm>>
      tpu.enqueue_dma source(%dma_start3A_251 : memref<8x128xf32, #tpu.memory_space<hbm>>) target(%dma_start3A_250 : memref<8x128xf32, #tpu.memory_space<vmem>>) target_semaphore(%arg9 : memref<!tpu.dma_semaphore, #tpu.memory_space<semaphore_mem>>)
      %dma_wait3A = arith.constant 0 : i32
      %dma_wait3A_252 = arith.constant 0 : i32
      %dma_wait3A_253 = tpu.memref_slice %arg8[%dma_wait3A, %dma_wait3A_252] : memref<128x128xf32, #tpu.memory_space<vmem>> -> memref<8x128xf32, #tpu.memory_space<vmem>>
      %dma_wait3A_254 = tpu.memref_slice %arg4[%multiple_of3A_31, %multiple_of3A_34] : memref<5001x10001xf32, #tpu.memory_space<hbm>> -> memref<8x128xf32, #tpu.memory_space<hbm>>
      %dma_wait3A_255 = arith.constant 0 : i32
      %dma_wait3A_256 = arith.constant 0 : i32
      %dma_wait3A_257 = tpu.memref_slice %arg8[%dma_wait3A_255, %dma_wait3A_256] : memref<128x128xf32, #tpu.memory_space<vmem>> -> memref<8x128xf32, #tpu.memory_space<vmem>>
      %dma_wait3A_258 = tpu.memref_slice %arg4[%multiple_of3A_31, %multiple_of3A_34] : memref<5001x10001xf32, #tpu.memory_space<hbm>> -> memref<8x128xf32, #tpu.memory_space<hbm>>
      tpu.wait_dma2 semaphore(%arg9 : memref<!tpu.dma_semaphore, #tpu.memory_space<semaphore_mem>>) src(%dma_wait3A_258 : memref<8x128xf32, #tpu.memory_space<hbm>>) dst(%dma_wait3A_257 : memref<8x128xf32, #tpu.memory_space<vmem>>)
      %dma_wait3A_259 = arith.constant 8 : i32
      %dma_wait3A_260 = arith.constant 0 : i32
      %dma_wait3A_261 = tpu.memref_slice %arg8[%dma_wait3A_259, %dma_wait3A_260] : memref<128x128xf32, #tpu.memory_space<vmem>> -> memref<8x128xf32, #tpu.memory_space<vmem>>
      %dma_wait3A_262 = tpu.memref_slice %arg4[%multiple_of3A_44, %multiple_of3A_47] : memref<5001x10001xf32, #tpu.memory_space<hbm>> -> memref<8x128xf32, #tpu.memory_space<hbm>>
      %dma_wait3A_263 = arith.constant 8 : i32
      %dma_wait3A_264 = arith.constant 0 : i32
      %dma_wait3A_265 = tpu.memref_slice %arg8[%dma_wait3A_263, %dma_wait3A_264] : memref<128x128xf32, #tpu.memory_space<vmem>> -> memref<8x128xf32, #tpu.memory_space<vmem>>
      %dma_wait3A_266 = tpu.memref_slice %arg4[%multiple_of3A_44, %multiple_of3A_47] : memref<5001x10001xf32, #tpu.memory_space<hbm>> -> memref<8x128xf32, #tpu.memory_space<hbm>>
      tpu.wait_dma2 semaphore(%arg9 : memref<!tpu.dma_semaphore, #tpu.memory_space<semaphore_mem>>) src(%dma_wait3A_266 : memref<8x128xf32, #tpu.memory_space<hbm>>) dst(%dma_wait3A_265 : memref<8x128xf32, #tpu.memory_space<vmem>>)
      %dma_wait3A_267 = arith.constant 16 : i32
      %dma_wait3A_268 = arith.constant 0 : i32
      %dma_wait3A_269 = tpu.memref_slice %arg8[%dma_wait3A_267, %dma_wait3A_268] : memref<128x128xf32, #tpu.memory_space<vmem>> -> memref<8x128xf32, #tpu.memory_space<vmem>>
      %dma_wait3A_270 = tpu.memref_slice %arg4[%multiple_of3A_58, %multiple_of3A_61] : memref<5001x10001xf32, #tpu.memory_space<hbm>> -> memref<8x128xf32, #tpu.memory_space<hbm>>
      %dma_wait3A_271 = arith.constant 16 : i32
      %dma_wait3A_272 = arith.constant 0 : i32
      %dma_wait3A_273 = tpu.memref_slice %arg8[%dma_wait3A_271, %dma_wait3A_272] : memref<128x128xf32, #tpu.memory_space<vmem>> -> memref<8x128xf32, #tpu.memory_space<vmem>>
      %dma_wait3A_274 = tpu.memref_slice %arg4[%multiple_of3A_58, %multiple_of3A_61] : memref<5001x10001xf32, #tpu.memory_space<hbm>> -> memref<8x128xf32, #tpu.memory_space<hbm>>
      tpu.wait_dma2 semaphore(%arg9 : memref<!tpu.dma_semaphore, #tpu.memory_space<semaphore_mem>>) src(%dma_wait3A_274 : memref<8x128xf32, #tpu.memory_space<hbm>>) dst(%dma_wait3A_273 : memref<8x128xf32, #tpu.memory_space<vmem>>)
      %dma_wait3A_275 = arith.constant 24 : i32
      %dma_wait3A_276 = arith.constant 0 : i32
      %dma_wait3A_277 = tpu.memref_slice %arg8[%dma_wait3A_275, %dma_wait3A_276] : memref<128x128xf32, #tpu.memory_space<vmem>> -> memref<8x128xf32, #tpu.memory_space<vmem>>
      %dma_wait3A_278 = tpu.memref_slice %arg4[%multiple_of3A_72, %multiple_of3A_75] : memref<5001x10001xf32, #tpu.memory_space<hbm>> -> memref<8x128xf32, #tpu.memory_space<hbm>>
      %dma_wait3A_279 = arith.constant 24 : i32
      %dma_wait3A_280 = arith.constant 0 : i32
      %dma_wait3A_281 = tpu.memref_slice %arg8[%dma_wait3A_279, %dma_wait3A_280] : memref<128x128xf32, #tpu.memory_space<vmem>> -> memref<8x128xf32, #tpu.memory_space<vmem>>
      %dma_wait3A_282 = tpu.memref_slice %arg4[%multiple_of3A_72, %multiple_of3A_75] : memref<5001x10001xf32, #tpu.memory_space<hbm>> -> memref<8x128xf32, #tpu.memory_space<hbm>>
      tpu.wait_dma2 semaphore(%arg9 : memref<!tpu.dma_semaphore, #tpu.memory_space<semaphore_mem>>) src(%dma_wait3A_282 : memref<8x128xf32, #tpu.memory_space<hbm>>) dst(%dma_wait3A_281 : memref<8x128xf32, #tpu.memory_space<vmem>>)
      %dma_wait3A_283 = arith.constant 32 : i32
      %dma_wait3A_284 = arith.constant 0 : i32
      %dma_wait3A_285 = tpu.memref_slice %arg8[%dma_wait3A_283, %dma_wait3A_284] : memref<128x128xf32, #tpu.memory_space<vmem>> -> memref<8x128xf32, #tpu.memory_space<vmem>>
      %dma_wait3A_286 = tpu.memref_slice %arg4[%multiple_of3A_86, %multiple_of3A_89] : memref<5001x10001xf32, #tpu.memory_space<hbm>> -> memref<8x128xf32, #tpu.memory_space<hbm>>
      %dma_wait3A_287 = arith.constant 32 : i32
      %dma_wait3A_288 = arith.constant 0 : i32
      %dma_wait3A_289 = tpu.memref_slice %arg8[%dma_wait3A_287, %dma_wait3A_288] : memref<128x128xf32, #tpu.memory_space<vmem>> -> memref<8x128xf32, #tpu.memory_space<vmem>>
      %dma_wait3A_290 = tpu.memref_slice %arg4[%multiple_of3A_86, %multiple_of3A_89] : memref<5001x10001xf32, #tpu.memory_space<hbm>> -> memref<8x128xf32, #tpu.memory_space<hbm>>
      tpu.wait_dma2 semaphore(%arg9 : memref<!tpu.dma_semaphore, #tpu.memory_space<semaphore_mem>>) src(%dma_wait3A_290 : memref<8x128xf32, #tpu.memory_space<hbm>>) dst(%dma_wait3A_289 : memref<8x128xf32, #tpu.memory_space<vmem>>)
      %dma_wait3A_291 = arith.constant 40 : i32
      %dma_wait3A_292 = arith.constant 0 : i32
      %dma_wait3A_293 = tpu.memref_slice %arg8[%dma_wait3A_291, %dma_wait3A_292] : memref<128x128xf32, #tpu.memory_space<vmem>> -> memref<8x128xf32, #tpu.memory_space<vmem>>
      %dma_wait3A_294 = tpu.memref_slice %arg4[%multiple_of3A_100, %multiple_of3A_103] : memref<5001x10001xf32, #tpu.memory_space<hbm>> -> memref<8x128xf32, #tpu.memory_space<hbm>>
      %dma_wait3A_295 = arith.constant 40 : i32
      %dma_wait3A_296 = arith.constant 0 : i32
      %dma_wait3A_297 = tpu.memref_slice %arg8[%dma_wait3A_295, %dma_wait3A_296] : memref<128x128xf32, #tpu.memory_space<vmem>> -> memref<8x128xf32, #tpu.memory_space<vmem>>
      %dma_wait3A_298 = tpu.memref_slice %arg4[%multiple_of3A_100, %multiple_of3A_103] : memref<5001x10001xf32, #tpu.memory_space<hbm>> -> memref<8x128xf32, #tpu.memory_space<hbm>>
      tpu.wait_dma2 semaphore(%arg9 : memref<!tpu.dma_semaphore, #tpu.memory_space<semaphore_mem>>) src(%dma_wait3A_298 : memref<8x128xf32, #tpu.memory_space<hbm>>) dst(%dma_wait3A_297 : memref<8x128xf32, #tpu.memory_space<vmem>>)
      %dma_wait3A_299 = arith.constant 48 : i32
      %dma_wait3A_300 = arith.constant 0 : i32
      %dma_wait3A_301 = tpu.memref_slice %arg8[%dma_wait3A_299, %dma_wait3A_300] : memref<128x128xf32, #tpu.memory_space<vmem>> -> memref<8x128xf32, #tpu.memory_space<vmem>>
      %dma_wait3A_302 = tpu.memref_slice %arg4[%multiple_of3A_114, %multiple_of3A_117] : memref<5001x10001xf32, #tpu.memory_space<hbm>> -> memref<8x128xf32, #tpu.memory_space<hbm>>
      %dma_wait3A_303 = arith.constant 48 : i32
      %dma_wait3A_304 = arith.constant 0 : i32
      %dma_wait3A_305 = tpu.memref_slice %arg8[%dma_wait3A_303, %dma_wait3A_304] : memref<128x128xf32, #tpu.memory_space<vmem>> -> memref<8x128xf32, #tpu.memory_space<vmem>>
      %dma_wait3A_306 = tpu.memref_slice %arg4[%multiple_of3A_114, %multiple_of3A_117] : memref<5001x10001xf32, #tpu.memory_space<hbm>> -> memref<8x128xf32, #tpu.memory_space<hbm>>
      tpu.wait_dma2 semaphore(%arg9 : memref<!tpu.dma_semaphore, #tpu.memory_space<semaphore_mem>>) src(%dma_wait3A_306 : memref<8x128xf32, #tpu.memory_space<hbm>>) dst(%dma_wait3A_305 : memref<8x128xf32, #tpu.memory_space<vmem>>)
      %dma_wait3A_307 = arith.constant 56 : i32
      %dma_wait3A_308 = arith.constant 0 : i32
      %dma_wait3A_309 = tpu.memref_slice %arg8[%dma_wait3A_307, %dma_wait3A_308] : memref<128x128xf32, #tpu.memory_space<vmem>> -> memref<8x128xf32, #tpu.memory_space<vmem>>
      %dma_wait3A_310 = tpu.memref_slice %arg4[%multiple_of3A_128, %multiple_of3A_131] : memref<5001x10001xf32, #tpu.memory_space<hbm>> -> memref<8x128xf32, #tpu.memory_space<hbm>>
      %dma_wait3A_311 = arith.constant 56 : i32
      %dma_wait3A_312 = arith.constant 0 : i32
      %dma_wait3A_313 = tpu.memref_slice %arg8[%dma_wait3A_311, %dma_wait3A_312] : memref<128x128xf32, #tpu.memory_space<vmem>> -> memref<8x128xf32, #tpu.memory_space<vmem>>
      %dma_wait3A_314 = tpu.memref_slice %arg4[%multiple_of3A_128, %multiple_of3A_131] : memref<5001x10001xf32, #tpu.memory_space<hbm>> -> memref<8x128xf32, #tpu.memory_space<hbm>>
      tpu.wait_dma2 semaphore(%arg9 : memref<!tpu.dma_semaphore, #tpu.memory_space<semaphore_mem>>) src(%dma_wait3A_314 : memref<8x128xf32, #tpu.memory_space<hbm>>) dst(%dma_wait3A_313 : memref<8x128xf32, #tpu.memory_space<vmem>>)
      %dma_wait3A_315 = arith.constant 64 : i32
      %dma_wait3A_316 = arith.constant 0 : i32
      %dma_wait3A_317 = tpu.memref_slice %arg8[%dma_wait3A_315, %dma_wait3A_316] : memref<128x128xf32, #tpu.memory_space<vmem>> -> memref<8x128xf32, #tpu.memory_space<vmem>>
      %dma_wait3A_318 = tpu.memref_slice %arg4[%multiple_of3A_142, %multiple_of3A_145] : memref<5001x10001xf32, #tpu.memory_space<hbm>> -> memref<8x128xf32, #tpu.memory_space<hbm>>
      %dma_wait3A_319 = arith.constant 64 : i32
      %dma_wait3A_320 = arith.constant 0 : i32
      %dma_wait3A_321 = tpu.memref_slice %arg8[%dma_wait3A_319, %dma_wait3A_320] : memref<128x128xf32, #tpu.memory_space<vmem>> -> memref<8x128xf32, #tpu.memory_space<vmem>>
      %dma_wait3A_322 = tpu.memref_slice %arg4[%multiple_of3A_142, %multiple_of3A_145] : memref<5001x10001xf32, #tpu.memory_space<hbm>> -> memref<8x128xf32, #tpu.memory_space<hbm>>
      tpu.wait_dma2 semaphore(%arg9 : memref<!tpu.dma_semaphore, #tpu.memory_space<semaphore_mem>>) src(%dma_wait3A_322 : memref<8x128xf32, #tpu.memory_space<hbm>>) dst(%dma_wait3A_321 : memref<8x128xf32, #tpu.memory_space<vmem>>)
      %dma_wait3A_323 = arith.constant 72 : i32
      %dma_wait3A_324 = arith.constant 0 : i32
      %dma_wait3A_325 = tpu.memref_slice %arg8[%dma_wait3A_323, %dma_wait3A_324] : memref<128x128xf32, #tpu.memory_space<vmem>> -> memref<8x128xf32, #tpu.memory_space<vmem>>
      %dma_wait3A_326 = tpu.memref_slice %arg4[%multiple_of3A_156, %multiple_of3A_159] : memref<5001x10001xf32, #tpu.memory_space<hbm>> -> memref<8x128xf32, #tpu.memory_space<hbm>>
      %dma_wait3A_327 = arith.constant 72 : i32
      %dma_wait3A_328 = arith.constant 0 : i32
      %dma_wait3A_329 = tpu.memref_slice %arg8[%dma_wait3A_327, %dma_wait3A_328] : memref<128x128xf32, #tpu.memory_space<vmem>> -> memref<8x128xf32, #tpu.memory_space<vmem>>
      %dma_wait3A_330 = tpu.memref_slice %arg4[%multiple_of3A_156, %multiple_of3A_159] : memref<5001x10001xf32, #tpu.memory_space<hbm>> -> memref<8x128xf32, #tpu.memory_space<hbm>>
      tpu.wait_dma2 semaphore(%arg9 : memref<!tpu.dma_semaphore, #tpu.memory_space<semaphore_mem>>) src(%dma_wait3A_330 : memref<8x128xf32, #tpu.memory_space<hbm>>) dst(%dma_wait3A_329 : memref<8x128xf32, #tpu.memory_space<vmem>>)
      %dma_wait3A_331 = arith.constant 80 : i32
      %dma_wait3A_332 = arith.constant 0 : i32
      %dma_wait3A_333 = tpu.memref_slice %arg8[%dma_wait3A_331, %dma_wait3A_332] : memref<128x128xf32, #tpu.memory_space<vmem>> -> memref<8x128xf32, #tpu.memory_space<vmem>>
      %dma_wait3A_334 = tpu.memref_slice %arg4[%multiple_of3A_170, %multiple_of3A_173] : memref<5001x10001xf32, #tpu.memory_space<hbm>> -> memref<8x128xf32, #tpu.memory_space<hbm>>
      %dma_wait3A_335 = arith.constant 80 : i32
      %dma_wait3A_336 = arith.constant 0 : i32
      %dma_wait3A_337 = tpu.memref_slice %arg8[%dma_wait3A_335, %dma_wait3A_336] : memref<128x128xf32, #tpu.memory_space<vmem>> -> memref<8x128xf32, #tpu.memory_space<vmem>>
      %dma_wait3A_338 = tpu.memref_slice %arg4[%multiple_of3A_170, %multiple_of3A_173] : memref<5001x10001xf32, #tpu.memory_space<hbm>> -> memref<8x128xf32, #tpu.memory_space<hbm>>
      tpu.wait_dma2 semaphore(%arg9 : memref<!tpu.dma_semaphore, #tpu.memory_space<semaphore_mem>>) src(%dma_wait3A_338 : memref<8x128xf32, #tpu.memory_space<hbm>>) dst(%dma_wait3A_337 : memref<8x128xf32, #tpu.memory_space<vmem>>)
      %dma_wait3A_339 = arith.constant 88 : i32
      %dma_wait3A_340 = arith.constant 0 : i32
      %dma_wait3A_341 = tpu.memref_slice %arg8[%dma_wait3A_339, %dma_wait3A_340] : memref<128x128xf32, #tpu.memory_space<vmem>> -> memref<8x128xf32, #tpu.memory_space<vmem>>
      %dma_wait3A_342 = tpu.memref_slice %arg4[%multiple_of3A_184, %multiple_of3A_187] : memref<5001x10001xf32, #tpu.memory_space<hbm>> -> memref<8x128xf32, #tpu.memory_space<hbm>>
      %dma_wait3A_343 = arith.constant 88 : i32
      %dma_wait3A_344 = arith.constant 0 : i32
      %dma_wait3A_345 = tpu.memref_slice %arg8[%dma_wait3A_343, %dma_wait3A_344] : memref<128x128xf32, #tpu.memory_space<vmem>> -> memref<8x128xf32, #tpu.memory_space<vmem>>
      %dma_wait3A_346 = tpu.memref_slice %arg4[%multiple_of3A_184, %multiple_of3A_187] : memref<5001x10001xf32, #tpu.memory_space<hbm>> -> memref<8x128xf32, #tpu.memory_space<hbm>>
      tpu.wait_dma2 semaphore(%arg9 : memref<!tpu.dma_semaphore, #tpu.memory_space<semaphore_mem>>) src(%dma_wait3A_346 : memref<8x128xf32, #tpu.memory_space<hbm>>) dst(%dma_wait3A_345 : memref<8x128xf32, #tpu.memory_space<vmem>>)
      %dma_wait3A_347 = arith.constant 96 : i32
      %dma_wait3A_348 = arith.constant 0 : i32
      %dma_wait3A_349 = tpu.memref_slice %arg8[%dma_wait3A_347, %dma_wait3A_348] : memref<128x128xf32, #tpu.memory_space<vmem>> -> memref<8x128xf32, #tpu.memory_space<vmem>>
      %dma_wait3A_350 = tpu.memref_slice %arg4[%multiple_of3A_198, %multiple_of3A_201] : memref<5001x10001xf32, #tpu.memory_space<hbm>> -> memref<8x128xf32, #tpu.memory_space<hbm>>
      %dma_wait3A_351 = arith.constant 96 : i32
      %dma_wait3A_352 = arith.constant 0 : i32
      %dma_wait3A_353 = tpu.memref_slice %arg8[%dma_wait3A_351, %dma_wait3A_352] : memref<128x128xf32, #tpu.memory_space<vmem>> -> memref<8x128xf32, #tpu.memory_space<vmem>>
      %dma_wait3A_354 = tpu.memref_slice %arg4[%multiple_of3A_198, %multiple_of3A_201] : memref<5001x10001xf32, #tpu.memory_space<hbm>> -> memref<8x128xf32, #tpu.memory_space<hbm>>
      tpu.wait_dma2 semaphore(%arg9 : memref<!tpu.dma_semaphore, #tpu.memory_space<semaphore_mem>>) src(%dma_wait3A_354 : memref<8x128xf32, #tpu.memory_space<hbm>>) dst(%dma_wait3A_353 : memref<8x128xf32, #tpu.memory_space<vmem>>)
      %dma_wait3A_355 = arith.constant 104 : i32
      %dma_wait3A_356 = arith.constant 0 : i32
      %dma_wait3A_357 = tpu.memref_slice %arg8[%dma_wait3A_355, %dma_wait3A_356] : memref<128x128xf32, #tpu.memory_space<vmem>> -> memref<8x128xf32, #tpu.memory_space<vmem>>
      %dma_wait3A_358 = tpu.memref_slice %arg4[%multiple_of3A_212, %multiple_of3A_215] : memref<5001x10001xf32, #tpu.memory_space<hbm>> -> memref<8x128xf32, #tpu.memory_space<hbm>>
      %dma_wait3A_359 = arith.constant 104 : i32
      %dma_wait3A_360 = arith.constant 0 : i32
      %dma_wait3A_361 = tpu.memref_slice %arg8[%dma_wait3A_359, %dma_wait3A_360] : memref<128x128xf32, #tpu.memory_space<vmem>> -> memref<8x128xf32, #tpu.memory_space<vmem>>
      %dma_wait3A_362 = tpu.memref_slice %arg4[%multiple_of3A_212, %multiple_of3A_215] : memref<5001x10001xf32, #tpu.memory_space<hbm>> -> memref<8x128xf32, #tpu.memory_space<hbm>>
      tpu.wait_dma2 semaphore(%arg9 : memref<!tpu.dma_semaphore, #tpu.memory_space<semaphore_mem>>) src(%dma_wait3A_362 : memref<8x128xf32, #tpu.memory_space<hbm>>) dst(%dma_wait3A_361 : memref<8x128xf32, #tpu.memory_space<vmem>>)
      %dma_wait3A_363 = arith.constant 112 : i32
      %dma_wait3A_364 = arith.constant 0 : i32
      %dma_wait3A_365 = tpu.memref_slice %arg8[%dma_wait3A_363, %dma_wait3A_364] : memref<128x128xf32, #tpu.memory_space<vmem>> -> memref<8x128xf32, #tpu.memory_space<vmem>>
      %dma_wait3A_366 = tpu.memref_slice %arg4[%multiple_of3A_226, %multiple_of3A_229] : memref<5001x10001xf32, #tpu.memory_space<hbm>> -> memref<8x128xf32, #tpu.memory_space<hbm>>
      %dma_wait3A_367 = arith.constant 112 : i32
      %dma_wait3A_368 = arith.constant 0 : i32
      %dma_wait3A_369 = tpu.memref_slice %arg8[%dma_wait3A_367, %dma_wait3A_368] : memref<128x128xf32, #tpu.memory_space<vmem>> -> memref<8x128xf32, #tpu.memory_space<vmem>>
      %dma_wait3A_370 = tpu.memref_slice %arg4[%multiple_of3A_226, %multiple_of3A_229] : memref<5001x10001xf32, #tpu.memory_space<hbm>> -> memref<8x128xf32, #tpu.memory_space<hbm>>
      tpu.wait_dma2 semaphore(%arg9 : memref<!tpu.dma_semaphore, #tpu.memory_space<semaphore_mem>>) src(%dma_wait3A_370 : memref<8x128xf32, #tpu.memory_space<hbm>>) dst(%dma_wait3A_369 : memref<8x128xf32, #tpu.memory_space<vmem>>)
      %dma_wait3A_371 = arith.constant 120 : i32
      %dma_wait3A_372 = arith.constant 0 : i32
      %dma_wait3A_373 = tpu.memref_slice %arg8[%dma_wait3A_371, %dma_wait3A_372] : memref<128x128xf32, #tpu.memory_space<vmem>> -> memref<8x128xf32, #tpu.memory_space<vmem>>
      %dma_wait3A_374 = tpu.memref_slice %arg4[%multiple_of3A_240, %multiple_of3A_243] : memref<5001x10001xf32, #tpu.memory_space<hbm>> -> memref<8x128xf32, #tpu.memory_space<hbm>>
      %dma_wait3A_375 = arith.constant 120 : i32
      %dma_wait3A_376 = arith.constant 0 : i32
      %dma_wait3A_377 = tpu.memref_slice %arg8[%dma_wait3A_375, %dma_wait3A_376] : memref<128x128xf32, #tpu.memory_space<vmem>> -> memref<8x128xf32, #tpu.memory_space<vmem>>
      %dma_wait3A_378 = tpu.memref_slice %arg4[%multiple_of3A_240, %multiple_of3A_243] : memref<5001x10001xf32, #tpu.memory_space<hbm>> -> memref<8x128xf32, #tpu.memory_space<hbm>>
      tpu.wait_dma2 semaphore(%arg9 : memref<!tpu.dma_semaphore, #tpu.memory_space<semaphore_mem>>) src(%dma_wait3A_378 : memref<8x128xf32, #tpu.memory_space<hbm>>) dst(%dma_wait3A_377 : memref<8x128xf32, #tpu.memory_space<vmem>>)
      %slice3A_379 = vector.extract_strided_slice %and3A_30 {offsets = [0], sizes = [1], strides = [1]} : vector<16xi32> to vector<1xi32>
      %squeeze3A_380 = vector.extract %slice3A_379[0] : i32 from vector<1xi32>
      %add3A_381 = arith.constant 0 : i32
      %add3A_382 = arith.addi %add3A_381, %squeeze3A_380 : i32
      %add3A_383 = arith.addi %mul3A_2, %multiple_of3A : i32
      %add3A_384 = arith.constant 0 : i32
      %add3A_385 = arith.addi %add3A_383, %add3A_384 : i32
      "tpu.region"() ({
        %run_scoped3A = tpu.sem_alloc : memref<!tpu.dma_semaphore, #tpu.memory_space<semaphore_mem>>
        %dma_start3A_491 = arith.constant 0 : i32
        %dma_start3A_492 = tpu.memref_slice %arg8[%add3A_382, %dma_start3A_491] : memref<128x128xf32, #tpu.memory_space<vmem>> -> memref<1x128xf32, #tpu.memory_space<vmem>>
        %dma_start3A_493 = arith.constant 0 : i32
        %dma_start3A_494 = tpu.memref_slice %arg5[%add3A_385, %dma_start3A_493] : memref<4096x128xf32, #tpu.memory_space<hbm>> -> memref<1x128xf32, #tpu.memory_space<hbm>>
        %dma_start3A_495 = arith.constant 0 : i32
        %dma_start3A_496 = tpu.memref_slice %arg5[%add3A_385, %dma_start3A_495] : memref<4096x128xf32, #tpu.memory_space<hbm>> -> memref<1x128xf32, #tpu.memory_space<hbm>>
        %dma_start3A_497 = arith.constant 0 : i32
        %dma_start3A_498 = tpu.memref_slice %arg8[%add3A_382, %dma_start3A_497] : memref<128x128xf32, #tpu.memory_space<vmem>> -> memref<1x128xf32, #tpu.memory_space<vmem>>
        tpu.enqueue_dma source(%dma_start3A_498 : memref<1x128xf32, #tpu.memory_space<vmem>>) target(%dma_start3A_496 : memref<1x128xf32, #tpu.memory_space<hbm>>) target_semaphore(%run_scoped3A : memref<!tpu.dma_semaphore, #tpu.memory_space<semaphore_mem>>)
        %dma_wait3A_499 = arith.constant 0 : i32
        %dma_wait3A_500 = tpu.memref_slice %arg8[%add3A_382, %dma_wait3A_499] : memref<128x128xf32, #tpu.memory_space<vmem>> -> memref<1x128xf32, #tpu.memory_space<vmem>>
        %dma_wait3A_501 = arith.constant 0 : i32
        %dma_wait3A_502 = tpu.memref_slice %arg5[%add3A_385, %dma_wait3A_501] : memref<4096x128xf32, #tpu.memory_space<hbm>> -> memref<1x128xf32, #tpu.memory_space<hbm>>
        %dma_wait3A_503 = arith.constant 0 : i32
        %dma_wait3A_504 = tpu.memref_slice %arg5[%add3A_385, %dma_wait3A_503] : memref<4096x128xf32, #tpu.memory_space<hbm>> -> memref<1x128xf32, #tpu.memory_space<hbm>>
        %dma_wait3A_505 = arith.constant 0 : i32
        %dma_wait3A_506 = tpu.memref_slice %arg8[%add3A_382, %dma_wait3A_505] : memref<128x128xf32, #tpu.memory_space<vmem>> -> memref<1x128xf32, #tpu.memory_space<vmem>>
        tpu.wait_dma2 semaphore(%run_scoped3A : memref<!tpu.dma_semaphore, #tpu.memory_space<semaphore_mem>>) src(%dma_wait3A_506 : memref<1x128xf32, #tpu.memory_space<vmem>>) dst(%dma_wait3A_504 : memref<1x128xf32, #tpu.memory_space<hbm>>)
        tpu.yield
      }) : () -> ()
      %slice3A_386 = vector.extract_strided_slice %and3A_30 {offsets = [1], sizes = [1], strides = [1]} : vector<16xi32> to vector<1xi32>
      %squeeze3A_387 = vector.extract %slice3A_386[0] : i32 from vector<1xi32>
      %add3A_388 = arith.constant 8 : i32
      %add3A_389 = arith.addi %add3A_388, %squeeze3A_387 : i32
      %add3A_390 = arith.addi %mul3A_2, %multiple_of3A : i32
      %add3A_391 = arith.constant 1 : i32
      %add3A_392 = arith.addi %add3A_390, %add3A_391 : i32
      "tpu.region"() ({
        %run_scoped3A = tpu.sem_alloc : memref<!tpu.dma_semaphore, #tpu.memory_space<semaphore_mem>>
        %dma_start3A_491 = arith.constant 0 : i32
        %dma_start3A_492 = tpu.memref_slice %arg8[%add3A_389, %dma_start3A_491] : memref<128x128xf32, #tpu.memory_space<vmem>> -> memref<1x128xf32, #tpu.memory_space<vmem>>
        %dma_start3A_493 = arith.constant 0 : i32
        %dma_start3A_494 = tpu.memref_slice %arg5[%add3A_392, %dma_start3A_493] : memref<4096x128xf32, #tpu.memory_space<hbm>> -> memref<1x128xf32, #tpu.memory_space<hbm>>
        %dma_start3A_495 = arith.constant 0 : i32
        %dma_start3A_496 = tpu.memref_slice %arg5[%add3A_392, %dma_start3A_495] : memref<4096x128xf32, #tpu.memory_space<hbm>> -> memref<1x128xf32, #tpu.memory_space<hbm>>
        %dma_start3A_497 = arith.constant 0 : i32
        %dma_start3A_498 = tpu.memref_slice %arg8[%add3A_389, %dma_start3A_497] : memref<128x128xf32, #tpu.memory_space<vmem>> -> memref<1x128xf32, #tpu.memory_space<vmem>>
        tpu.enqueue_dma source(%dma_start3A_498 : memref<1x128xf32, #tpu.memory_space<vmem>>) target(%dma_start3A_496 : memref<1x128xf32, #tpu.memory_space<hbm>>) target_semaphore(%run_scoped3A : memref<!tpu.dma_semaphore, #tpu.memory_space<semaphore_mem>>)
        %dma_wait3A_499 = arith.constant 0 : i32
        %dma_wait3A_500 = tpu.memref_slice %arg8[%add3A_389, %dma_wait3A_499] : memref<128x128xf32, #tpu.memory_space<vmem>> -> memref<1x128xf32, #tpu.memory_space<vmem>>
        %dma_wait3A_501 = arith.constant 0 : i32
        %dma_wait3A_502 = tpu.memref_slice %arg5[%add3A_392, %dma_wait3A_501] : memref<4096x128xf32, #tpu.memory_space<hbm>> -> memref<1x128xf32, #tpu.memory_space<hbm>>
        %dma_wait3A_503 = arith.constant 0 : i32
        %dma_wait3A_504 = tpu.memref_slice %arg5[%add3A_392, %dma_wait3A_503] : memref<4096x128xf32, #tpu.memory_space<hbm>> -> memref<1x128xf32, #tpu.memory_space<hbm>>
        %dma_wait3A_505 = arith.constant 0 : i32
        %dma_wait3A_506 = tpu.memref_slice %arg8[%add3A_389, %dma_wait3A_505] : memref<128x128xf32, #tpu.memory_space<vmem>> -> memref<1x128xf32, #tpu.memory_space<vmem>>
        tpu.wait_dma2 semaphore(%run_scoped3A : memref<!tpu.dma_semaphore, #tpu.memory_space<semaphore_mem>>) src(%dma_wait3A_506 : memref<1x128xf32, #tpu.memory_space<vmem>>) dst(%dma_wait3A_504 : memref<1x128xf32, #tpu.memory_space<hbm>>)
        tpu.yield
      }) : () -> ()
      %slice3A_393 = vector.extract_strided_slice %and3A_30 {offsets = [2], sizes = [1], strides = [1]} : vector<16xi32> to vector<1xi32>
      %squeeze3A_394 = vector.extract %slice3A_393[0] : i32 from vector<1xi32>
      %add3A_395 = arith.constant 16 : i32
      %add3A_396 = arith.addi %add3A_395, %squeeze3A_394 : i32
      %add3A_397 = arith.addi %mul3A_2, %multiple_of3A : i32
      %add3A_398 = arith.constant 2 : i32
      %add3A_399 = arith.addi %add3A_397, %add3A_398 : i32
      "tpu.region"() ({
        %run_scoped3A = tpu.sem_alloc : memref<!tpu.dma_semaphore, #tpu.memory_space<semaphore_mem>>
        %dma_start3A_491 = arith.constant 0 : i32
        %dma_start3A_492 = tpu.memref_slice %arg8[%add3A_396, %dma_start3A_491] : memref<128x128xf32, #tpu.memory_space<vmem>> -> memref<1x128xf32, #tpu.memory_space<vmem>>
        %dma_start3A_493 = arith.constant 0 : i32
        %dma_start3A_494 = tpu.memref_slice %arg5[%add3A_399, %dma_start3A_493] : memref<4096x128xf32, #tpu.memory_space<hbm>> -> memref<1x128xf32, #tpu.memory_space<hbm>>
        %dma_start3A_495 = arith.constant 0 : i32
        %dma_start3A_496 = tpu.memref_slice %arg5[%add3A_399, %dma_start3A_495] : memref<4096x128xf32, #tpu.memory_space<hbm>> -> memref<1x128xf32, #tpu.memory_space<hbm>>
        %dma_start3A_497 = arith.constant 0 : i32
        %dma_start3A_498 = tpu.memref_slice %arg8[%add3A_396, %dma_start3A_497] : memref<128x128xf32, #tpu.memory_space<vmem>> -> memref<1x128xf32, #tpu.memory_space<vmem>>
        tpu.enqueue_dma source(%dma_start3A_498 : memref<1x128xf32, #tpu.memory_space<vmem>>) target(%dma_start3A_496 : memref<1x128xf32, #tpu.memory_space<hbm>>) target_semaphore(%run_scoped3A : memref<!tpu.dma_semaphore, #tpu.memory_space<semaphore_mem>>)
        %dma_wait3A_499 = arith.constant 0 : i32
        %dma_wait3A_500 = tpu.memref_slice %arg8[%add3A_396, %dma_wait3A_499] : memref<128x128xf32, #tpu.memory_space<vmem>> -> memref<1x128xf32, #tpu.memory_space<vmem>>
        %dma_wait3A_501 = arith.constant 0 : i32
        %dma_wait3A_502 = tpu.memref_slice %arg5[%add3A_399, %dma_wait3A_501] : memref<4096x128xf32, #tpu.memory_space<hbm>> -> memref<1x128xf32, #tpu.memory_space<hbm>>
        %dma_wait3A_503 = arith.constant 0 : i32
        %dma_wait3A_504 = tpu.memref_slice %arg5[%add3A_399, %dma_wait3A_503] : memref<4096x128xf32, #tpu.memory_space<hbm>> -> memref<1x128xf32, #tpu.memory_space<hbm>>
        %dma_wait3A_505 = arith.constant 0 : i32
        %dma_wait3A_506 = tpu.memref_slice %arg8[%add3A_396, %dma_wait3A_505] : memref<128x128xf32, #tpu.memory_space<vmem>> -> memref<1x128xf32, #tpu.memory_space<vmem>>
        tpu.wait_dma2 semaphore(%run_scoped3A : memref<!tpu.dma_semaphore, #tpu.memory_space<semaphore_mem>>) src(%dma_wait3A_506 : memref<1x128xf32, #tpu.memory_space<vmem>>) dst(%dma_wait3A_504 : memref<1x128xf32, #tpu.memory_space<hbm>>)
        tpu.yield
      }) : () -> ()
      %slice3A_400 = vector.extract_strided_slice %and3A_30 {offsets = [3], sizes = [1], strides = [1]} : vector<16xi32> to vector<1xi32>
      %squeeze3A_401 = vector.extract %slice3A_400[0] : i32 from vector<1xi32>
      %add3A_402 = arith.constant 24 : i32
      %add3A_403 = arith.addi %add3A_402, %squeeze3A_401 : i32
      %add3A_404 = arith.addi %mul3A_2, %multiple_of3A : i32
      %add3A_405 = arith.constant 3 : i32
      %add3A_406 = arith.addi %add3A_404, %add3A_405 : i32
      "tpu.region"() ({
        %run_scoped3A = tpu.sem_alloc : memref<!tpu.dma_semaphore, #tpu.memory_space<semaphore_mem>>
        %dma_start3A_491 = arith.constant 0 : i32
        %dma_start3A_492 = tpu.memref_slice %arg8[%add3A_403, %dma_start3A_491] : memref<128x128xf32, #tpu.memory_space<vmem>> -> memref<1x128xf32, #tpu.memory_space<vmem>>
        %dma_start3A_493 = arith.constant 0 : i32
        %dma_start3A_494 = tpu.memref_slice %arg5[%add3A_406, %dma_start3A_493] : memref<4096x128xf32, #tpu.memory_space<hbm>> -> memref<1x128xf32, #tpu.memory_space<hbm>>
        %dma_start3A_495 = arith.constant 0 : i32
        %dma_start3A_496 = tpu.memref_slice %arg5[%add3A_406, %dma_start3A_495] : memref<4096x128xf32, #tpu.memory_space<hbm>> -> memref<1x128xf32, #tpu.memory_space<hbm>>
        %dma_start3A_497 = arith.constant 0 : i32
        %dma_start3A_498 = tpu.memref_slice %arg8[%add3A_403, %dma_start3A_497] : memref<128x128xf32, #tpu.memory_space<vmem>> -> memref<1x128xf32, #tpu.memory_space<vmem>>
        tpu.enqueue_dma source(%dma_start3A_498 : memref<1x128xf32, #tpu.memory_space<vmem>>) target(%dma_start3A_496 : memref<1x128xf32, #tpu.memory_space<hbm>>) target_semaphore(%run_scoped3A : memref<!tpu.dma_semaphore, #tpu.memory_space<semaphore_mem>>)
        %dma_wait3A_499 = arith.constant 0 : i32
        %dma_wait3A_500 = tpu.memref_slice %arg8[%add3A_403, %dma_wait3A_499] : memref<128x128xf32, #tpu.memory_space<vmem>> -> memref<1x128xf32, #tpu.memory_space<vmem>>
        %dma_wait3A_501 = arith.constant 0 : i32
        %dma_wait3A_502 = tpu.memref_slice %arg5[%add3A_406, %dma_wait3A_501] : memref<4096x128xf32, #tpu.memory_space<hbm>> -> memref<1x128xf32, #tpu.memory_space<hbm>>
        %dma_wait3A_503 = arith.constant 0 : i32
        %dma_wait3A_504 = tpu.memref_slice %arg5[%add3A_406, %dma_wait3A_503] : memref<4096x128xf32, #tpu.memory_space<hbm>> -> memref<1x128xf32, #tpu.memory_space<hbm>>
        %dma_wait3A_505 = arith.constant 0 : i32
        %dma_wait3A_506 = tpu.memref_slice %arg8[%add3A_403, %dma_wait3A_505] : memref<128x128xf32, #tpu.memory_space<vmem>> -> memref<1x128xf32, #tpu.memory_space<vmem>>
        tpu.wait_dma2 semaphore(%run_scoped3A : memref<!tpu.dma_semaphore, #tpu.memory_space<semaphore_mem>>) src(%dma_wait3A_506 : memref<1x128xf32, #tpu.memory_space<vmem>>) dst(%dma_wait3A_504 : memref<1x128xf32, #tpu.memory_space<hbm>>)
        tpu.yield
      }) : () -> ()
      %slice3A_407 = vector.extract_strided_slice %and3A_30 {offsets = [4], sizes = [1], strides = [1]} : vector<16xi32> to vector<1xi32>
      %squeeze3A_408 = vector.extract %slice3A_407[0] : i32 from vector<1xi32>
      %add3A_409 = arith.constant 32 : i32
      %add3A_410 = arith.addi %add3A_409, %squeeze3A_408 : i32
      %add3A_411 = arith.addi %mul3A_2, %multiple_of3A : i32
      %add3A_412 = arith.constant 4 : i32
      %add3A_413 = arith.addi %add3A_411, %add3A_412 : i32
      "tpu.region"() ({
        %run_scoped3A = tpu.sem_alloc : memref<!tpu.dma_semaphore, #tpu.memory_space<semaphore_mem>>
        %dma_start3A_491 = arith.constant 0 : i32
        %dma_start3A_492 = tpu.memref_slice %arg8[%add3A_410, %dma_start3A_491] : memref<128x128xf32, #tpu.memory_space<vmem>> -> memref<1x128xf32, #tpu.memory_space<vmem>>
        %dma_start3A_493 = arith.constant 0 : i32
        %dma_start3A_494 = tpu.memref_slice %arg5[%add3A_413, %dma_start3A_493] : memref<4096x128xf32, #tpu.memory_space<hbm>> -> memref<1x128xf32, #tpu.memory_space<hbm>>
        %dma_start3A_495 = arith.constant 0 : i32
        %dma_start3A_496 = tpu.memref_slice %arg5[%add3A_413, %dma_start3A_495] : memref<4096x128xf32, #tpu.memory_space<hbm>> -> memref<1x128xf32, #tpu.memory_space<hbm>>
        %dma_start3A_497 = arith.constant 0 : i32
        %dma_start3A_498 = tpu.memref_slice %arg8[%add3A_410, %dma_start3A_497] : memref<128x128xf32, #tpu.memory_space<vmem>> -> memref<1x128xf32, #tpu.memory_space<vmem>>
        tpu.enqueue_dma source(%dma_start3A_498 : memref<1x128xf32, #tpu.memory_space<vmem>>) target(%dma_start3A_496 : memref<1x128xf32, #tpu.memory_space<hbm>>) target_semaphore(%run_scoped3A : memref<!tpu.dma_semaphore, #tpu.memory_space<semaphore_mem>>)
        %dma_wait3A_499 = arith.constant 0 : i32
        %dma_wait3A_500 = tpu.memref_slice %arg8[%add3A_410, %dma_wait3A_499] : memref<128x128xf32, #tpu.memory_space<vmem>> -> memref<1x128xf32, #tpu.memory_space<vmem>>
        %dma_wait3A_501 = arith.constant 0 : i32
        %dma_wait3A_502 = tpu.memref_slice %arg5[%add3A_413, %dma_wait3A_501] : memref<4096x128xf32, #tpu.memory_space<hbm>> -> memref<1x128xf32, #tpu.memory_space<hbm>>
        %dma_wait3A_503 = arith.constant 0 : i32
        %dma_wait3A_504 = tpu.memref_slice %arg5[%add3A_413, %dma_wait3A_503] : memref<4096x128xf32, #tpu.memory_space<hbm>> -> memref<1x128xf32, #tpu.memory_space<hbm>>
        %dma_wait3A_505 = arith.constant 0 : i32
        %dma_wait3A_506 = tpu.memref_slice %arg8[%add3A_410, %dma_wait3A_505] : memref<128x128xf32, #tpu.memory_space<vmem>> -> memref<1x128xf32, #tpu.memory_space<vmem>>
        tpu.wait_dma2 semaphore(%run_scoped3A : memref<!tpu.dma_semaphore, #tpu.memory_space<semaphore_mem>>) src(%dma_wait3A_506 : memref<1x128xf32, #tpu.memory_space<vmem>>) dst(%dma_wait3A_504 : memref<1x128xf32, #tpu.memory_space<hbm>>)
        tpu.yield
      }) : () -> ()
      %slice3A_414 = vector.extract_strided_slice %and3A_30 {offsets = [5], sizes = [1], strides = [1]} : vector<16xi32> to vector<1xi32>
      %squeeze3A_415 = vector.extract %slice3A_414[0] : i32 from vector<1xi32>
      %add3A_416 = arith.constant 40 : i32
      %add3A_417 = arith.addi %add3A_416, %squeeze3A_415 : i32
      %add3A_418 = arith.addi %mul3A_2, %multiple_of3A : i32
      %add3A_419 = arith.constant 5 : i32
      %add3A_420 = arith.addi %add3A_418, %add3A_419 : i32
      "tpu.region"() ({
        %run_scoped3A = tpu.sem_alloc : memref<!tpu.dma_semaphore, #tpu.memory_space<semaphore_mem>>
        %dma_start3A_491 = arith.constant 0 : i32
        %dma_start3A_492 = tpu.memref_slice %arg8[%add3A_417, %dma_start3A_491] : memref<128x128xf32, #tpu.memory_space<vmem>> -> memref<1x128xf32, #tpu.memory_space<vmem>>
        %dma_start3A_493 = arith.constant 0 : i32
        %dma_start3A_494 = tpu.memref_slice %arg5[%add3A_420, %dma_start3A_493] : memref<4096x128xf32, #tpu.memory_space<hbm>> -> memref<1x128xf32, #tpu.memory_space<hbm>>
        %dma_start3A_495 = arith.constant 0 : i32
        %dma_start3A_496 = tpu.memref_slice %arg5[%add3A_420, %dma_start3A_495] : memref<4096x128xf32, #tpu.memory_space<hbm>> -> memref<1x128xf32, #tpu.memory_space<hbm>>
        %dma_start3A_497 = arith.constant 0 : i32
        %dma_start3A_498 = tpu.memref_slice %arg8[%add3A_417, %dma_start3A_497] : memref<128x128xf32, #tpu.memory_space<vmem>> -> memref<1x128xf32, #tpu.memory_space<vmem>>
        tpu.enqueue_dma source(%dma_start3A_498 : memref<1x128xf32, #tpu.memory_space<vmem>>) target(%dma_start3A_496 : memref<1x128xf32, #tpu.memory_space<hbm>>) target_semaphore(%run_scoped3A : memref<!tpu.dma_semaphore, #tpu.memory_space<semaphore_mem>>)
        %dma_wait3A_499 = arith.constant 0 : i32
        %dma_wait3A_500 = tpu.memref_slice %arg8[%add3A_417, %dma_wait3A_499] : memref<128x128xf32, #tpu.memory_space<vmem>> -> memref<1x128xf32, #tpu.memory_space<vmem>>
        %dma_wait3A_501 = arith.constant 0 : i32
        %dma_wait3A_502 = tpu.memref_slice %arg5[%add3A_420, %dma_wait3A_501] : memref<4096x128xf32, #tpu.memory_space<hbm>> -> memref<1x128xf32, #tpu.memory_space<hbm>>
        %dma_wait3A_503 = arith.constant 0 : i32
        %dma_wait3A_504 = tpu.memref_slice %arg5[%add3A_420, %dma_wait3A_503] : memref<4096x128xf32, #tpu.memory_space<hbm>> -> memref<1x128xf32, #tpu.memory_space<hbm>>
        %dma_wait3A_505 = arith.constant 0 : i32
        %dma_wait3A_506 = tpu.memref_slice %arg8[%add3A_417, %dma_wait3A_505] : memref<128x128xf32, #tpu.memory_space<vmem>> -> memref<1x128xf32, #tpu.memory_space<vmem>>
        tpu.wait_dma2 semaphore(%run_scoped3A : memref<!tpu.dma_semaphore, #tpu.memory_space<semaphore_mem>>) src(%dma_wait3A_506 : memref<1x128xf32, #tpu.memory_space<vmem>>) dst(%dma_wait3A_504 : memref<1x128xf32, #tpu.memory_space<hbm>>)
        tpu.yield
      }) : () -> ()
      %slice3A_421 = vector.extract_strided_slice %and3A_30 {offsets = [6], sizes = [1], strides = [1]} : vector<16xi32> to vector<1xi32>
      %squeeze3A_422 = vector.extract %slice3A_421[0] : i32 from vector<1xi32>
      %add3A_423 = arith.constant 48 : i32
      %add3A_424 = arith.addi %add3A_423, %squeeze3A_422 : i32
      %add3A_425 = arith.addi %mul3A_2, %multiple_of3A : i32
      %add3A_426 = arith.constant 6 : i32
      %add3A_427 = arith.addi %add3A_425, %add3A_426 : i32
      "tpu.region"() ({
        %run_scoped3A = tpu.sem_alloc : memref<!tpu.dma_semaphore, #tpu.memory_space<semaphore_mem>>
        %dma_start3A_491 = arith.constant 0 : i32
        %dma_start3A_492 = tpu.memref_slice %arg8[%add3A_424, %dma_start3A_491] : memref<128x128xf32, #tpu.memory_space<vmem>> -> memref<1x128xf32, #tpu.memory_space<vmem>>
        %dma_start3A_493 = arith.constant 0 : i32
        %dma_start3A_494 = tpu.memref_slice %arg5[%add3A_427, %dma_start3A_493] : memref<4096x128xf32, #tpu.memory_space<hbm>> -> memref<1x128xf32, #tpu.memory_space<hbm>>
        %dma_start3A_495 = arith.constant 0 : i32
        %dma_start3A_496 = tpu.memref_slice %arg5[%add3A_427, %dma_start3A_495] : memref<4096x128xf32, #tpu.memory_space<hbm>> -> memref<1x128xf32, #tpu.memory_space<hbm>>
        %dma_start3A_497 = arith.constant 0 : i32
        %dma_start3A_498 = tpu.memref_slice %arg8[%add3A_424, %dma_start3A_497] : memref<128x128xf32, #tpu.memory_space<vmem>> -> memref<1x128xf32, #tpu.memory_space<vmem>>
        tpu.enqueue_dma source(%dma_start3A_498 : memref<1x128xf32, #tpu.memory_space<vmem>>) target(%dma_start3A_496 : memref<1x128xf32, #tpu.memory_space<hbm>>) target_semaphore(%run_scoped3A : memref<!tpu.dma_semaphore, #tpu.memory_space<semaphore_mem>>)
        %dma_wait3A_499 = arith.constant 0 : i32
        %dma_wait3A_500 = tpu.memref_slice %arg8[%add3A_424, %dma_wait3A_499] : memref<128x128xf32, #tpu.memory_space<vmem>> -> memref<1x128xf32, #tpu.memory_space<vmem>>
        %dma_wait3A_501 = arith.constant 0 : i32
        %dma_wait3A_502 = tpu.memref_slice %arg5[%add3A_427, %dma_wait3A_501] : memref<4096x128xf32, #tpu.memory_space<hbm>> -> memref<1x128xf32, #tpu.memory_space<hbm>>
        %dma_wait3A_503 = arith.constant 0 : i32
        %dma_wait3A_504 = tpu.memref_slice %arg5[%add3A_427, %dma_wait3A_503] : memref<4096x128xf32, #tpu.memory_space<hbm>> -> memref<1x128xf32, #tpu.memory_space<hbm>>
        %dma_wait3A_505 = arith.constant 0 : i32
        %dma_wait3A_506 = tpu.memref_slice %arg8[%add3A_424, %dma_wait3A_505] : memref<128x128xf32, #tpu.memory_space<vmem>> -> memref<1x128xf32, #tpu.memory_space<vmem>>
        tpu.wait_dma2 semaphore(%run_scoped3A : memref<!tpu.dma_semaphore, #tpu.memory_space<semaphore_mem>>) src(%dma_wait3A_506 : memref<1x128xf32, #tpu.memory_space<vmem>>) dst(%dma_wait3A_504 : memref<1x128xf32, #tpu.memory_space<hbm>>)
        tpu.yield
      }) : () -> ()
      %slice3A_428 = vector.extract_strided_slice %and3A_30 {offsets = [7], sizes = [1], strides = [1]} : vector<16xi32> to vector<1xi32>
      %squeeze3A_429 = vector.extract %slice3A_428[0] : i32 from vector<1xi32>
      %add3A_430 = arith.constant 56 : i32
      %add3A_431 = arith.addi %add3A_430, %squeeze3A_429 : i32
      %add3A_432 = arith.addi %mul3A_2, %multiple_of3A : i32
      %add3A_433 = arith.constant 7 : i32
      %add3A_434 = arith.addi %add3A_432, %add3A_433 : i32
      "tpu.region"() ({
        %run_scoped3A = tpu.sem_alloc : memref<!tpu.dma_semaphore, #tpu.memory_space<semaphore_mem>>
        %dma_start3A_491 = arith.constant 0 : i32
        %dma_start3A_492 = tpu.memref_slice %arg8[%add3A_431, %dma_start3A_491] : memref<128x128xf32, #tpu.memory_space<vmem>> -> memref<1x128xf32, #tpu.memory_space<vmem>>
        %dma_start3A_493 = arith.constant 0 : i32
        %dma_start3A_494 = tpu.memref_slice %arg5[%add3A_434, %dma_start3A_493] : memref<4096x128xf32, #tpu.memory_space<hbm>> -> memref<1x128xf32, #tpu.memory_space<hbm>>
        %dma_start3A_495 = arith.constant 0 : i32
        %dma_start3A_496 = tpu.memref_slice %arg5[%add3A_434, %dma_start3A_495] : memref<4096x128xf32, #tpu.memory_space<hbm>> -> memref<1x128xf32, #tpu.memory_space<hbm>>
        %dma_start3A_497 = arith.constant 0 : i32
        %dma_start3A_498 = tpu.memref_slice %arg8[%add3A_431, %dma_start3A_497] : memref<128x128xf32, #tpu.memory_space<vmem>> -> memref<1x128xf32, #tpu.memory_space<vmem>>
        tpu.enqueue_dma source(%dma_start3A_498 : memref<1x128xf32, #tpu.memory_space<vmem>>) target(%dma_start3A_496 : memref<1x128xf32, #tpu.memory_space<hbm>>) target_semaphore(%run_scoped3A : memref<!tpu.dma_semaphore, #tpu.memory_space<semaphore_mem>>)
        %dma_wait3A_499 = arith.constant 0 : i32
        %dma_wait3A_500 = tpu.memref_slice %arg8[%add3A_431, %dma_wait3A_499] : memref<128x128xf32, #tpu.memory_space<vmem>> -> memref<1x128xf32, #tpu.memory_space<vmem>>
        %dma_wait3A_501 = arith.constant 0 : i32
        %dma_wait3A_502 = tpu.memref_slice %arg5[%add3A_434, %dma_wait3A_501] : memref<4096x128xf32, #tpu.memory_space<hbm>> -> memref<1x128xf32, #tpu.memory_space<hbm>>
        %dma_wait3A_503 = arith.constant 0 : i32
        %dma_wait3A_504 = tpu.memref_slice %arg5[%add3A_434, %dma_wait3A_503] : memref<4096x128xf32, #tpu.memory_space<hbm>> -> memref<1x128xf32, #tpu.memory_space<hbm>>
        %dma_wait3A_505 = arith.constant 0 : i32
        %dma_wait3A_506 = tpu.memref_slice %arg8[%add3A_431, %dma_wait3A_505] : memref<128x128xf32, #tpu.memory_space<vmem>> -> memref<1x128xf32, #tpu.memory_space<vmem>>
        tpu.wait_dma2 semaphore(%run_scoped3A : memref<!tpu.dma_semaphore, #tpu.memory_space<semaphore_mem>>) src(%dma_wait3A_506 : memref<1x128xf32, #tpu.memory_space<vmem>>) dst(%dma_wait3A_504 : memref<1x128xf32, #tpu.memory_space<hbm>>)
        tpu.yield
      }) : () -> ()
      %slice3A_435 = vector.extract_strided_slice %and3A_30 {offsets = [8], sizes = [1], strides = [1]} : vector<16xi32> to vector<1xi32>
      %squeeze3A_436 = vector.extract %slice3A_435[0] : i32 from vector<1xi32>
      %add3A_437 = arith.constant 64 : i32
      %add3A_438 = arith.addi %add3A_437, %squeeze3A_436 : i32
      %add3A_439 = arith.addi %mul3A_2, %multiple_of3A : i32
      %add3A_440 = arith.constant 8 : i32
      %add3A_441 = arith.addi %add3A_439, %add3A_440 : i32
      "tpu.region"() ({
        %run_scoped3A = tpu.sem_alloc : memref<!tpu.dma_semaphore, #tpu.memory_space<semaphore_mem>>
        %dma_start3A_491 = arith.constant 0 : i32
        %dma_start3A_492 = tpu.memref_slice %arg8[%add3A_438, %dma_start3A_491] : memref<128x128xf32, #tpu.memory_space<vmem>> -> memref<1x128xf32, #tpu.memory_space<vmem>>
        %dma_start3A_493 = arith.constant 0 : i32
        %dma_start3A_494 = tpu.memref_slice %arg5[%add3A_441, %dma_start3A_493] : memref<4096x128xf32, #tpu.memory_space<hbm>> -> memref<1x128xf32, #tpu.memory_space<hbm>>
        %dma_start3A_495 = arith.constant 0 : i32
        %dma_start3A_496 = tpu.memref_slice %arg5[%add3A_441, %dma_start3A_495] : memref<4096x128xf32, #tpu.memory_space<hbm>> -> memref<1x128xf32, #tpu.memory_space<hbm>>
        %dma_start3A_497 = arith.constant 0 : i32
        %dma_start3A_498 = tpu.memref_slice %arg8[%add3A_438, %dma_start3A_497] : memref<128x128xf32, #tpu.memory_space<vmem>> -> memref<1x128xf32, #tpu.memory_space<vmem>>
        tpu.enqueue_dma source(%dma_start3A_498 : memref<1x128xf32, #tpu.memory_space<vmem>>) target(%dma_start3A_496 : memref<1x128xf32, #tpu.memory_space<hbm>>) target_semaphore(%run_scoped3A : memref<!tpu.dma_semaphore, #tpu.memory_space<semaphore_mem>>)
        %dma_wait3A_499 = arith.constant 0 : i32
        %dma_wait3A_500 = tpu.memref_slice %arg8[%add3A_438, %dma_wait3A_499] : memref<128x128xf32, #tpu.memory_space<vmem>> -> memref<1x128xf32, #tpu.memory_space<vmem>>
        %dma_wait3A_501 = arith.constant 0 : i32
        %dma_wait3A_502 = tpu.memref_slice %arg5[%add3A_441, %dma_wait3A_501] : memref<4096x128xf32, #tpu.memory_space<hbm>> -> memref<1x128xf32, #tpu.memory_space<hbm>>
        %dma_wait3A_503 = arith.constant 0 : i32
        %dma_wait3A_504 = tpu.memref_slice %arg5[%add3A_441, %dma_wait3A_503] : memref<4096x128xf32, #tpu.memory_space<hbm>> -> memref<1x128xf32, #tpu.memory_space<hbm>>
        %dma_wait3A_505 = arith.constant 0 : i32
        %dma_wait3A_506 = tpu.memref_slice %arg8[%add3A_438, %dma_wait3A_505] : memref<128x128xf32, #tpu.memory_space<vmem>> -> memref<1x128xf32, #tpu.memory_space<vmem>>
        tpu.wait_dma2 semaphore(%run_scoped3A : memref<!tpu.dma_semaphore, #tpu.memory_space<semaphore_mem>>) src(%dma_wait3A_506 : memref<1x128xf32, #tpu.memory_space<vmem>>) dst(%dma_wait3A_504 : memref<1x128xf32, #tpu.memory_space<hbm>>)
        tpu.yield
      }) : () -> ()
      %slice3A_442 = vector.extract_strided_slice %and3A_30 {offsets = [9], sizes = [1], strides = [1]} : vector<16xi32> to vector<1xi32>
      %squeeze3A_443 = vector.extract %slice3A_442[0] : i32 from vector<1xi32>
      %add3A_444 = arith.constant 72 : i32
      %add3A_445 = arith.addi %add3A_444, %squeeze3A_443 : i32
      %add3A_446 = arith.addi %mul3A_2, %multiple_of3A : i32
      %add3A_447 = arith.constant 9 : i32
      %add3A_448 = arith.addi %add3A_446, %add3A_447 : i32
      "tpu.region"() ({
        %run_scoped3A = tpu.sem_alloc : memref<!tpu.dma_semaphore, #tpu.memory_space<semaphore_mem>>
        %dma_start3A_491 = arith.constant 0 : i32
        %dma_start3A_492 = tpu.memref_slice %arg8[%add3A_445, %dma_start3A_491] : memref<128x128xf32, #tpu.memory_space<vmem>> -> memref<1x128xf32, #tpu.memory_space<vmem>>
        %dma_start3A_493 = arith.constant 0 : i32
        %dma_start3A_494 = tpu.memref_slice %arg5[%add3A_448, %dma_start3A_493] : memref<4096x128xf32, #tpu.memory_space<hbm>> -> memref<1x128xf32, #tpu.memory_space<hbm>>
        %dma_start3A_495 = arith.constant 0 : i32
        %dma_start3A_496 = tpu.memref_slice %arg5[%add3A_448, %dma_start3A_495] : memref<4096x128xf32, #tpu.memory_space<hbm>> -> memref<1x128xf32, #tpu.memory_space<hbm>>
        %dma_start3A_497 = arith.constant 0 : i32
        %dma_start3A_498 = tpu.memref_slice %arg8[%add3A_445, %dma_start3A_497] : memref<128x128xf32, #tpu.memory_space<vmem>> -> memref<1x128xf32, #tpu.memory_space<vmem>>
        tpu.enqueue_dma source(%dma_start3A_498 : memref<1x128xf32, #tpu.memory_space<vmem>>) target(%dma_start3A_496 : memref<1x128xf32, #tpu.memory_space<hbm>>) target_semaphore(%run_scoped3A : memref<!tpu.dma_semaphore, #tpu.memory_space<semaphore_mem>>)
        %dma_wait3A_499 = arith.constant 0 : i32
        %dma_wait3A_500 = tpu.memref_slice %arg8[%add3A_445, %dma_wait3A_499] : memref<128x128xf32, #tpu.memory_space<vmem>> -> memref<1x128xf32, #tpu.memory_space<vmem>>
        %dma_wait3A_501 = arith.constant 0 : i32
        %dma_wait3A_502 = tpu.memref_slice %arg5[%add3A_448, %dma_wait3A_501] : memref<4096x128xf32, #tpu.memory_space<hbm>> -> memref<1x128xf32, #tpu.memory_space<hbm>>
        %dma_wait3A_503 = arith.constant 0 : i32
        %dma_wait3A_504 = tpu.memref_slice %arg5[%add3A_448, %dma_wait3A_503] : memref<4096x128xf32, #tpu.memory_space<hbm>> -> memref<1x128xf32, #tpu.memory_space<hbm>>
        %dma_wait3A_505 = arith.constant 0 : i32
        %dma_wait3A_506 = tpu.memref_slice %arg8[%add3A_445, %dma_wait3A_505] : memref<128x128xf32, #tpu.memory_space<vmem>> -> memref<1x128xf32, #tpu.memory_space<vmem>>
        tpu.wait_dma2 semaphore(%run_scoped3A : memref<!tpu.dma_semaphore, #tpu.memory_space<semaphore_mem>>) src(%dma_wait3A_506 : memref<1x128xf32, #tpu.memory_space<vmem>>) dst(%dma_wait3A_504 : memref<1x128xf32, #tpu.memory_space<hbm>>)
        tpu.yield
      }) : () -> ()
      %slice3A_449 = vector.extract_strided_slice %and3A_30 {offsets = [10], sizes = [1], strides = [1]} : vector<16xi32> to vector<1xi32>
      %squeeze3A_450 = vector.extract %slice3A_449[0] : i32 from vector<1xi32>
      %add3A_451 = arith.constant 80 : i32
      %add3A_452 = arith.addi %add3A_451, %squeeze3A_450 : i32
      %add3A_453 = arith.addi %mul3A_2, %multiple_of3A : i32
      %add3A_454 = arith.constant 10 : i32
      %add3A_455 = arith.addi %add3A_453, %add3A_454 : i32
      "tpu.region"() ({
        %run_scoped3A = tpu.sem_alloc : memref<!tpu.dma_semaphore, #tpu.memory_space<semaphore_mem>>
        %dma_start3A_491 = arith.constant 0 : i32
        %dma_start3A_492 = tpu.memref_slice %arg8[%add3A_452, %dma_start3A_491] : memref<128x128xf32, #tpu.memory_space<vmem>> -> memref<1x128xf32, #tpu.memory_space<vmem>>
        %dma_start3A_493 = arith.constant 0 : i32
        %dma_start3A_494 = tpu.memref_slice %arg5[%add3A_455, %dma_start3A_493] : memref<4096x128xf32, #tpu.memory_space<hbm>> -> memref<1x128xf32, #tpu.memory_space<hbm>>
        %dma_start3A_495 = arith.constant 0 : i32
        %dma_start3A_496 = tpu.memref_slice %arg5[%add3A_455, %dma_start3A_495] : memref<4096x128xf32, #tpu.memory_space<hbm>> -> memref<1x128xf32, #tpu.memory_space<hbm>>
        %dma_start3A_497 = arith.constant 0 : i32
        %dma_start3A_498 = tpu.memref_slice %arg8[%add3A_452, %dma_start3A_497] : memref<128x128xf32, #tpu.memory_space<vmem>> -> memref<1x128xf32, #tpu.memory_space<vmem>>
        tpu.enqueue_dma source(%dma_start3A_498 : memref<1x128xf32, #tpu.memory_space<vmem>>) target(%dma_start3A_496 : memref<1x128xf32, #tpu.memory_space<hbm>>) target_semaphore(%run_scoped3A : memref<!tpu.dma_semaphore, #tpu.memory_space<semaphore_mem>>)
        %dma_wait3A_499 = arith.constant 0 : i32
        %dma_wait3A_500 = tpu.memref_slice %arg8[%add3A_452, %dma_wait3A_499] : memref<128x128xf32, #tpu.memory_space<vmem>> -> memref<1x128xf32, #tpu.memory_space<vmem>>
        %dma_wait3A_501 = arith.constant 0 : i32
        %dma_wait3A_502 = tpu.memref_slice %arg5[%add3A_455, %dma_wait3A_501] : memref<4096x128xf32, #tpu.memory_space<hbm>> -> memref<1x128xf32, #tpu.memory_space<hbm>>
        %dma_wait3A_503 = arith.constant 0 : i32
        %dma_wait3A_504 = tpu.memref_slice %arg5[%add3A_455, %dma_wait3A_503] : memref<4096x128xf32, #tpu.memory_space<hbm>> -> memref<1x128xf32, #tpu.memory_space<hbm>>
        %dma_wait3A_505 = arith.constant 0 : i32
        %dma_wait3A_506 = tpu.memref_slice %arg8[%add3A_452, %dma_wait3A_505] : memref<128x128xf32, #tpu.memory_space<vmem>> -> memref<1x128xf32, #tpu.memory_space<vmem>>
        tpu.wait_dma2 semaphore(%run_scoped3A : memref<!tpu.dma_semaphore, #tpu.memory_space<semaphore_mem>>) src(%dma_wait3A_506 : memref<1x128xf32, #tpu.memory_space<vmem>>) dst(%dma_wait3A_504 : memref<1x128xf32, #tpu.memory_space<hbm>>)
        tpu.yield
      }) : () -> ()
      %slice3A_456 = vector.extract_strided_slice %and3A_30 {offsets = [11], sizes = [1], strides = [1]} : vector<16xi32> to vector<1xi32>
      %squeeze3A_457 = vector.extract %slice3A_456[0] : i32 from vector<1xi32>
      %add3A_458 = arith.constant 88 : i32
      %add3A_459 = arith.addi %add3A_458, %squeeze3A_457 : i32
      %add3A_460 = arith.addi %mul3A_2, %multiple_of3A : i32
      %add3A_461 = arith.constant 11 : i32
      %add3A_462 = arith.addi %add3A_460, %add3A_461 : i32
      "tpu.region"() ({
        %run_scoped3A = tpu.sem_alloc : memref<!tpu.dma_semaphore, #tpu.memory_space<semaphore_mem>>
        %dma_start3A_491 = arith.constant 0 : i32
        %dma_start3A_492 = tpu.memref_slice %arg8[%add3A_459, %dma_start3A_491] : memref<128x128xf32, #tpu.memory_space<vmem>> -> memref<1x128xf32, #tpu.memory_space<vmem>>
        %dma_start3A_493 = arith.constant 0 : i32
        %dma_start3A_494 = tpu.memref_slice %arg5[%add3A_462, %dma_start3A_493] : memref<4096x128xf32, #tpu.memory_space<hbm>> -> memref<1x128xf32, #tpu.memory_space<hbm>>
        %dma_start3A_495 = arith.constant 0 : i32
        %dma_start3A_496 = tpu.memref_slice %arg5[%add3A_462, %dma_start3A_495] : memref<4096x128xf32, #tpu.memory_space<hbm>> -> memref<1x128xf32, #tpu.memory_space<hbm>>
        %dma_start3A_497 = arith.constant 0 : i32
        %dma_start3A_498 = tpu.memref_slice %arg8[%add3A_459, %dma_start3A_497] : memref<128x128xf32, #tpu.memory_space<vmem>> -> memref<1x128xf32, #tpu.memory_space<vmem>>
        tpu.enqueue_dma source(%dma_start3A_498 : memref<1x128xf32, #tpu.memory_space<vmem>>) target(%dma_start3A_496 : memref<1x128xf32, #tpu.memory_space<hbm>>) target_semaphore(%run_scoped3A : memref<!tpu.dma_semaphore, #tpu.memory_space<semaphore_mem>>)
        %dma_wait3A_499 = arith.constant 0 : i32
        %dma_wait3A_500 = tpu.memref_slice %arg8[%add3A_459, %dma_wait3A_499] : memref<128x128xf32, #tpu.memory_space<vmem>> -> memref<1x128xf32, #tpu.memory_space<vmem>>
        %dma_wait3A_501 = arith.constant 0 : i32
        %dma_wait3A_502 = tpu.memref_slice %arg5[%add3A_462, %dma_wait3A_501] : memref<4096x128xf32, #tpu.memory_space<hbm>> -> memref<1x128xf32, #tpu.memory_space<hbm>>
        %dma_wait3A_503 = arith.constant 0 : i32
        %dma_wait3A_504 = tpu.memref_slice %arg5[%add3A_462, %dma_wait3A_503] : memref<4096x128xf32, #tpu.memory_space<hbm>> -> memref<1x128xf32, #tpu.memory_space<hbm>>
        %dma_wait3A_505 = arith.constant 0 : i32
        %dma_wait3A_506 = tpu.memref_slice %arg8[%add3A_459, %dma_wait3A_505] : memref<128x128xf32, #tpu.memory_space<vmem>> -> memref<1x128xf32, #tpu.memory_space<vmem>>
        tpu.wait_dma2 semaphore(%run_scoped3A : memref<!tpu.dma_semaphore, #tpu.memory_space<semaphore_mem>>) src(%dma_wait3A_506 : memref<1x128xf32, #tpu.memory_space<vmem>>) dst(%dma_wait3A_504 : memref<1x128xf32, #tpu.memory_space<hbm>>)
        tpu.yield
      }) : () -> ()
      %slice3A_463 = vector.extract_strided_slice %and3A_30 {offsets = [12], sizes = [1], strides = [1]} : vector<16xi32> to vector<1xi32>
      %squeeze3A_464 = vector.extract %slice3A_463[0] : i32 from vector<1xi32>
      %add3A_465 = arith.constant 96 : i32
      %add3A_466 = arith.addi %add3A_465, %squeeze3A_464 : i32
      %add3A_467 = arith.addi %mul3A_2, %multiple_of3A : i32
      %add3A_468 = arith.constant 12 : i32
      %add3A_469 = arith.addi %add3A_467, %add3A_468 : i32
      "tpu.region"() ({
        %run_scoped3A = tpu.sem_alloc : memref<!tpu.dma_semaphore, #tpu.memory_space<semaphore_mem>>
        %dma_start3A_491 = arith.constant 0 : i32
        %dma_start3A_492 = tpu.memref_slice %arg8[%add3A_466, %dma_start3A_491] : memref<128x128xf32, #tpu.memory_space<vmem>> -> memref<1x128xf32, #tpu.memory_space<vmem>>
        %dma_start3A_493 = arith.constant 0 : i32
        %dma_start3A_494 = tpu.memref_slice %arg5[%add3A_469, %dma_start3A_493] : memref<4096x128xf32, #tpu.memory_space<hbm>> -> memref<1x128xf32, #tpu.memory_space<hbm>>
        %dma_start3A_495 = arith.constant 0 : i32
        %dma_start3A_496 = tpu.memref_slice %arg5[%add3A_469, %dma_start3A_495] : memref<4096x128xf32, #tpu.memory_space<hbm>> -> memref<1x128xf32, #tpu.memory_space<hbm>>
        %dma_start3A_497 = arith.constant 0 : i32
        %dma_start3A_498 = tpu.memref_slice %arg8[%add3A_466, %dma_start3A_497] : memref<128x128xf32, #tpu.memory_space<vmem>> -> memref<1x128xf32, #tpu.memory_space<vmem>>
        tpu.enqueue_dma source(%dma_start3A_498 : memref<1x128xf32, #tpu.memory_space<vmem>>) target(%dma_start3A_496 : memref<1x128xf32, #tpu.memory_space<hbm>>) target_semaphore(%run_scoped3A : memref<!tpu.dma_semaphore, #tpu.memory_space<semaphore_mem>>)
        %dma_wait3A_499 = arith.constant 0 : i32
        %dma_wait3A_500 = tpu.memref_slice %arg8[%add3A_466, %dma_wait3A_499] : memref<128x128xf32, #tpu.memory_space<vmem>> -> memref<1x128xf32, #tpu.memory_space<vmem>>
        %dma_wait3A_501 = arith.constant 0 : i32
        %dma_wait3A_502 = tpu.memref_slice %arg5[%add3A_469, %dma_wait3A_501] : memref<4096x128xf32, #tpu.memory_space<hbm>> -> memref<1x128xf32, #tpu.memory_space<hbm>>
        %dma_wait3A_503 = arith.constant 0 : i32
        %dma_wait3A_504 = tpu.memref_slice %arg5[%add3A_469, %dma_wait3A_503] : memref<4096x128xf32, #tpu.memory_space<hbm>> -> memref<1x128xf32, #tpu.memory_space<hbm>>
        %dma_wait3A_505 = arith.constant 0 : i32
        %dma_wait3A_506 = tpu.memref_slice %arg8[%add3A_466, %dma_wait3A_505] : memref<128x128xf32, #tpu.memory_space<vmem>> -> memref<1x128xf32, #tpu.memory_space<vmem>>
        tpu.wait_dma2 semaphore(%run_scoped3A : memref<!tpu.dma_semaphore, #tpu.memory_space<semaphore_mem>>) src(%dma_wait3A_506 : memref<1x128xf32, #tpu.memory_space<vmem>>) dst(%dma_wait3A_504 : memref<1x128xf32, #tpu.memory_space<hbm>>)
        tpu.yield
      }) : () -> ()
      %slice3A_470 = vector.extract_strided_slice %and3A_30 {offsets = [13], sizes = [1], strides = [1]} : vector<16xi32> to vector<1xi32>
      %squeeze3A_471 = vector.extract %slice3A_470[0] : i32 from vector<1xi32>
      %add3A_472 = arith.constant 104 : i32
      %add3A_473 = arith.addi %add3A_472, %squeeze3A_471 : i32
      %add3A_474 = arith.addi %mul3A_2, %multiple_of3A : i32
      %add3A_475 = arith.constant 13 : i32
      %add3A_476 = arith.addi %add3A_474, %add3A_475 : i32
      "tpu.region"() ({
        %run_scoped3A = tpu.sem_alloc : memref<!tpu.dma_semaphore, #tpu.memory_space<semaphore_mem>>
        %dma_start3A_491 = arith.constant 0 : i32
        %dma_start3A_492 = tpu.memref_slice %arg8[%add3A_473, %dma_start3A_491] : memref<128x128xf32, #tpu.memory_space<vmem>> -> memref<1x128xf32, #tpu.memory_space<vmem>>
        %dma_start3A_493 = arith.constant 0 : i32
        %dma_start3A_494 = tpu.memref_slice %arg5[%add3A_476, %dma_start3A_493] : memref<4096x128xf32, #tpu.memory_space<hbm>> -> memref<1x128xf32, #tpu.memory_space<hbm>>
        %dma_start3A_495 = arith.constant 0 : i32
        %dma_start3A_496 = tpu.memref_slice %arg5[%add3A_476, %dma_start3A_495] : memref<4096x128xf32, #tpu.memory_space<hbm>> -> memref<1x128xf32, #tpu.memory_space<hbm>>
        %dma_start3A_497 = arith.constant 0 : i32
        %dma_start3A_498 = tpu.memref_slice %arg8[%add3A_473, %dma_start3A_497] : memref<128x128xf32, #tpu.memory_space<vmem>> -> memref<1x128xf32, #tpu.memory_space<vmem>>
        tpu.enqueue_dma source(%dma_start3A_498 : memref<1x128xf32, #tpu.memory_space<vmem>>) target(%dma_start3A_496 : memref<1x128xf32, #tpu.memory_space<hbm>>) target_semaphore(%run_scoped3A : memref<!tpu.dma_semaphore, #tpu.memory_space<semaphore_mem>>)
        %dma_wait3A_499 = arith.constant 0 : i32
        %dma_wait3A_500 = tpu.memref_slice %arg8[%add3A_473, %dma_wait3A_499] : memref<128x128xf32, #tpu.memory_space<vmem>> -> memref<1x128xf32, #tpu.memory_space<vmem>>
        %dma_wait3A_501 = arith.constant 0 : i32
        %dma_wait3A_502 = tpu.memref_slice %arg5[%add3A_476, %dma_wait3A_501] : memref<4096x128xf32, #tpu.memory_space<hbm>> -> memref<1x128xf32, #tpu.memory_space<hbm>>
        %dma_wait3A_503 = arith.constant 0 : i32
        %dma_wait3A_504 = tpu.memref_slice %arg5[%add3A_476, %dma_wait3A_503] : memref<4096x128xf32, #tpu.memory_space<hbm>> -> memref<1x128xf32, #tpu.memory_space<hbm>>
        %dma_wait3A_505 = arith.constant 0 : i32
        %dma_wait3A_506 = tpu.memref_slice %arg8[%add3A_473, %dma_wait3A_505] : memref<128x128xf32, #tpu.memory_space<vmem>> -> memref<1x128xf32, #tpu.memory_space<vmem>>
        tpu.wait_dma2 semaphore(%run_scoped3A : memref<!tpu.dma_semaphore, #tpu.memory_space<semaphore_mem>>) src(%dma_wait3A_506 : memref<1x128xf32, #tpu.memory_space<vmem>>) dst(%dma_wait3A_504 : memref<1x128xf32, #tpu.memory_space<hbm>>)
        tpu.yield
      }) : () -> ()
      %slice3A_477 = vector.extract_strided_slice %and3A_30 {offsets = [14], sizes = [1], strides = [1]} : vector<16xi32> to vector<1xi32>
      %squeeze3A_478 = vector.extract %slice3A_477[0] : i32 from vector<1xi32>
      %add3A_479 = arith.constant 112 : i32
      %add3A_480 = arith.addi %add3A_479, %squeeze3A_478 : i32
      %add3A_481 = arith.addi %mul3A_2, %multiple_of3A : i32
      %add3A_482 = arith.constant 14 : i32
      %add3A_483 = arith.addi %add3A_481, %add3A_482 : i32
      "tpu.region"() ({
        %run_scoped3A = tpu.sem_alloc : memref<!tpu.dma_semaphore, #tpu.memory_space<semaphore_mem>>
        %dma_start3A_491 = arith.constant 0 : i32
        %dma_start3A_492 = tpu.memref_slice %arg8[%add3A_480, %dma_start3A_491] : memref<128x128xf32, #tpu.memory_space<vmem>> -> memref<1x128xf32, #tpu.memory_space<vmem>>
        %dma_start3A_493 = arith.constant 0 : i32
        %dma_start3A_494 = tpu.memref_slice %arg5[%add3A_483, %dma_start3A_493] : memref<4096x128xf32, #tpu.memory_space<hbm>> -> memref<1x128xf32, #tpu.memory_space<hbm>>
        %dma_start3A_495 = arith.constant 0 : i32
        %dma_start3A_496 = tpu.memref_slice %arg5[%add3A_483, %dma_start3A_495] : memref<4096x128xf32, #tpu.memory_space<hbm>> -> memref<1x128xf32, #tpu.memory_space<hbm>>
        %dma_start3A_497 = arith.constant 0 : i32
        %dma_start3A_498 = tpu.memref_slice %arg8[%add3A_480, %dma_start3A_497] : memref<128x128xf32, #tpu.memory_space<vmem>> -> memref<1x128xf32, #tpu.memory_space<vmem>>
        tpu.enqueue_dma source(%dma_start3A_498 : memref<1x128xf32, #tpu.memory_space<vmem>>) target(%dma_start3A_496 : memref<1x128xf32, #tpu.memory_space<hbm>>) target_semaphore(%run_scoped3A : memref<!tpu.dma_semaphore, #tpu.memory_space<semaphore_mem>>)
        %dma_wait3A_499 = arith.constant 0 : i32
        %dma_wait3A_500 = tpu.memref_slice %arg8[%add3A_480, %dma_wait3A_499] : memref<128x128xf32, #tpu.memory_space<vmem>> -> memref<1x128xf32, #tpu.memory_space<vmem>>
        %dma_wait3A_501 = arith.constant 0 : i32
        %dma_wait3A_502 = tpu.memref_slice %arg5[%add3A_483, %dma_wait3A_501] : memref<4096x128xf32, #tpu.memory_space<hbm>> -> memref<1x128xf32, #tpu.memory_space<hbm>>
        %dma_wait3A_503 = arith.constant 0 : i32
        %dma_wait3A_504 = tpu.memref_slice %arg5[%add3A_483, %dma_wait3A_503] : memref<4096x128xf32, #tpu.memory_space<hbm>> -> memref<1x128xf32, #tpu.memory_space<hbm>>
        %dma_wait3A_505 = arith.constant 0 : i32
        %dma_wait3A_506 = tpu.memref_slice %arg8[%add3A_480, %dma_wait3A_505] : memref<128x128xf32, #tpu.memory_space<vmem>> -> memref<1x128xf32, #tpu.memory_space<vmem>>
        tpu.wait_dma2 semaphore(%run_scoped3A : memref<!tpu.dma_semaphore, #tpu.memory_space<semaphore_mem>>) src(%dma_wait3A_506 : memref<1x128xf32, #tpu.memory_space<vmem>>) dst(%dma_wait3A_504 : memref<1x128xf32, #tpu.memory_space<hbm>>)
        tpu.yield
      }) : () -> ()
      %slice3A_484 = vector.extract_strided_slice %and3A_30 {offsets = [15], sizes = [1], strides = [1]} : vector<16xi32> to vector<1xi32>
      %squeeze3A_485 = vector.extract %slice3A_484[0] : i32 from vector<1xi32>
      %add3A_486 = arith.constant 120 : i32
      %add3A_487 = arith.addi %add3A_486, %squeeze3A_485 : i32
      %add3A_488 = arith.addi %mul3A_2, %multiple_of3A : i32
      %add3A_489 = arith.constant 15 : i32
      %add3A_490 = arith.addi %add3A_488, %add3A_489 : i32
      "tpu.region"() ({
        %run_scoped3A = tpu.sem_alloc : memref<!tpu.dma_semaphore, #tpu.memory_space<semaphore_mem>>
        %dma_start3A_491 = arith.constant 0 : i32
        %dma_start3A_492 = tpu.memref_slice %arg8[%add3A_487, %dma_start3A_491] : memref<128x128xf32, #tpu.memory_space<vmem>> -> memref<1x128xf32, #tpu.memory_space<vmem>>
        %dma_start3A_493 = arith.constant 0 : i32
        %dma_start3A_494 = tpu.memref_slice %arg5[%add3A_490, %dma_start3A_493] : memref<4096x128xf32, #tpu.memory_space<hbm>> -> memref<1x128xf32, #tpu.memory_space<hbm>>
        %dma_start3A_495 = arith.constant 0 : i32
        %dma_start3A_496 = tpu.memref_slice %arg5[%add3A_490, %dma_start3A_495] : memref<4096x128xf32, #tpu.memory_space<hbm>> -> memref<1x128xf32, #tpu.memory_space<hbm>>
        %dma_start3A_497 = arith.constant 0 : i32
        %dma_start3A_498 = tpu.memref_slice %arg8[%add3A_487, %dma_start3A_497] : memref<128x128xf32, #tpu.memory_space<vmem>> -> memref<1x128xf32, #tpu.memory_space<vmem>>
        tpu.enqueue_dma source(%dma_start3A_498 : memref<1x128xf32, #tpu.memory_space<vmem>>) target(%dma_start3A_496 : memref<1x128xf32, #tpu.memory_space<hbm>>) target_semaphore(%run_scoped3A : memref<!tpu.dma_semaphore, #tpu.memory_space<semaphore_mem>>)
        %dma_wait3A_499 = arith.constant 0 : i32
        %dma_wait3A_500 = tpu.memref_slice %arg8[%add3A_487, %dma_wait3A_499] : memref<128x128xf32, #tpu.memory_space<vmem>> -> memref<1x128xf32, #tpu.memory_space<vmem>>
        %dma_wait3A_501 = arith.constant 0 : i32
        %dma_wait3A_502 = tpu.memref_slice %arg5[%add3A_490, %dma_wait3A_501] : memref<4096x128xf32, #tpu.memory_space<hbm>> -> memref<1x128xf32, #tpu.memory_space<hbm>>
        %dma_wait3A_503 = arith.constant 0 : i32
        %dma_wait3A_504 = tpu.memref_slice %arg5[%add3A_490, %dma_wait3A_503] : memref<4096x128xf32, #tpu.memory_space<hbm>> -> memref<1x128xf32, #tpu.memory_space<hbm>>
        %dma_wait3A_505 = arith.constant 0 : i32
        %dma_wait3A_506 = tpu.memref_slice %arg8[%add3A_487, %dma_wait3A_505] : memref<128x128xf32, #tpu.memory_space<vmem>> -> memref<1x128xf32, #tpu.memory_space<vmem>>
        tpu.wait_dma2 semaphore(%run_scoped3A : memref<!tpu.dma_semaphore, #tpu.memory_space<semaphore_mem>>) src(%dma_wait3A_506 : memref<1x128xf32, #tpu.memory_space<vmem>>) dst(%dma_wait3A_504 : memref<1x128xf32, #tpu.memory_space<hbm>>)
        tpu.yield
      }) : () -> ()
    }
    %scan3A_6 = arith.constant 8 : i32
    return
  }
}

module attributes {stable_mosaic.version = 14 : i64} {
  func.func @_sweep_body(%arg0: i32, %arg1: memref<256x10001xf32, #tpu.memory_space<vmem>>, %arg2: memref<10001x16xf32, #tpu.memory_space<vmem>>, %arg3: memref<256x16xf32, #tpu.memory_space<vmem>>, %arg4: memref<256x128xf32, #tpu.memory_space<vmem>>, %arg5: memref<10001x128xf32, #tpu.memory_space<vmem>>, %arg6: memref<10001x16xf32, #tpu.memory_space<vmem>>) attributes {dimension_semantics = [#tpu.dimension_semantics<arbitrary>], iteration_bounds = array<i64: 20>, scalar_prefetch = 0 : i64, scratch_operands = 1 : i64, tpu.core_type = #tpu.core_type<tc>, window_params = [{transform_indices = @transform_0, window_bounds = array<i64: 256, 10001>}, {pipeline_mode = #tpu.pipeline_mode<synchronous>, transform_indices = @transform_1, window_bounds = array<i64: 10001, 16>}, {transform_indices = @transform_2, window_bounds = array<i64: 256, 16>}, {transform_indices = @transform_3, window_bounds = array<i64: 256, 128>}, {pipeline_mode = #tpu.pipeline_mode<synchronous>, transform_indices = @transform_4, window_bounds = array<i64: 10001, 128>}]} {
    %get3A = arith.constant 0 : index
    %get3A_0 = arith.constant 0 : index
    %get3A_1 = vector.load %arg1[%get3A, %get3A_0] : memref<256x10001xf32, #tpu.memory_space<vmem>>, vector<256x10001xf32>
    %mul3A = arith.constant 256 : i32
    %mul3A_2 = arith.muli %arg0, %mul3A : i32
    %iota3A = tpu.iota {dimensions = array<i32: 0>} : vector<256x1xi32>
    %add3A = vector.broadcast %mul3A_2 : i32 to vector<256x1xi32>
    %add3A_3 = arith.addi %add3A, %iota3A : vector<256x1xi32>
    %lt3A = arith.constant 5000 : i32
    %lt3A_4 = vector.broadcast %lt3A : i32 to vector<256x1xi32>
    %lt3A_5 = arith.cmpi slt, %add3A_3, %lt3A_4 : vector<256x1xi32>
    %jit3A = arith.constant 0.000000e+00 : f32
    %broadcast_in_dim3A = vector.shape_cast %lt3A_5 : vector<256x1xi1> to vector<256x1xi1>
    %broadcast_in_dim3A_6 = vector.broadcast %broadcast_in_dim3A : vector<256x1xi1> to vector<256x10001xi1>
    %broadcast_in_dim3A_7 = vector.broadcast %jit3A : f32 to vector<256x10001xf32>
    %select_n3A = arith.select %broadcast_in_dim3A_6, %get3A_1, %broadcast_in_dim3A_7 : vector<256x10001xi1>, vector<256x10001xf32>
    %get3A_8 = arith.constant 0 : index
    %get3A_9 = arith.constant 0 : index
    %get3A_10 = vector.load %arg2[%get3A_8, %get3A_9] : memref<10001x16xf32, #tpu.memory_space<vmem>>, vector<10001x16xf32>
    %dot_general3A = arith.constant dense<0.000000e+00> : vector<256x16xf32>
    %dot_general3A_11 = tpu.matmul %select_n3A, %get3A_10, %dot_general3A {dimension_numbers = #tpu.dot_dimension_numbers<[1], [0], [0], [1], [0, 0, 1, 1], [], []>, transpose_lhs_hint = false} : vector<256x10001xf32>, vector<10001x16xf32>, vector<256x16xf32> -> vector<256x16xf32>
    %broadcast_in_dim3A_12 = arith.constant 0.000000e+00 : f32
    %broadcast_in_dim3A_13 = vector.broadcast %broadcast_in_dim3A_12 : f32 to vector<256x112xf32>
    %concatenate3A = tpu.concatenate %dot_general3A_11, %broadcast_in_dim3A_13 in 1 : vector<256x16xf32>, vector<256x112xf32> -> vector<256x128xf32>
    %swap3A = arith.constant 0 : index
    %swap3A_14 = arith.constant 0 : index
    %swap3A_15 = vector.load %arg4[%swap3A, %swap3A_14] : memref<256x128xf32, #tpu.memory_space<vmem>>, vector<256x128xf32>
    tpu.vector_store %arg4[%swap3A, %swap3A_14], %concatenate3A {strides = array<i32>} : memref<256x128xf32, #tpu.memory_space<vmem>>, vector<256x128xf32>,
    %get3A_16 = arith.constant 0 : index
    %get3A_17 = arith.constant 0 : index
    %get3A_18 = vector.load %arg3[%get3A_16, %get3A_17] : memref<256x16xf32, #tpu.memory_space<vmem>>, vector<256x16xf32>
    %dot_general3A_19 = arith.constant dense<0.000000e+00> : vector<10001x16xf32>
    %dot_general3A_20 = tpu.matmul %select_n3A, %get3A_18, %dot_general3A_19 {dimension_numbers = #tpu.dot_dimension_numbers<[0], [0], [1], [1], [0, 1, 1, 1], [], []>, transpose_lhs_hint = false} : vector<256x10001xf32>, vector<256x16xf32>, vector<10001x16xf32> -> vector<10001x16xf32>
    %eq3A = arith.constant 0 : i32
    %eq3A_21 = arith.cmpi eq, %arg0, %eq3A : i32
    %convert_element_type3A = arith.extui %eq3A_21 : i1 to i32
    %cond3A = arith.constant 0 : i32
    %cond3A_22 = arith.cmpi ne, %convert_element_type3A, %cond3A : i32
    scf.if %cond3A_22 {
      %swap3A_32 = arith.constant 0 : index
      %swap3A_33 = arith.constant 0 : index
      %swap3A_34 = vector.load %arg6[%swap3A_32, %swap3A_33] : memref<10001x16xf32, #tpu.memory_space<vmem>>, vector<10001x16xf32>
      tpu.vector_store %arg6[%swap3A_32, %swap3A_33], %dot_general3A_20 {strides = array<i32>} : memref<10001x16xf32, #tpu.memory_space<vmem>>, vector<10001x16xf32>,
    } else {
    }
    %ne3A = arith.constant 0 : i32
    %ne3A_23 = arith.cmpi ne, %arg0, %ne3A : i32
    %convert_element_type3A_24 = arith.extui %ne3A_23 : i1 to i32
    %cond3A_25 = arith.constant 0 : i32
    %cond3A_26 = arith.cmpi ne, %convert_element_type3A_24, %cond3A_25 : i32
    scf.if %cond3A_26 {
      %get3A_32 = arith.constant 0 : index
      %get3A_33 = arith.constant 0 : index
      %get3A_34 = vector.load %arg6[%get3A_32, %get3A_33] : memref<10001x16xf32, #tpu.memory_space<vmem>>, vector<10001x16xf32>
      %add3A_35 = arith.addf %get3A_34, %dot_general3A_20 : vector<10001x16xf32>
      %swap3A_36 = arith.constant 0 : index
      %swap3A_37 = arith.constant 0 : index
      %swap3A_38 = vector.load %arg6[%swap3A_36, %swap3A_37] : memref<10001x16xf32, #tpu.memory_space<vmem>>, vector<10001x16xf32>
      tpu.vector_store %arg6[%swap3A_36, %swap3A_37], %add3A_35 {strides = array<i32>} : memref<10001x16xf32, #tpu.memory_space<vmem>>, vector<10001x16xf32>,
    } else {
    }
    %eq3A_27 = arith.constant 19 : i32
    %eq3A_28 = arith.cmpi eq, %arg0, %eq3A_27 : i32
    %convert_element_type3A_29 = arith.extui %eq3A_28 : i1 to i32
    %cond3A_30 = arith.constant 0 : i32
    %cond3A_31 = arith.cmpi ne, %convert_element_type3A_29, %cond3A_30 : i32
    scf.if %cond3A_31 {
      %get3A_32 = arith.constant 0 : index
      %get3A_33 = arith.constant 0 : index
      %get3A_34 = vector.load %arg6[%get3A_32, %get3A_33] : memref<10001x16xf32, #tpu.memory_space<vmem>>, vector<10001x16xf32>
      %broadcast_in_dim3A_35 = arith.constant 0.000000e+00 : f32
      %broadcast_in_dim3A_36 = vector.broadcast %broadcast_in_dim3A_35 : f32 to vector<10001x112xf32>
      %concatenate3A_37 = tpu.concatenate %get3A_34, %broadcast_in_dim3A_36 in 1 : vector<10001x16xf32>, vector<10001x112xf32> -> vector<10001x128xf32>
      %swap3A_38 = arith.constant 0 : index
      %swap3A_39 = arith.constant 0 : index
      %swap3A_40 = vector.load %arg5[%swap3A_38, %swap3A_39] : memref<10001x128xf32, #tpu.memory_space<vmem>>, vector<10001x128xf32>
      tpu.vector_store %arg5[%swap3A_38, %swap3A_39], %concatenate3A_37 {strides = array<i32>} : memref<10001x128xf32, #tpu.memory_space<vmem>>, vector<10001x128xf32>,
    } else {
    }
    return
  }
  func.func @transform_0(%arg0: i32) -> (i32, i32) {
    %c0_i32 = arith.constant 0 : i32
    %c0_i32_0 = arith.constant 0 : i32
    return %arg0, %c0_i32 : i32, i32
  }
  func.func @transform_1(%arg0: i32) -> (i32, i32) {
    %c0_i32 = arith.constant 0 : i32
    %c0_i32_0 = arith.constant 0 : i32
    %c0_i32_1 = arith.constant 0 : i32
    return %c0_i32, %c0_i32_0 : i32, i32
  }
  func.func @transform_2(%arg0: i32) -> (i32, i32) {
    %c0_i32 = arith.constant 0 : i32
    %c0_i32_0 = arith.constant 0 : i32
    return %arg0, %c0_i32 : i32, i32
  }
  func.func @transform_3(%arg0: i32) -> (i32, i32) {
    %c0_i32 = arith.constant 0 : i32
    %c0_i32_0 = arith.constant 0 : i32
    return %arg0, %c0_i32 : i32, i32
  }
  func.func @transform_4(%arg0: i32) -> (i32, i32) {
    %c0_i32 = arith.constant 0 : i32
    %c0_i32_0 = arith.constant 0 : i32
    %c0_i32_1 = arith.constant 0 : i32
    return %c0_i32, %c0_i32_0 : i32, i32
  }
}

module attributes {stable_mosaic.version = 14 : i64} {
  func.func @_mlp_body(%arg0: memref<4096x128xf32, #tpu.memory_space<vmem>>, %arg1: memref<4096x128xf32, #tpu.memory_space<vmem>>, %arg2: memref<4096x128xf32, #tpu.memory_space<vmem>>, %arg3: memref<4096x128xf32, #tpu.memory_space<vmem>>, %arg4: memref<4096x128xf32, #tpu.memory_space<vmem>>, %arg5: memref<4096x1xi32, #tpu.memory_space<vmem>>, %arg6: memref<4096x1xi32, #tpu.memory_space<vmem>>, %arg7: memref<32x64xf32, #tpu.memory_space<vmem>>, %arg8: memref<1x32xf32, #tpu.memory_space<vmem>>, %arg9: memref<1x32xf32, #tpu.memory_space<vmem>>, %arg10: memref<1x32xf32, #tpu.memory_space<vmem>>, %arg11: memref<1x32xf32, #tpu.memory_space<vmem>>, %arg12: memref<4096x1xf32, #tpu.memory_space<vmem>>) attributes {dimension_semantics = [], scalar_prefetch = 0 : i64, scratch_operands = 0 : i64, tpu.core_type = #tpu.core_type<tc>} {
    %get3A = arith.constant 0 : index
    %get3A_0 = arith.constant 0 : index
    %get3A_1 = vector.load %arg5[%get3A, %get3A_0] : memref<4096x1xi32, #tpu.memory_space<vmem>>, vector<4096x1xi32>
    %iota3A = tpu.iota {dimensions = array<i32: 1>} : vector<4096x128xi32>
    %and3A = arith.constant 127 : i32
    %and3A_2 = vector.broadcast %and3A : i32 to vector<4096x1xi32>
    %and3A_3 = arith.andi %get3A_1, %and3A_2 : vector<4096x1xi32>
    %eq3A = vector.broadcast %and3A_3 : vector<4096x1xi32> to vector<4096x128xi32>
    %eq3A_4 = arith.cmpi eq, %iota3A, %eq3A : vector<4096x128xi32>
    %get3A_5 = arith.constant 0 : index
    %get3A_6 = arith.constant 0 : index
    %get3A_7 = vector.load %arg4[%get3A_5, %get3A_6] : memref<4096x128xf32, #tpu.memory_space<vmem>>, vector<4096x128xf32>
    %jit3A = arith.constant 0.000000e+00 : f32
    %broadcast_in_dim3A = vector.broadcast %jit3A : f32 to vector<4096x128xf32>
    %select_n3A = arith.select %eq3A_4, %get3A_7, %broadcast_in_dim3A : vector<4096x128xi1>, vector<4096x128xf32>
    %reduce_sum3A = arith.constant dense<0.000000e+00> : vector<4096xf32>
    %reduce_sum3A_8 = vector.multi_reduction <add>, %select_n3A, %reduce_sum3A [1] : vector<4096x128xf32> to vector<4096xf32>
    %broadcast_in_dim3A_9 = vector.shape_cast %reduce_sum3A_8 : vector<4096xf32> to vector<4096x1xf32>
    %get3A_10 = arith.constant 0 : index
    %get3A_11 = arith.constant 0 : index
    %get3A_12 = vector.load %arg0[%get3A_10, %get3A_11] : memref<4096x128xf32, #tpu.memory_space<vmem>>, vector<4096x128xf32>
    %get3A_13 = arith.constant 0 : index
    %get3A_14 = arith.constant 0 : index
    %get3A_15 = vector.load %arg1[%get3A_13, %get3A_14] : memref<4096x128xf32, #tpu.memory_space<vmem>>, vector<4096x128xf32>
    %get3A_16 = arith.constant 0 : index
    %get3A_17 = arith.constant 0 : index
    %get3A_18 = vector.load %arg2[%get3A_16, %get3A_17] : memref<4096x128xf32, #tpu.memory_space<vmem>>, vector<4096x16xf32>
    %slice3A = vector.extract_strided_slice %get3A_15 {offsets = [0, 16], sizes = [4096, 16], strides = [1, 1]} : vector<4096x128xf32> to vector<4096x16xf32>
    %mul3A = vector.broadcast %broadcast_in_dim3A_9 : vector<4096x1xf32> to vector<4096x16xf32>
    %mul3A_19 = arith.mulf %mul3A, %slice3A : vector<4096x16xf32>
    %sub3A = arith.subf %get3A_18, %mul3A_19 : vector<4096x16xf32>
    %get3A_20 = arith.constant 0 : index
    %get3A_21 = arith.constant 0 : index
    %get3A_22 = vector.load %arg3[%get3A_20, %get3A_21] : memref<4096x128xf32, #tpu.memory_space<vmem>>, vector<4096x16xf32>
    %slice3A_23 = vector.extract_strided_slice %get3A_12 {offsets = [0, 16], sizes = [4096, 16], strides = [1, 1]} : vector<4096x128xf32> to vector<4096x16xf32>
    %mul3A_24 = vector.broadcast %broadcast_in_dim3A_9 : vector<4096x1xf32> to vector<4096x16xf32>
    %mul3A_25 = arith.mulf %mul3A_24, %slice3A_23 : vector<4096x16xf32>
    %sub3A_26 = arith.subf %get3A_22, %mul3A_25 : vector<4096x16xf32>
    %slice3A_27 = vector.extract_strided_slice %get3A_12 {offsets = [0, 0], sizes = [4096, 16], strides = [1, 1]} : vector<4096x128xf32> to vector<4096x16xf32>
    %slice3A_28 = vector.extract_strided_slice %get3A_15 {offsets = [0, 0], sizes = [4096, 16], strides = [1, 1]} : vector<4096x128xf32> to vector<4096x16xf32>
    %concatenate3A = tpu.concatenate %slice3A_27, %sub3A, %slice3A_28, %sub3A_26 in 1 : vector<4096x16xf32>, vector<4096x16xf32>, vector<4096x16xf32>, vector<4096x16xf32> -> vector<4096x64xf32>
    %get3A_29 = arith.constant 0 : index
    %get3A_30 = arith.constant 0 : index
    %get3A_31 = vector.load %arg7[%get3A_29, %get3A_30] : memref<32x64xf32, #tpu.memory_space<vmem>>, vector<32x64xf32>
    %dot_general3A = arith.constant dense<0.000000e+00> : vector<4096x32xf32>
    %dot_general3A_32 = tpu.matmul %concatenate3A, %get3A_31, %dot_general3A {dimension_numbers = #tpu.dot_dimension_numbers<[1], [1], [0], [0], [0, 0, 1, 0], [], []>, transpose_lhs_hint = false} : vector<4096x64xf32>, vector<32x64xf32>, vector<4096x32xf32> -> vector<4096x32xf32>
    %get3A_33 = arith.constant 0 : index
    %get3A_34 = arith.constant 0 : index
    %get3A_35 = vector.load %arg8[%get3A_33, %get3A_34] : memref<1x32xf32, #tpu.memory_space<vmem>>, vector<1x32xf32>
    %add3A = vector.broadcast %get3A_35 : vector<1x32xf32> to vector<4096x32xf32>
    %add3A_36 = arith.addf %dot_general3A_32, %add3A : vector<4096x32xf32>
    %reduce_sum3A_37 = arith.constant dense<0.000000e+00> : vector<4096xf32>
    %reduce_sum3A_38 = vector.multi_reduction <add>, %add3A_36, %reduce_sum3A_37 [1] : vector<4096x32xf32> to vector<4096xf32>
    %broadcast_in_dim3A_39 = vector.shape_cast %reduce_sum3A_38 : vector<4096xf32> to vector<4096x1xf32>
    %div3A = arith.constant 3.200000e+01 : f32
    %div3A_40 = vector.broadcast %div3A : f32 to vector<4096x1xf32>
    %div3A_41 = arith.divf %broadcast_in_dim3A_39, %div3A_40 : vector<4096x1xf32>
    %sub3A_42 = vector.broadcast %div3A_41 : vector<4096x1xf32> to vector<4096x32xf32>
    %sub3A_43 = arith.subf %add3A_36, %sub3A_42 : vector<4096x32xf32>
    %square3A = arith.mulf %sub3A_43, %sub3A_43 : vector<4096x32xf32>
    %reduce_sum3A_44 = arith.constant dense<0.000000e+00> : vector<4096xf32>
    %reduce_sum3A_45 = vector.multi_reduction <add>, %square3A, %reduce_sum3A_44 [1] : vector<4096x32xf32> to vector<4096xf32>
    %broadcast_in_dim3A_46 = vector.shape_cast %reduce_sum3A_45 : vector<4096xf32> to vector<4096x1xf32>
    %div3A_47 = arith.constant 3.200000e+01 : f32
    %div3A_48 = vector.broadcast %div3A_47 : f32 to vector<4096x1xf32>
    %div3A_49 = arith.divf %broadcast_in_dim3A_46, %div3A_48 : vector<4096x1xf32>
    %sub3A_50 = vector.broadcast %div3A_41 : vector<4096x1xf32> to vector<4096x32xf32>
    %sub3A_51 = arith.subf %add3A_36, %sub3A_50 : vector<4096x32xf32>
    %add3A_52 = arith.constant 9.99999974E-6 : f32
    %add3A_53 = vector.broadcast %add3A_52 : f32 to vector<4096x1xf32>
    %add3A_54 = arith.addf %div3A_49, %add3A_53 : vector<4096x1xf32>
    %rsqrt3A = math.rsqrt %add3A_54 : vector<4096x1xf32>
    %mul3A_55 = vector.broadcast %rsqrt3A : vector<4096x1xf32> to vector<4096x32xf32>
    %mul3A_56 = arith.mulf %sub3A_51, %mul3A_55 : vector<4096x32xf32>
    %get3A_57 = arith.constant 0 : index
    %get3A_58 = arith.constant 0 : index
    %get3A_59 = vector.load %arg9[%get3A_57, %get3A_58] : memref<1x32xf32, #tpu.memory_space<vmem>>, vector<1x32xf32>
    %mul3A_60 = vector.broadcast %get3A_59 : vector<1x32xf32> to vector<4096x32xf32>
    %mul3A_61 = arith.mulf %mul3A_56, %mul3A_60 : vector<4096x32xf32>
    %get3A_62 = arith.constant 0 : index
    %get3A_63 = arith.constant 0 : index
    %get3A_64 = vector.load %arg10[%get3A_62, %get3A_63] : memref<1x32xf32, #tpu.memory_space<vmem>>, vector<1x32xf32>
    %add3A_65 = vector.broadcast %get3A_64 : vector<1x32xf32> to vector<4096x32xf32>
    %add3A_66 = arith.addf %mul3A_61, %add3A_65 : vector<4096x32xf32>
    %max3A = arith.constant 0.000000e+00 : f32
    %max3A_67 = vector.broadcast %max3A : f32 to vector<4096x32xf32>
    %max3A_68 = arith.maximumf %add3A_66, %max3A_67 : vector<4096x32xf32>
    %get3A_69 = arith.constant 0 : index
    %get3A_70 = arith.constant 0 : index
    %get3A_71 = vector.load %arg11[%get3A_69, %get3A_70] : memref<1x32xf32, #tpu.memory_space<vmem>>, vector<1x32xf32>
    %dot_general3A_72 = arith.constant dense<0.000000e+00> : vector<4096x1xf32>
    %dot_general3A_73 = tpu.matmul %max3A_68, %get3A_71, %dot_general3A_72 {dimension_numbers = #tpu.dot_dimension_numbers<[1], [1], [0], [0], [0, 0, 1, 0], [], []>, transpose_lhs_hint = false} : vector<4096x32xf32>, vector<1x32xf32>, vector<4096x1xf32> -> vector<4096x1xf32>
    %swap3A = arith.constant 0 : index
    %swap3A_74 = arith.constant 0 : index
    %swap3A_75 = vector.load %arg12[%swap3A, %swap3A_74] : memref<4096x1xf32, #tpu.memory_space<vmem>>, vector<4096x1xf32>
    tpu.vector_store %arg12[%swap3A, %swap3A_74], %dot_general3A_73 {strides = array<i32>} : memref<4096x1xf32, #tpu.memory_space<vmem>>, vector<4096x1xf32>,
    return
  }
}

</mosaic_0001>

<sc_bundles>
// kernel: kernel.10.cloned.1.call-start
scs
__scs_entry_jumppad:
0x0: {  	(pc) =	sbr.rel $0x88, $3  }
0x1: {  	(tag) =	ssettag $0x0;
	lr =	simm.s32 $0x1  }
0x2: {  	[smem:$0x3F94] =	sst lr;
	_ =	strace $0xD0000000  }
0x3: {  	_ = 	snop  }
0x4: {  	_ = 	snop  }
0x5: {  	_ = 	snop  }
0x6: {  	_ = 	snop  }
0x7: {  	_ = 	snop  }
__scs_overlays_trampoline_lowered:
0x8: {  	[smem:$0x3FA3] =	sst s0  }
0x9: {  	[smem:$0x3FA4] =	sst s1  }
0xa: {  	[smem:$0x3FA5] =	sst s2  }
0xb: {  	[smem:$0x3FA6] =	sst s3  }
0xc: {  	[smem:$0x3FA7] =	sst s4  }
0xd: {  	[smem:$0x3FA8] =	sst s5  }
0xe: {  	[smem:$0x3FA9] =	sst s6  }
0xf: {  	[smem:$0x3FAA] =	sst s7  }
0x10: {  	[smem:$0x3FAB] =	sst s8  }
0x11: {  	[smem:$0x3FAC] =	sst s9;
	s0 =	simm.s32 @!p0 $0x0  }
0x12: {  	s1 =	sld [smem:$0x3F92];
	s0 =	simm.s32 @p0 $0x1  }
0x13: {  	[smem:$0x3FAD] =	sst s0;
	s0 =	simm.s32 @!p1 $0x0  }
0x14: {  	s2 =	sld [smem:$0x3F91];
	s0 =	simm.s32 @p1 $0x1  }
0x15: {  	[smem:$0x3FAE] =	sst s0;
	s0 =	simm.s32 @!p2 $0x0  }
0x16: {  	s3 =	sld [smem:$0x3FDB];
	s0 =	simm.s32 @p2 $0x1  }
0x17: {  	s4 =	simm.s32 $0x1BF5;
	[smem:$0x3FB0] =	sst s0  }
0x18: {  	s0 =	sld [smem:$0x3F93];
	_ =	swait.ge [sflag:s4], $0x0  }
0x19: {  	s7 =	sld [smem:$0x3F94]  }
0x1a: {  	s8 =	sadd.s32 $0xFFFFE003, lr  }
0x1b: {  	s9 =	sadd.s32 $0xFFFFFEF7, lr;
	s5 =	simm.s32 $0xFFFFFFFF;
	p2 =	slt.u32 s8, $0xFFFFF086  }
0x1c: {  	p1 =	slt.u32 s9, $0xF7A;
	s5 =	simm.s32 @!p2 $0x0  }
0x1d: {  	s5 =	simm.s32 @p1 $0x1;
	p0 =	seq.s32 s7, s2  }
0x1e: {  	s7 =	smul.u32 @!p0 $0xF7A, s2;
	p2 =	seq.s32 @!p0 s5, $0x0  }
0x1f: {  	s9 =	smul.u32 $0xF7A, s1;
	s8 =	simm.s32 @!p0 $0x1BF5;
	p2 =	por !p2, p0  }
0x20: {  	[sflag:s8] =	ssyncset.s32 @!p0 $0xFFFFF086;
	s6 =	sadd.s32 @!p0 s3, s7;
	s7 =	simm.s32 @!p0 $0x108  }
0x21: {  	s3 =	sadd.s32 s3, s9;
	s6 =	sadd.s32 @!p0 $0x88, s6;
	s7 =	simm.s32 @p2 $0x1082  }
0x22: {  	[simem:s7], [sflag:s8] =	dma.local @!p0 [hbm:s6], $0xF7A  }
0x23: {  	s9 =	sor.u32 $0xD0000000, s2;
	s6 =	simm.s32 $0x108;
	_ =	swait.ge @!p0 [sflag:s8], $0x0  }
0x24: {  	s3 =	sadd.s32 $0x88, s3;
	s6 =	simm.s32 @!p1 $0x1082;
	[sflag:s4] =	ssyncset.s32 $0xFFFFF086  }
0x25: {  	[simem:s6], [sflag:s4] =	dma.local [hbm:s3], $0xF7A  }
0x26: {  	[smem:$0x3F94] =	sst s1;
	(tag) =	ssettag s2;
	_ =	strace s9  }
0x27: {  	s1 =	sld [smem:$0x3FA4]  }
0x28: {  	s2 =	sld [smem:$0x3FA5]  }
0x29: {  	s4 =	sld [smem:$0x3FA7]  }
0x2a: {  	p0 =	seq.s32 s5, $0x0;
	s5 =	sld [smem:$0x3FA8]  }
0x2b: {  	s6 =	sld [smem:$0x3FA9]  }
0x2c: {  	s7 =	sld [smem:$0x3FAA]  }
0x2d: {  	s3 =	simm.s32 $0x108;
	s8 =	sld [smem:$0x3FAB]  }
0x2e: {  	s3 =	simm.s32 @!p0 $0x1082;
	s9 =	sld [smem:$0x3FAC]  }
0x2f: {  	lr =	sadd.s32 s0, s3;
	s0 =	sld [smem:$0x3FA3]  }
0x30: {  	s3 =	sld [smem:$0x3FA6]  }
0x31: {  	[smem:$0x3FAF] =	sst s10  }
0x32: {  	s10 =	sld [smem:$0x3FAD];
	_ =	sdelay $0x3  }
0x33: {  	p0 =	seq.s32 s10, $0x1;
	s10 =	sld [smem:$0x3FAF];
	_ =	sdelay $0x3  }
0x34: {  	[smem:$0x3FAF] =	sst s10  }
0x35: {  	s10 =	sld [smem:$0x3FAE];
	_ =	sdelay $0x3  }
0x36: {  	p1 =	seq.s32 s10, $0x1;
	s10 =	sld [smem:$0x3FAF];
	_ =	sdelay $0x3  }
0x37: {  	[smem:$0x3FAF] =	sst s10  }
0x38: {  	s10 =	sld [smem:$0x3FB0]  }
0x39: {  	_ = 	snop;
	(pc) =	sbr.ind lr, $3  }
0x3a: {  	_ = 	snop  }
0x3b: {  	_ = 	snop  }
0x3c: {  	p2 =	seq.s32 s10, $0x1;
	s10 =	sld [smem:$0x3FAF]  }
0x3d: {  	_ =	shalt  }
0x3e: {  	_ =	shalt  }
0x3f: {  	_ =	shalt  }
0x40: {  	_ =	shalt  }
0x41: {  	_ =	shalt  }
0x42: {  	_ =	shalt  }
0x43: {  	_ =	shalt  }
0x44: {  	_ =	shalt  }
0x45: {  	_ =	shalt  }
0x46: {  	_ =	shalt  }
0x47: {  	_ =	shalt  }
0x48: {  	_ =	shalt  }
0x49: {  	_ =	shalt  }
0x4a: {  	_ =	shalt  }
0x4b: {  	_ =	shalt  }
0x4c: {  	_ =	shalt  }
0x4d: {  	_ =	shalt  }
0x4e: {  	_ =	shalt  }
0x4f: {  	_ =	shalt  }
0x50: {  	_ =	shalt  }
0x51: {  	_ =	shalt  }
0x52: {  	_ =	shalt  }
0x53: {  	_ =	shalt  }
0x54: {  	_ =	shalt  }
0x55: {  	_ =	shalt  }
0x56: {  	_ =	shalt  }
0x57: {  	_ =	shalt  }
0x58: {  	_ =	shalt  }
0x59: {  	_ =	shalt  }
0x5a: {  	_ =	shalt  }
0x5b: {  	_ =	shalt  }
0x5c: {  	_ =	shalt  }
0x5d: {  	_ =	shalt  }
0x5e: {  	_ =	shalt  }
0x5f: {  	_ =	shalt  }
0x60: {  	_ =	shalt  }
0x61: {  	_ =	shalt  }
0x62: {  	_ =	shalt  }
0x63: {  	_ =	shalt  }
0x64: {  	_ =	shalt  }
0x65: {  	_ =	shalt  }
0x66: {  	_ =	shalt  }
0x67: {  	_ =	shalt  }
0x68: {  	_ =	shalt  }
0x69: {  	_ =	shalt  }
0x6a: {  	_ =	shalt  }
0x6b: {  	_ =	shalt  }
0x6c: {  	_ =	shalt  }
0x6d: {  	_ =	shalt  }
0x6e: {  	_ =	shalt  }
0x6f: {  	_ =	shalt  }
0x70: {  	_ =	shalt  }
0x71: {  	_ =	shalt  }
0x72: {  	_ =	shalt  }
0x73: {  	_ =	shalt  }
0x74: {  	_ =	shalt  }
0x75: {  	_ =	shalt  }
0x76: {  	_ =	shalt  }
0x77: {  	_ =	shalt  }
0x78: {  	_ =	shalt  }
0x79: {  	_ =	shalt  }
0x7a: {  	_ =	shalt  }
0x7b: {  	_ =	shalt  }
0x7c: {  	_ =	shalt  }
0x7d: {  	_ =	shalt  }
0x7e: {  	_ =	shalt  }
0x7f: {  	_ =	shalt  }
0x80: {  	_ =	shalt  }
0x81: {  	_ =	shalt  }
0x82: {  	_ =	shalt  }
0x83: {  	_ =	shalt  }
0x84: {  	_ =	shalt  }
0x85: {  	_ =	shalt  }
0x86: {  	_ =	shalt  }
0x87: {  	_ =	shalt  }
.Lfunc_end0:
.L_simem_size_0:
called_computation.1_lowered:
.L_overlay_start_0:
0x88: {  	s2 =	sld [smem:$0x3FD9]  }
0x89: {  	s3 =	sld [smem:$0x3FFE];
	_ =	sdelay $0x1  }
0x8a: {  	s1 =	srdreg.scid  }
0x8b: {  	s0 =	sand.u32 $0x1, s1  }
0x8c: {  	s17 =	sshll.u32 s0, $0xA;
	s2 =	sadd.s32 s3, s2  }
0x8d: {  	s2 =	sadd.s32 s2, s17  }
0x8e: {  	[smem:$0x3FBB] =	sst s2  }
0x8f: {  	_ = 	snop  }
0x90: {  	s18 =	sld [smem:$0x3FC9]  }
0x91: {  	s4 =	sld [smem:$0x3FC8];
	(tm) =	ssettm $0x1  }
0x92: {  	s19 =	sld [smem:$0x3FFB];
	_ =	sdelay $0x3  }
0x93: {  	_ =	strace s19  }
0x94: {  	s2 =	sld [smem:$0x3FFC];
	_ =	sdelay $0x3  }
0x95: {  	_ =	strace s2  }
0x96: {  	s2 =	sld [smem:$0x3FFD];
	_ =	sdelay $0x3  }
0x97: {  	_ =	strace s2  }
0x98: {  	_ =	strace $0x8FFFFFFF  }
0x99: {  	s20 =	sld [smem:$0x3FDB];
	_ =	sdelay $0x1  }
0x9a: {  	s5 =	simm.s32 $_scs_section_size  }
0x9b: {  	s6 =	simm.s32 $_size__tile_overlayer_lowered;
	s7 =	simm.s32 $_tile_overlayer_lowered  }
0x9c: {  	s8 =	simm.s32 $0x1BFF;
	s21 =	sshll.u32 s7, $0x1;
	s5 =	sadd.s32 s5, s20  }
0x9d: {  	s22 =	simm.s32 $0x0;
	s6 =	sshll.u32 s6, $0x1;
	s7 =	sadd.s32 s21, s5  }
0x9e: {  	[timem:s22], [sflag:s8] =	dma.local [hbm:s7], s6  }
0x9f: {  	_ =	swait.ge [sflag:s8], s6  }
0xa0: {  	s6 =	ssub.s32 $0x0, s6;
	[sflag:s8] =	ssyncset.done $0x0  }
0xa1: {  	[sflag:s8] =	ssyncadd.s32 s6;
	_ =	sdelay $0x1  }
0xa2: {  	s23 =	simm.s32 $0x1B8B  }
0xa3: {  	_ =	swait.ge [sflag:s23], $0x1  }
0xa4: {  	[sflag:s23] =	ssyncset.done $0x0  }
0xa5: {  	[sflag:s23] =	ssyncadd.s32 $0xFFFFFFFF  }
0xa6: {  	s6 =	sld [smem:$0x0]  }
0xa7: {  	s7 =	sand.u32 $0xFFFFFFFE, s1  }
0xa8: {  	p0 =	sne.s32 s1, s7  }
0xa9: {  	s7 =	sshll.u32 @p0 s7, $0xE  }
0xaa: {  	s7 =	sadd.s32 @p0 $0x11B8D, s7;
	s8 =	sshll.u32 @p0 s6, $0x11  }
0xab: {  	s7 =	sor.u32 @p0 s8, s7  }
0xac: {  	[sflag:s7] =	ssyncadd.remote.s32 @p0 $0x1;
	_ =	sdelay $0x1  }
0xad: {  	s7 =	simm.s32 @p0 $0x1B8D  }
0xae: {  	_ =	swait.eq @p0 [sflag:s7], $0x1  }
0xaf: {  	[sflag:s7] =	ssyncadd.s32 @p0 $0xFFFFFFFF  }
0xb0: {  	s8 =	sshll.u32 @!p0 s1, $0xE  }
0xb1: {  	s8 =	sor.u32 @!p0 $0x4000, s8;
	s7 =	simm.s32 @!p0 $0x1B8D  }
0xb2: {  	s6 =	sshll.u32 @!p0 s6, $0x11;
	s8 =	sadd.s32 @!p0 $0x11B8D, s8;
	_ =	swait.eq @!p0 [sflag:s7], $0x1  }
0xb3: {  	s6 =	sor.u32 @!p0 s6, s8;
	[sflag:s7] =	ssyncadd.s32 @!p0 $0xFFFFFFFF  }
0xb4: {  	s25 =	simm.s32 $0x1B8E;
	s24 =	sld [smem:$0x3FFE];
	[sflag:s6] =	ssyncadd.remote.s32 @!p0 $0x1  }
0xb5: {  	s26 =	simm.s32 $execute0_lowered;
	[smem:$0x3FD2] =	sst s25  }
0xb6: {  	s7 =	sshll.u32 s26, $0x1;
	_ =	strace $0x80000049;
	[dreg:$0x1] =	wrdreg $0xFFFFFFFF  }
0xb7: {  	s28 =	simm.s32 $_size_execute0_lowered;
	s5 =	sadd.s32 s5, s7;
	[dreg:$0x0] =	wrdreg $0x0  }
0xb8: {  	s7 =	sshll.u32 s28, $0x1;
	[dreg:$0x2] =	wrdreg s5  }
0xb9: {  	[dreg:$0x3] =	wrdreg s7  }
0xba: {  	[dreg:$0x4] =	wrdreg $0xC0  }
0xbb: {  	_ =	task [dreg:s22], $0x5FFFF  }
0xbc: {  	[dreg:$0x1] =	wrdreg $0xFFFFFFFF  }
0xbd: {  	[dreg:$0x0] =	wrdreg $0x60  }
0xbe: {  	[dreg:$0x2] =	wrdreg s18  }
0xbf: {  	[dreg:$0x3] =	wrdreg s4  }
0xc0: {  	[dreg:$0x4] =	wrdreg s24  }
0xc1: {  	[dreg:$0x5] =	wrdreg $0x9  }
0xc2: {  	_ =	task.clear_ibuf [dreg:s22], $0x6FFFF;
	_ =	strace $0x90000049  }
0xc3: {  	s29 =	simm.s32 $0x9;
	_ =	strace $0x8000004B  }
0xc4: {  	_ =	swait.ge [sflag:s29], $0x1  }
0xc5: {  	[sflag:s29] =	ssyncadd.s32 $0xFFFFFFFF  }
0xc6: {  	_ =	strace $0x9000004B  }
0xc7: {  	_ =	sfence  }
0xc8: {  	s30 =	sld [smem:$0x0];
	_ =	sdelay $0x2  }
0xc9: {  	s31 =	sshll.u32 s1, $0xD;
	s1 =	sshrl.u32 s1, $0x2  }
0xca: {  	s4 =	sand.u32 $0x4000, s31;
	s1 =	sadd.s32 s1, s30  }
0xcb: {  	s0 =	sor.u32 s4, s0;
	s1 =	sshll.u32 s1, $0x11  }
0xcc: {  	s0 =	sor.u32 s1, s0  }
0xcd: {  	s0 =	sadd.s32 $0x8F2B, s0  }
0xce: {  	[sflag:s0] =	ssyncadd.remote.s32 $0x1  }
0xcf: {  	_ =	sfence.sel $0xFFFF  }
0xd0: {  	[dreg:$0x0] =	wrdreg $0xFFFFFFFF;
	(pc) =	sbr.abs _section_cstart, $3  }
0xd1: {  	[dreg:$0x1] =	wrdreg $0xFFFFFFFF  }
0xd2: {  	_ =	task.clear_ibuf [dreg:s22], $0x2FFFF;
	_ =	strace $0x9FFFFFFF  }
0xd3: {  	(tm) =	ssettm $0x7FFFFFFF  }
tec
execute0_lowered:
.L_overlay_start_1:
0x0: {  	(tag) =	ssettag $0x1  }
0x1: {  	s3 =	rddreg [dreg:$0x0];
	s1 =	srdreg.scid  }
0x2: {  	s5 =	rddreg [dreg:$0x1];
	s0 =	stileid.u32;
	s12 =	sand.u32 $0x1, s1  }
0x3: {  	s13 =	rddreg [dreg:$0x2];
	s4 =	sshll.u32 s0, $0x8;
	s6 =	sshll.u32 s12, $0x7  }
0x4: {  	s2 =	simm.s32 $0x0;
	s1 =	rddreg [dreg:$0x3];
	s14 =	sor.u32 s6, s4  }
0x5: {  	[smem:$0x7FF] =	sst s2;
	s6 =	sshrl.u32 s14, $0x3  }
0x6: {  	_ =	strace $0x8000004A;
	s4 =	sadd.s32 s3, s6;
	s3 =	simm.s32 $0x2  }
0x7: {  	[tilespmem:s2], [sflag:$0x2] =	stream.linear.gather [hbm4b:s4+s2], $0x80, $0x38;
	[tilespmem:$0x8100] =	vst v63  }
0x8: {  	_ =	swait.ge [sflag:s3], $0x80  }
0x9: {  	[sflag:s3] =	ssyncset.done $0x0  }
0xa: {  	s5 =	sadd.s32 s5, s6;
	s6 =	simm.s32 $0x80;
	[sflag:s3] =	ssyncadd.s32 $0xFFFFFF80  }
0xb: {  	[tilespmem:s6], [sflag:$0x2] =	stream.linear.gather [hbm4b:s5+s2], $0x80, $0x38;
	[tilespmem:$0x8100] =	vst v63  }
0xc: {  	_ =	swait.ge [sflag:s3], $0x80  }
0xd: {  	[sflag:s3] =	ssyncset.done $0x0  }
0xe: {  	s8 =	simm.s32 $0x100;
	s7 =	sadd.s32 $0x27000, s13;
	[sflag:s3] =	ssyncadd.s32 $0xFFFFFF80  }
0xf: {  	[tilespmem:s8], [sflag:$0x1] =	stream.indirect.gather [hbm4b:s7+s6], $0x80, s2, s6, $0xb8;
	[tilespmem:$0x8100] =	vst v63  }
0x10: {  	s10 =	simm.s32 $0x4100;
	s11 =	simm.s32 $0x1;
	s9 =	sadd.s32 $0x13600, s13  }
0x11: {  	[tilespmem:s10], [sflag:$0x1] =	stream.indirect.gather [hbm4b:s9+s6], $0x80, s6, s6, $0xb8;
	[tilespmem:$0x8100] =	vst v63  }
0x12: {  	_ =	swait.ge [sflag:s11], $0x4000  }
0x13: {  	[sflag:s11] =	ssyncset.done $0x0  }
0x14: {  	s31 =	ssub.s32 $0x2, s12;
	[sflag:s11] =	ssyncadd.s32 $0xFFFFC000  }
0x15: {  	s15 =	sshrl.u32 s31, $0x1;
	s14 =	sshll.u32 s14, $0x4;
	_ =	swait.ge [sflag:s11], $0x4000  }
0x16: {  	s13 =	sadd.s32 s14, s13;
	s14 =	ssub.s32 s31, s15;
	[sflag:s11] =	ssyncset.done $0x0  }
0x17: {  	s12 =	sadd.s32 $0x4E200, s13;
	s14 =	smax.u32 s14, $0x1;
	[sflag:s11] =	ssyncadd.s32 $0xFFFFC000  }
0x18: {  	[hbm4b:s12+s2] =	stream.linear.scatter [tilespmem:s8], [sflag:$0x2], $0x4000, $0x38;
	[tilespmem:$0x8100] =	vst v63  }
0x19: {  	p0 =	sne.s32 s14, $0x1;
	_ =	swait.ge [sflag:s3], $0x4000  }
.Ltmp0:
0x1a: {  	[sflag:s3] =	ssyncset.done $0x0;
	(pc) =	sbr.rel @!p0 .LBB2_2-.Ltmp0, $4  }
0x1b: {  	s13 =	sadd.s32 $0x5E200, s13;
	[sflag:s3] =	ssyncadd.s32 $0xFFFFC000  }
0x1c: {  	[hbm4b:s13+s2] =	stream.linear.scatter [tilespmem:s10], [sflag:$0x2], $0x4000, $0x38;
	[tilespmem:$0x8100] =	vst v63  }
0x1d: {  	_ =	swait.ge [sflag:s3], $0x4000  }
0x1e: {  	s14 =	sadd.s32 $0xFFFFFFFF, s14;
	[sflag:s3] =	ssyncset.done $0x0  }
.LBB2_1:
0x1f: {  	p0 =	sne.s32 s14, $0x1;
	s14 =	sadd.s32 $0xFFFFFFFF, s14;
	[sflag:s3] =	ssyncadd.s32 $0xFFFFC000  }
0x20: {  	[tilespmem:s2], [sflag:$0x2] =	stream.linear.gather [hbm4b:s4+s2], $0x80, $0x38;
	[tilespmem:$0x8100] =	vst v63  }
0x21: {  	_ =	swait.ge [sflag:s3], $0x80  }
0x22: {  	[sflag:s3] =	ssyncset.done $0x0  }
0x23: {  	[sflag:s3] =	ssyncadd.s32 $0xFFFFFF80  }
0x24: {  	[tilespmem:s6], [sflag:$0x2] =	stream.linear.gather [hbm4b:s5+s2], $0x80, $0x38;
	[tilespmem:$0x8100] =	vst v63  }
0x25: {  	_ =	swait.ge [sflag:s3], $0x80  }
0x26: {  	[sflag:s3] =	ssyncset.done $0x0  }
0x27: {  	[sflag:s3] =	ssyncadd.s32 $0xFFFFFF80  }
0x28: {  	[tilespmem:s8], [sflag:$0x1] =	stream.indirect.gather [hbm4b:s7+s6], $0x80, s2, s6, $0xb8;
	[tilespmem:$0x8100] =	vst v63  }
0x29: {  	_ = 	snop  }
0x2a: {  	[tilespmem:s10], [sflag:$0x1] =	stream.indirect.gather [hbm4b:s9+s6], $0x80, s6, s6, $0xb8;
	[tilespmem:$0x8100] =	vst v63  }
0x2b: {  	_ =	swait.ge [sflag:s11], $0x4000  }
0x2c: {  	[sflag:s11] =	ssyncset.done $0x0  }
0x2d: {  	[sflag:s11] =	ssyncadd.s32 $0xFFFFC000  }
0x2e: {  	_ =	swait.ge [sflag:s11], $0x4000  }
0x2f: {  	[sflag:s11] =	ssyncset.done $0x0  }
0x30: {  	[sflag:s11] =	ssyncadd.s32 $0xFFFFC000  }
0x31: {  	[hbm4b:s12+s2] =	stream.linear.scatter [tilespmem:s8], [sflag:$0x2], $0x4000, $0x38;
	[tilespmem:$0x8100] =	vst v63  }
0x32: {  	_ =	swait.ge [sflag:s3], $0x4000  }
.Ltmp1:
0x33: {  	[sflag:s3] =	ssyncset.done $0x0;
	(pc) =	sbr.rel @p0 .LBB2_1-.Ltmp1, $4  }
0x34: {  	[sflag:s3] =	ssyncadd.s32 $0xFFFFC000  }
0x35: {  	[hbm4b:s13+s2] =	stream.linear.scatter [tilespmem:s10], [sflag:$0x2], $0x4000, $0x38;
	[tilespmem:$0x8100] =	vst v63  }
0x36: {  	_ =	swait.ge [sflag:s3], $0x4000  }
0x37: {  	[sflag:s3] =	ssyncset.done $0x0  }
.LBB2_2:
0x38: {  	[sflag:s3] =	ssyncadd.s32 $0xFFFFC000  }
0x39: {  	_ =	sfence.sel $0x180000  }
0x3a: {  	[bflag:$0x0] =	sbarrier.arrive $0xFFFF  }
0x3b: {  	p0 =	sne.s32 s0, $0x0;
	_ =	strace $0x9000004A  }
0x3c: {  	s0 =	sadd.s32 @!p0 $0x100000, s1;
	[bflag:$0x2] =	sbarrier.arrive $0xFFFF  }
0x3d: {  	[sflag:s0] =	ssyncadd.tile.s32 @!p0 $0x1;
	_ =	shalt  }
.Lfunc_end2:
_tile_overlayer_lowered:
.L_overlay_start_2:
0x3e: {  	(tag) =	ssettag $0x2  }
0x3f: {  	s0 =	rddreg [dreg:$0x0];
	s2 =	stileid.u32  }
0x40: {  	s1 =	rddreg [dreg:$0x1];
	p0 =	sne.s32 s2, $0x0  }
0x41: {  	s3 =	rddreg [dreg:$0x2];
	[bflag:$0x3] =	sbarrier.arrive $0xFFFF;
	s2 =	simm.s32 @!p0 $0x1C02  }
0x42: {  	[timem:s3], [sflag:s2] =	dma.local @!p0 [hbm:s0], s1  }
0x43: {  	s0 =	simm.s32 @!p0 $0x2  }
0x44: {  	_ =	swait.ge @!p0 [sflag:s0], s1  }
0x45: {  	s1 =	ssub.s32 @!p0 $0x0, s1;
	[sflag:s0] =	ssyncset.done @!p0 $0x0  }
0x46: {  	[sflag:s0] =	ssyncadd.s32 @!p0 s1  }
0x47: {  	[bflag:$0x3] =	sbarrier.arrive $0xFFFF  }
0x48: {  	_ =	shalt  }

// kernel: kernel.13.cloned.1.call-start
scs
__scs_entry_jumppad:
0x0: {  	(pc) =	sbr.rel $0x88, $3  }
0x1: {  	(tag) =	ssettag $0x0;
	lr =	simm.s32 $0x1  }
0x2: {  	[smem:$0x3F94] =	sst lr;
	_ =	strace $0xD0000000  }
0x3: {  	_ = 	snop  }
0x4: {  	_ = 	snop  }
0x5: {  	_ = 	snop  }
0x6: {  	_ = 	snop  }
0x7: {  	_ = 	snop  }
__scs_overlays_trampoline_lowered:
0x8: {  	[smem:$0x3FA3] =	sst s0  }
0x9: {  	[smem:$0x3FA4] =	sst s1  }
0xa: {  	[smem:$0x3FA5] =	sst s2  }
0xb: {  	[smem:$0x3FA6] =	sst s3  }
0xc: {  	[smem:$0x3FA7] =	sst s4  }
0xd: {  	[smem:$0x3FA8] =	sst s5  }
0xe: {  	[smem:$0x3FA9] =	sst s6  }
0xf: {  	[smem:$0x3FAA] =	sst s7  }
0x10: {  	[smem:$0x3FAB] =	sst s8  }
0x11: {  	[smem:$0x3FAC] =	sst s9;
	s0 =	simm.s32 @!p0 $0x0  }
0x12: {  	s1 =	sld [smem:$0x3F92];
	s0 =	simm.s32 @p0 $0x1  }
0x13: {  	[smem:$0x3FAD] =	sst s0;
	s0 =	simm.s32 @!p1 $0x0  }
0x14: {  	s2 =	sld [smem:$0x3F91];
	s0 =	simm.s32 @p1 $0x1  }
0x15: {  	[smem:$0x3FAE] =	sst s0;
	s0 =	simm.s32 @!p2 $0x0  }
0x16: {  	s3 =	sld [smem:$0x3FDB];
	s0 =	simm.s32 @p2 $0x1  }
0x17: {  	s4 =	simm.s32 $0x1BF5;
	[smem:$0x3FB0] =	sst s0  }
0x18: {  	s0 =	sld [smem:$0x3F93];
	_ =	swait.ge [sflag:s4], $0x0  }
0x19: {  	s7 =	sld [smem:$0x3F94]  }
0x1a: {  	s8 =	sadd.s32 $0xFFFFE003, lr  }
0x1b: {  	s9 =	sadd.s32 $0xFFFFFEF7, lr;
	s5 =	simm.s32 $0xFFFFFFFF;
	p2 =	slt.u32 s8, $0xFFFFF086  }
0x1c: {  	p1 =	slt.u32 s9, $0xF7A;
	s5 =	simm.s32 @!p2 $0x0  }
0x1d: {  	s5 =	simm.s32 @p1 $0x1;
	p0 =	seq.s32 s7, s2  }
0x1e: {  	s7 =	smul.u32 @!p0 $0xF7A, s2;
	p2 =	seq.s32 @!p0 s5, $0x0  }
0x1f: {  	s9 =	smul.u32 $0xF7A, s1;
	s8 =	simm.s32 @!p0 $0x1BF5;
	p2 =	por !p2, p0  }
0x20: {  	[sflag:s8] =	ssyncset.s32 @!p0 $0xFFFFF086;
	s6 =	sadd.s32 @!p0 s3, s7;
	s7 =	simm.s32 @!p0 $0x108  }
0x21: {  	s3 =	sadd.s32 s3, s9;
	s6 =	sadd.s32 @!p0 $0x88, s6;
	s7 =	simm.s32 @p2 $0x1082  }
0x22: {  	[simem:s7], [sflag:s8] =	dma.local @!p0 [hbm:s6], $0xF7A  }
0x23: {  	s9 =	sor.u32 $0xD0000000, s2;
	s6 =	simm.s32 $0x108;
	_ =	swait.ge @!p0 [sflag:s8], $0x0  }
0x24: {  	s3 =	sadd.s32 $0x88, s3;
	s6 =	simm.s32 @!p1 $0x1082;
	[sflag:s4] =	ssyncset.s32 $0xFFFFF086  }
0x25: {  	[simem:s6], [sflag:s4] =	dma.local [hbm:s3], $0xF7A  }
0x26: {  	[smem:$0x3F94] =	sst s1;
	(tag) =	ssettag s2;
	_ =	strace s9  }
0x27: {  	s1 =	sld [smem:$0x3FA4]  }
0x28: {  	s2 =	sld [smem:$0x3FA5]  }
0x29: {  	s4 =	sld [smem:$0x3FA7]  }
0x2a: {  	p0 =	seq.s32 s5, $0x0;
	s5 =	sld [smem:$0x3FA8]  }
0x2b: {  	s6 =	sld [smem:$0x3FA9]  }
0x2c: {  	s7 =	sld [smem:$0x3FAA]  }
0x2d: {  	s3 =	simm.s32 $0x108;
	s8 =	sld [smem:$0x3FAB]  }
0x2e: {  	s3 =	simm.s32 @!p0 $0x1082;
	s9 =	sld [smem:$0x3FAC]  }
0x2f: {  	lr =	sadd.s32 s0, s3;
	s0 =	sld [smem:$0x3FA3]  }
0x30: {  	s3 =	sld [smem:$0x3FA6]  }
0x31: {  	[smem:$0x3FAF] =	sst s10  }
0x32: {  	s10 =	sld [smem:$0x3FAD];
	_ =	sdelay $0x3  }
0x33: {  	p0 =	seq.s32 s10, $0x1;
	s10 =	sld [smem:$0x3FAF];
	_ =	sdelay $0x3  }
0x34: {  	[smem:$0x3FAF] =	sst s10  }
0x35: {  	s10 =	sld [smem:$0x3FAE];
	_ =	sdelay $0x3  }
0x36: {  	p1 =	seq.s32 s10, $0x1;
	s10 =	sld [smem:$0x3FAF];
	_ =	sdelay $0x3  }
0x37: {  	[smem:$0x3FAF] =	sst s10  }
0x38: {  	s10 =	sld [smem:$0x3FB0]  }
0x39: {  	_ = 	snop;
	(pc) =	sbr.ind lr, $3  }
0x3a: {  	_ = 	snop  }
0x3b: {  	_ = 	snop  }
0x3c: {  	p2 =	seq.s32 s10, $0x1;
	s10 =	sld [smem:$0x3FAF]  }
0x3d: {  	_ =	shalt  }
0x3e: {  	_ =	shalt  }
0x3f: {  	_ =	shalt  }
0x40: {  	_ =	shalt  }
0x41: {  	_ =	shalt  }
0x42: {  	_ =	shalt  }
0x43: {  	_ =	shalt  }
0x44: {  	_ =	shalt  }
0x45: {  	_ =	shalt  }
0x46: {  	_ =	shalt  }
0x47: {  	_ =	shalt  }
0x48: {  	_ =	shalt  }
0x49: {  	_ =	shalt  }
0x4a: {  	_ =	shalt  }
0x4b: {  	_ =	shalt  }
0x4c: {  	_ =	shalt  }
0x4d: {  	_ =	shalt  }
0x4e: {  	_ =	shalt  }
0x4f: {  	_ =	shalt  }
0x50: {  	_ =	shalt  }
0x51: {  	_ =	shalt  }
0x52: {  	_ =	shalt  }
0x53: {  	_ =	shalt  }
0x54: {  	_ =	shalt  }
0x55: {  	_ =	shalt  }
0x56: {  	_ =	shalt  }
0x57: {  	_ =	shalt  }
0x58: {  	_ =	shalt  }
0x59: {  	_ =	shalt  }
0x5a: {  	_ =	shalt  }
0x5b: {  	_ =	shalt  }
0x5c: {  	_ =	shalt  }
0x5d: {  	_ =	shalt  }
0x5e: {  	_ =	shalt  }
0x5f: {  	_ =	shalt  }
0x60: {  	_ =	shalt  }
0x61: {  	_ =	shalt  }
0x62: {  	_ =	shalt  }
0x63: {  	_ =	shalt  }
0x64: {  	_ =	shalt  }
0x65: {  	_ =	shalt  }
0x66: {  	_ =	shalt  }
0x67: {  	_ =	shalt  }
0x68: {  	_ =	shalt  }
0x69: {  	_ =	shalt  }
0x6a: {  	_ =	shalt  }
0x6b: {  	_ =	shalt  }
0x6c: {  	_ =	shalt  }
0x6d: {  	_ =	shalt  }
0x6e: {  	_ =	shalt  }
0x6f: {  	_ =	shalt  }
0x70: {  	_ =	shalt  }
0x71: {  	_ =	shalt  }
0x72: {  	_ =	shalt  }
0x73: {  	_ =	shalt  }
0x74: {  	_ =	shalt  }
0x75: {  	_ =	shalt  }
0x76: {  	_ =	shalt  }
0x77: {  	_ =	shalt  }
0x78: {  	_ =	shalt  }
0x79: {  	_ =	shalt  }
0x7a: {  	_ =	shalt  }
0x7b: {  	_ =	shalt  }
0x7c: {  	_ =	shalt  }
0x7d: {  	_ =	shalt  }
0x7e: {  	_ =	shalt  }
0x7f: {  	_ =	shalt  }
0x80: {  	_ =	shalt  }
0x81: {  	_ =	shalt  }
0x82: {  	_ =	shalt  }
0x83: {  	_ =	shalt  }
0x84: {  	_ =	shalt  }
0x85: {  	_ =	shalt  }
0x86: {  	_ =	shalt  }
0x87: {  	_ =	shalt  }
.Lfunc_end0:
.L_simem_size_0:
called_computation.2_lowered:
.L_overlay_start_0:
0x88: {  	s2 =	sld [smem:$0x3FD9]  }
0x89: {  	s3 =	sld [smem:$0x3FFE];
	_ =	sdelay $0x1  }
0x8a: {  	s1 =	srdreg.scid  }
0x8b: {  	s0 =	sand.u32 $0x1, s1  }
0x8c: {  	s17 =	sshll.u32 s0, $0xA;
	s2 =	sadd.s32 s3, s2  }
0x8d: {  	s2 =	sadd.s32 s2, s17  }
0x8e: {  	[smem:$0x3FBB] =	sst s2  }
0x8f: {  	_ = 	snop  }
0x90: {  	s18 =	sld [smem:$0x3FC9]  }
0x91: {  	s4 =	sld [smem:$0x3FC8];
	(tm) =	ssettm $0x1  }
0x92: {  	s19 =	sld [smem:$0x3FFB];
	_ =	sdelay $0x3  }
0x93: {  	_ =	strace s19  }
0x94: {  	s2 =	sld [smem:$0x3FFC];
	_ =	sdelay $0x3  }
0x95: {  	_ =	strace s2  }
0x96: {  	s2 =	sld [smem:$0x3FFD];
	_ =	sdelay $0x3  }
0x97: {  	_ =	strace s2  }
0x98: {  	_ =	strace $0x8FFFFFFF  }
0x99: {  	s20 =	sld [smem:$0x3FDB];
	_ =	sdelay $0x1  }
0x9a: {  	s5 =	simm.s32 $_scs_section_size  }
0x9b: {  	s6 =	simm.s32 $_size__tile_overlayer_lowered;
	s7 =	simm.s32 $_tile_overlayer_lowered  }
0x9c: {  	s8 =	simm.s32 $0x1BFF;
	s21 =	sshll.u32 s7, $0x1;
	s5 =	sadd.s32 s5, s20  }
0x9d: {  	s22 =	simm.s32 $0x0;
	s6 =	sshll.u32 s6, $0x1;
	s7 =	sadd.s32 s21, s5  }
0x9e: {  	[timem:s22], [sflag:s8] =	dma.local [hbm:s7], s6  }
0x9f: {  	_ =	swait.ge [sflag:s8], s6  }
0xa0: {  	s6 =	ssub.s32 $0x0, s6;
	[sflag:s8] =	ssyncset.done $0x0  }
0xa1: {  	[sflag:s8] =	ssyncadd.s32 s6;
	_ =	sdelay $0x1  }
0xa2: {  	s23 =	simm.s32 $0x1B8B  }
0xa3: {  	_ =	swait.ge [sflag:s23], $0x1  }
0xa4: {  	[sflag:s23] =	ssyncset.done $0x0  }
0xa5: {  	[sflag:s23] =	ssyncadd.s32 $0xFFFFFFFF  }
0xa6: {  	s6 =	sld [smem:$0x0]  }
0xa7: {  	s7 =	sand.u32 $0xFFFFFFFE, s1  }
0xa8: {  	p0 =	sne.s32 s1, s7  }
0xa9: {  	s7 =	sshll.u32 @p0 s7, $0xE  }
0xaa: {  	s7 =	sadd.s32 @p0 $0x11B8D, s7;
	s8 =	sshll.u32 @p0 s6, $0x11  }
0xab: {  	s7 =	sor.u32 @p0 s8, s7  }
0xac: {  	[sflag:s7] =	ssyncadd.remote.s32 @p0 $0x1;
	_ =	sdelay $0x1  }
0xad: {  	s7 =	simm.s32 @p0 $0x1B8D  }
0xae: {  	_ =	swait.eq @p0 [sflag:s7], $0x1  }
0xaf: {  	[sflag:s7] =	ssyncadd.s32 @p0 $0xFFFFFFFF  }
0xb0: {  	s8 =	sshll.u32 @!p0 s1, $0xE  }
0xb1: {  	s8 =	sor.u32 @!p0 $0x4000, s8;
	s7 =	simm.s32 @!p0 $0x1B8D  }
0xb2: {  	s6 =	sshll.u32 @!p0 s6, $0x11;
	s8 =	sadd.s32 @!p0 $0x11B8D, s8;
	_ =	swait.eq @!p0 [sflag:s7], $0x1  }
0xb3: {  	s6 =	sor.u32 @!p0 s6, s8;
	[sflag:s7] =	ssyncadd.s32 @!p0 $0xFFFFFFFF  }
0xb4: {  	s25 =	simm.s32 $0x1B8E;
	s24 =	sld [smem:$0x3FFE];
	[sflag:s6] =	ssyncadd.remote.s32 @!p0 $0x1  }
0xb5: {  	s26 =	simm.s32 $execute0_lowered;
	[smem:$0x3FD2] =	sst s25  }
0xb6: {  	s7 =	sshll.u32 s26, $0x1;
	_ =	strace $0x8000004C;
	[dreg:$0x1] =	wrdreg $0xFFFFFFFF  }
0xb7: {  	s28 =	simm.s32 $_size_execute0_lowered;
	s5 =	sadd.s32 s5, s7;
	[dreg:$0x0] =	wrdreg $0x0  }
0xb8: {  	s7 =	sshll.u32 s28, $0x1;
	[dreg:$0x2] =	wrdreg s5  }
0xb9: {  	[dreg:$0x3] =	wrdreg s7  }
0xba: {  	[dreg:$0x4] =	wrdreg $0xC0  }
0xbb: {  	_ =	task [dreg:s22], $0x5FFFF  }
0xbc: {  	[dreg:$0x1] =	wrdreg $0xFFFFFFFF  }
0xbd: {  	[dreg:$0x0] =	wrdreg $0x60  }
0xbe: {  	[dreg:$0x2] =	wrdreg s18  }
0xbf: {  	[dreg:$0x3] =	wrdreg s4  }
0xc0: {  	[dreg:$0x4] =	wrdreg s24  }
0xc1: {  	[dreg:$0x5] =	wrdreg $0xA  }
0xc2: {  	_ =	task.clear_ibuf [dreg:s22], $0x6FFFF;
	_ =	strace $0x9000004C  }
0xc3: {  	s29 =	simm.s32 $0xA;
	_ =	strace $0x8000004E  }
0xc4: {  	_ =	swait.ge [sflag:s29], $0x1  }
0xc5: {  	[sflag:s29] =	ssyncadd.s32 $0xFFFFFFFF  }
0xc6: {  	_ =	strace $0x9000004E  }
0xc7: {  	_ =	sfence  }
0xc8: {  	s30 =	sld [smem:$0x0];
	_ =	sdelay $0x2  }
0xc9: {  	s31 =	sshll.u32 s1, $0xD;
	s1 =	sshrl.u32 s1, $0x2  }
0xca: {  	s4 =	sand.u32 $0x4000, s31;
	s1 =	sadd.s32 s1, s30  }
0xcb: {  	s0 =	sor.u32 s4, s0;
	s1 =	sshll.u32 s1, $0x11  }
0xcc: {  	s0 =	sor.u32 s1, s0  }
0xcd: {  	s0 =	sadd.s32 $0x8F2B, s0  }
0xce: {  	[sflag:s0] =	ssyncadd.remote.s32 $0x1  }
0xcf: {  	_ =	sfence.sel $0xFFFF  }
0xd0: {  	[dreg:$0x0] =	wrdreg $0xFFFFFFFF;
	(pc) =	sbr.abs _section_cstart, $3  }
0xd1: {  	[dreg:$0x1] =	wrdreg $0xFFFFFFFF  }
0xd2: {  	_ =	task.clear_ibuf [dreg:s22], $0x2FFFF;
	_ =	strace $0x9FFFFFFF  }
0xd3: {  	(tm) =	ssettm $0x7FFFFFFF  }
tec
execute0_lowered:
.L_overlay_start_1:
0x0: {  	(tag) =	ssettag $0x1  }
0x1: {  	s3 =	rddreg [dreg:$0x0];
	s1 =	srdreg.scid  }
0x2: {  	s5 =	rddreg [dreg:$0x1];
	s0 =	stileid.u32;
	s12 =	sand.u32 $0x1, s1  }
0x3: {  	s13 =	rddreg [dreg:$0x2];
	s4 =	sshll.u32 s0, $0x8;
	s6 =	sshll.u32 s12, $0x7  }
0x4: {  	s2 =	simm.s32 $0x0;
	s1 =	rddreg [dreg:$0x3];
	s14 =	sor.u32 s6, s4  }
0x5: {  	[smem:$0x7FF] =	sst s2;
	s6 =	sshrl.u32 s14, $0x3  }
0x6: {  	_ =	strace $0x8000004D;
	s4 =	sadd.s32 s3, s6;
	s3 =	simm.s32 $0x2  }
0x7: {  	[tilespmem:s2], [sflag:$0x2] =	stream.linear.gather [hbm4b:s4+s2], $0x80, $0x38;
	[tilespmem:$0x8100] =	vst v63  }
0x8: {  	_ =	swait.ge [sflag:s3], $0x80  }
0x9: {  	[sflag:s3] =	ssyncset.done $0x0  }
0xa: {  	s5 =	sadd.s32 s5, s6;
	s6 =	simm.s32 $0x80;
	[sflag:s3] =	ssyncadd.s32 $0xFFFFFF80  }
0xb: {  	[tilespmem:s6], [sflag:$0x2] =	stream.linear.gather [hbm4b:s5+s2], $0x80, $0x38;
	[tilespmem:$0x8100] =	vst v63  }
0xc: {  	_ =	swait.ge [sflag:s3], $0x80  }
0xd: {  	[sflag:s3] =	ssyncset.done $0x0  }
0xe: {  	s8 =	simm.s32 $0x100;
	s7 =	sadd.s32 $0x6E200, s13;
	[sflag:s3] =	ssyncadd.s32 $0xFFFFFF80  }
0xf: {  	[tilespmem:s8], [sflag:$0x1] =	stream.indirect.gather [hbm4b:s7+s6], $0x80, s2, s6, $0xb8;
	[tilespmem:$0x8100] =	vst v63  }
0x10: {  	s10 =	simm.s32 $0x4100;
	s11 =	simm.s32 $0x1;
	s9 =	sadd.s32 $0x95400, s13  }
0x11: {  	[tilespmem:s10], [sflag:$0x1] =	stream.indirect.gather [hbm4b:s9+s6], $0x80, s6, s6, $0xb8;
	[tilespmem:$0x8100] =	vst v63  }
0x12: {  	_ =	swait.ge [sflag:s11], $0x4000  }
0x13: {  	[sflag:s11] =	ssyncset.done $0x0  }
0x14: {  	s31 =	ssub.s32 $0x2, s12;
	[sflag:s11] =	ssyncadd.s32 $0xFFFFC000  }
0x15: {  	s15 =	sshrl.u32 s31, $0x1;
	s14 =	sshll.u32 s14, $0x4;
	_ =	swait.ge [sflag:s11], $0x4000  }
0x16: {  	s13 =	sadd.s32 s14, s13;
	s14 =	ssub.s32 s31, s15;
	[sflag:s11] =	ssyncset.done $0x0  }
0x17: {  	s12 =	sadd.s32 $0xA9400, s13;
	s14 =	smax.u32 s14, $0x1;
	[sflag:s11] =	ssyncadd.s32 $0xFFFFC000  }
0x18: {  	[hbm4b:s12+s2] =	stream.linear.scatter [tilespmem:s8], [sflag:$0x2], $0x4000, $0x38;
	[tilespmem:$0x8100] =	vst v63  }
0x19: {  	p0 =	sne.s32 s14, $0x1;
	_ =	swait.ge [sflag:s3], $0x4000  }
.Ltmp0:
0x1a: {  	[sflag:s3] =	ssyncset.done $0x0;
	(pc) =	sbr.rel @!p0 .LBB2_2-.Ltmp0, $4  }
0x1b: {  	s13 =	sadd.s32 $0xB9400, s13;
	[sflag:s3] =	ssyncadd.s32 $0xFFFFC000  }
0x1c: {  	[hbm4b:s13+s2] =	stream.linear.scatter [tilespmem:s10], [sflag:$0x2], $0x4000, $0x38;
	[tilespmem:$0x8100] =	vst v63  }
0x1d: {  	_ =	swait.ge [sflag:s3], $0x4000  }
0x1e: {  	s14 =	sadd.s32 $0xFFFFFFFF, s14;
	[sflag:s3] =	ssyncset.done $0x0  }
.LBB2_1:
0x1f: {  	p0 =	sne.s32 s14, $0x1;
	s14 =	sadd.s32 $0xFFFFFFFF, s14;
	[sflag:s3] =	ssyncadd.s32 $0xFFFFC000  }
0x20: {  	[tilespmem:s2], [sflag:$0x2] =	stream.linear.gather [hbm4b:s4+s2], $0x80, $0x38;
	[tilespmem:$0x8100] =	vst v63  }
0x21: {  	_ =	swait.ge [sflag:s3], $0x80  }
0x22: {  	[sflag:s3] =	ssyncset.done $0x0  }
0x23: {  	[sflag:s3] =	ssyncadd.s32 $0xFFFFFF80  }
0x24: {  	[tilespmem:s6], [sflag:$0x2] =	stream.linear.gather [hbm4b:s5+s2], $0x80, $0x38;
	[tilespmem:$0x8100] =	vst v63  }
0x25: {  	_ =	swait.ge [sflag:s3], $0x80  }
0x26: {  	[sflag:s3] =	ssyncset.done $0x0  }
0x27: {  	[sflag:s3] =	ssyncadd.s32 $0xFFFFFF80  }
0x28: {  	[tilespmem:s8], [sflag:$0x1] =	stream.indirect.gather [hbm4b:s7+s6], $0x80, s2, s6, $0xb8;
	[tilespmem:$0x8100] =	vst v63  }
0x29: {  	_ = 	snop  }
0x2a: {  	[tilespmem:s10], [sflag:$0x1] =	stream.indirect.gather [hbm4b:s9+s6], $0x80, s6, s6, $0xb8;
	[tilespmem:$0x8100] =	vst v63  }
0x2b: {  	_ =	swait.ge [sflag:s11], $0x4000  }
0x2c: {  	[sflag:s11] =	ssyncset.done $0x0  }
0x2d: {  	[sflag:s11] =	ssyncadd.s32 $0xFFFFC000  }
0x2e: {  	_ =	swait.ge [sflag:s11], $0x4000  }
0x2f: {  	[sflag:s11] =	ssyncset.done $0x0  }
0x30: {  	[sflag:s11] =	ssyncadd.s32 $0xFFFFC000  }
0x31: {  	[hbm4b:s12+s2] =	stream.linear.scatter [tilespmem:s8], [sflag:$0x2], $0x4000, $0x38;
	[tilespmem:$0x8100] =	vst v63  }
0x32: {  	_ =	swait.ge [sflag:s3], $0x4000  }
.Ltmp1:
0x33: {  	[sflag:s3] =	ssyncset.done $0x0;
	(pc) =	sbr.rel @p0 .LBB2_1-.Ltmp1, $4  }
0x34: {  	[sflag:s3] =	ssyncadd.s32 $0xFFFFC000  }
0x35: {  	[hbm4b:s13+s2] =	stream.linear.scatter [tilespmem:s10], [sflag:$0x2], $0x4000, $0x38;
	[tilespmem:$0x8100] =	vst v63  }
0x36: {  	_ =	swait.ge [sflag:s3], $0x4000  }
0x37: {  	[sflag:s3] =	ssyncset.done $0x0  }
.LBB2_2:
0x38: {  	[sflag:s3] =	ssyncadd.s32 $0xFFFFC000  }
0x39: {  	_ =	sfence.sel $0x180000  }
0x3a: {  	[bflag:$0x0] =	sbarrier.arrive $0xFFFF  }
0x3b: {  	p0 =	sne.s32 s0, $0x0;
	_ =	strace $0x9000004D  }
0x3c: {  	s0 =	sadd.s32 @!p0 $0x100000, s1;
	[bflag:$0x2] =	sbarrier.arrive $0xFFFF  }
0x3d: {  	[sflag:s0] =	ssyncadd.tile.s32 @!p0 $0x1;
	_ =	shalt  }
.Lfunc_end2:
_tile_overlayer_lowered:
.L_overlay_start_2:
0x3e: {  	(tag) =	ssettag $0x2  }
0x3f: {  	s0 =	rddreg [dreg:$0x0];
	s2 =	stileid.u32  }
0x40: {  	s1 =	rddreg [dreg:$0x1];
	p0 =	sne.s32 s2, $0x0  }
0x41: {  	s3 =	rddreg [dreg:$0x2];
	[bflag:$0x3] =	sbarrier.arrive $0xFFFF;
	s2 =	simm.s32 @!p0 $0x1C02  }
0x42: {  	[timem:s3], [sflag:s2] =	dma.local @!p0 [hbm:s0], s1  }
0x43: {  	s0 =	simm.s32 @!p0 $0x2  }
0x44: {  	_ =	swait.ge @!p0 [sflag:s0], s1  }
0x45: {  	s1 =	ssub.s32 @!p0 $0x0, s1;
	[sflag:s0] =	ssyncset.done @!p0 $0x0  }
0x46: {  	[sflag:s0] =	ssyncadd.s32 @!p0 s1  }
0x47: {  	[bflag:$0x3] =	sbarrier.arrive $0xFFFF  }
0x48: {  	_ =	shalt  }

// kernel: kernel.7.cloned.1.call-start
scs
__scs_entry_jumppad:
0x0: {  	(pc) =	sbr.rel $0x88, $3  }
0x1: {  	(tag) =	ssettag $0x0;
	lr =	simm.s32 $0x1  }
0x2: {  	[smem:$0x3F94] =	sst lr;
	_ =	strace $0xD0000000  }
0x3: {  	_ = 	snop  }
0x4: {  	_ = 	snop  }
0x5: {  	_ = 	snop  }
0x6: {  	_ = 	snop  }
0x7: {  	_ = 	snop  }
__scs_overlays_trampoline_lowered:
0x8: {  	[smem:$0x3FA3] =	sst s0  }
0x9: {  	[smem:$0x3FA4] =	sst s1  }
0xa: {  	[smem:$0x3FA5] =	sst s2  }
0xb: {  	[smem:$0x3FA6] =	sst s3  }
0xc: {  	[smem:$0x3FA7] =	sst s4  }
0xd: {  	[smem:$0x3FA8] =	sst s5  }
0xe: {  	[smem:$0x3FA9] =	sst s6  }
0xf: {  	[smem:$0x3FAA] =	sst s7  }
0x10: {  	[smem:$0x3FAB] =	sst s8  }
0x11: {  	[smem:$0x3FAC] =	sst s9;
	s0 =	simm.s32 @!p0 $0x0  }
0x12: {  	s1 =	sld [smem:$0x3F92];
	s0 =	simm.s32 @p0 $0x1  }
0x13: {  	[smem:$0x3FAD] =	sst s0;
	s0 =	simm.s32 @!p1 $0x0  }
0x14: {  	s2 =	sld [smem:$0x3F91];
	s0 =	simm.s32 @p1 $0x1  }
0x15: {  	[smem:$0x3FAE] =	sst s0;
	s0 =	simm.s32 @!p2 $0x0  }
0x16: {  	s3 =	sld [smem:$0x3FDB];
	s0 =	simm.s32 @p2 $0x1  }
0x17: {  	s4 =	simm.s32 $0x1BF5;
	[smem:$0x3FB0] =	sst s0  }
0x18: {  	s0 =	sld [smem:$0x3F93];
	_ =	swait.ge [sflag:s4], $0x0  }
0x19: {  	s7 =	sld [smem:$0x3F94]  }
0x1a: {  	s8 =	sadd.s32 $0xFFFFE003, lr  }
0x1b: {  	s9 =	sadd.s32 $0xFFFFFEF7, lr;
	s5 =	simm.s32 $0xFFFFFFFF;
	p2 =	slt.u32 s8, $0xFFFFF086  }
0x1c: {  	p1 =	slt.u32 s9, $0xF7A;
	s5 =	simm.s32 @!p2 $0x0  }
0x1d: {  	s5 =	simm.s32 @p1 $0x1;
	p0 =	seq.s32 s7, s2  }
0x1e: {  	s7 =	smul.u32 @!p0 $0xF7A, s2;
	p2 =	seq.s32 @!p0 s5, $0x0  }
0x1f: {  	s9 =	smul.u32 $0xF7A, s1;
	s8 =	simm.s32 @!p0 $0x1BF5;
	p2 =	por !p2, p0  }
0x20: {  	[sflag:s8] =	ssyncset.s32 @!p0 $0xFFFFF086;
	s6 =	sadd.s32 @!p0 s3, s7;
	s7 =	simm.s32 @!p0 $0x108  }
0x21: {  	s3 =	sadd.s32 s3, s9;
	s6 =	sadd.s32 @!p0 $0x88, s6;
	s7 =	simm.s32 @p2 $0x1082  }
0x22: {  	[simem:s7], [sflag:s8] =	dma.local @!p0 [hbm:s6], $0xF7A  }
0x23: {  	s9 =	sor.u32 $0xD0000000, s2;
	s6 =	simm.s32 $0x108;
	_ =	swait.ge @!p0 [sflag:s8], $0x0  }
0x24: {  	s3 =	sadd.s32 $0x88, s3;
	s6 =	simm.s32 @!p1 $0x1082;
	[sflag:s4] =	ssyncset.s32 $0xFFFFF086  }
0x25: {  	[simem:s6], [sflag:s4] =	dma.local [hbm:s3], $0xF7A  }
0x26: {  	[smem:$0x3F94] =	sst s1;
	(tag) =	ssettag s2;
	_ =	strace s9  }
0x27: {  	s1 =	sld [smem:$0x3FA4]  }
0x28: {  	s2 =	sld [smem:$0x3FA5]  }
0x29: {  	s4 =	sld [smem:$0x3FA7]  }
0x2a: {  	p0 =	seq.s32 s5, $0x0;
	s5 =	sld [smem:$0x3FA8]  }
0x2b: {  	s6 =	sld [smem:$0x3FA9]  }
0x2c: {  	s7 =	sld [smem:$0x3FAA]  }
0x2d: {  	s3 =	simm.s32 $0x108;
	s8 =	sld [smem:$0x3FAB]  }
0x2e: {  	s3 =	simm.s32 @!p0 $0x1082;
	s9 =	sld [smem:$0x3FAC]  }
0x2f: {  	lr =	sadd.s32 s0, s3;
	s0 =	sld [smem:$0x3FA3]  }
0x30: {  	s3 =	sld [smem:$0x3FA6]  }
0x31: {  	[smem:$0x3FAF] =	sst s10  }
0x32: {  	s10 =	sld [smem:$0x3FAD];
	_ =	sdelay $0x3  }
0x33: {  	p0 =	seq.s32 s10, $0x1;
	s10 =	sld [smem:$0x3FAF];
	_ =	sdelay $0x3  }
0x34: {  	[smem:$0x3FAF] =	sst s10  }
0x35: {  	s10 =	sld [smem:$0x3FAE];
	_ =	sdelay $0x3  }
0x36: {  	p1 =	seq.s32 s10, $0x1;
	s10 =	sld [smem:$0x3FAF];
	_ =	sdelay $0x3  }
0x37: {  	[smem:$0x3FAF] =	sst s10  }
0x38: {  	s10 =	sld [smem:$0x3FB0]  }
0x39: {  	_ = 	snop;
	(pc) =	sbr.ind lr, $3  }
0x3a: {  	_ = 	snop  }
0x3b: {  	_ = 	snop  }
0x3c: {  	p2 =	seq.s32 s10, $0x1;
	s10 =	sld [smem:$0x3FAF]  }
0x3d: {  	_ =	shalt  }
0x3e: {  	_ =	shalt  }
0x3f: {  	_ =	shalt  }
0x40: {  	_ =	shalt  }
0x41: {  	_ =	shalt  }
0x42: {  	_ =	shalt  }
0x43: {  	_ =	shalt  }
0x44: {  	_ =	shalt  }
0x45: {  	_ =	shalt  }
0x46: {  	_ =	shalt  }
0x47: {  	_ =	shalt  }
0x48: {  	_ =	shalt  }
0x49: {  	_ =	shalt  }
0x4a: {  	_ =	shalt  }
0x4b: {  	_ =	shalt  }
0x4c: {  	_ =	shalt  }
0x4d: {  	_ =	shalt  }
0x4e: {  	_ =	shalt  }
0x4f: {  	_ =	shalt  }
0x50: {  	_ =	shalt  }
0x51: {  	_ =	shalt  }
0x52: {  	_ =	shalt  }
0x53: {  	_ =	shalt  }
0x54: {  	_ =	shalt  }
0x55: {  	_ =	shalt  }
0x56: {  	_ =	shalt  }
0x57: {  	_ =	shalt  }
0x58: {  	_ =	shalt  }
0x59: {  	_ =	shalt  }
0x5a: {  	_ =	shalt  }
0x5b: {  	_ =	shalt  }
0x5c: {  	_ =	shalt  }
0x5d: {  	_ =	shalt  }
0x5e: {  	_ =	shalt  }
0x5f: {  	_ =	shalt  }
0x60: {  	_ =	shalt  }
0x61: {  	_ =	shalt  }
0x62: {  	_ =	shalt  }
0x63: {  	_ =	shalt  }
0x64: {  	_ =	shalt  }
0x65: {  	_ =	shalt  }
0x66: {  	_ =	shalt  }
0x67: {  	_ =	shalt  }
0x68: {  	_ =	shalt  }
0x69: {  	_ =	shalt  }
0x6a: {  	_ =	shalt  }
0x6b: {  	_ =	shalt  }
0x6c: {  	_ =	shalt  }
0x6d: {  	_ =	shalt  }
0x6e: {  	_ =	shalt  }
0x6f: {  	_ =	shalt  }
0x70: {  	_ =	shalt  }
0x71: {  	_ =	shalt  }
0x72: {  	_ =	shalt  }
0x73: {  	_ =	shalt  }
0x74: {  	_ =	shalt  }
0x75: {  	_ =	shalt  }
0x76: {  	_ =	shalt  }
0x77: {  	_ =	shalt  }
0x78: {  	_ =	shalt  }
0x79: {  	_ =	shalt  }
0x7a: {  	_ =	shalt  }
0x7b: {  	_ =	shalt  }
0x7c: {  	_ =	shalt  }
0x7d: {  	_ =	shalt  }
0x7e: {  	_ =	shalt  }
0x7f: {  	_ =	shalt  }
0x80: {  	_ =	shalt  }
0x81: {  	_ =	shalt  }
0x82: {  	_ =	shalt  }
0x83: {  	_ =	shalt  }
0x84: {  	_ =	shalt  }
0x85: {  	_ =	shalt  }
0x86: {  	_ =	shalt  }
0x87: {  	_ =	shalt  }
.Lfunc_end0:
.L_simem_size_0:
called_computation_lowered:
.L_overlay_start_0:
0x88: {  	s2 =	sld [smem:$0x3FD9]  }
0x89: {  	s3 =	sld [smem:$0x3FFE];
	_ =	sdelay $0x1  }
0x8a: {  	s1 =	srdreg.scid  }
0x8b: {  	s0 =	sand.u32 $0x1, s1  }
0x8c: {  	s17 =	sshll.u32 s0, $0xA;
	s2 =	sadd.s32 s3, s2  }
0x8d: {  	s2 =	sadd.s32 s2, s17  }
0x8e: {  	[smem:$0x3FBB] =	sst s2  }
0x8f: {  	_ = 	snop  }
0x90: {  	s2 =	sld [smem:$0x3FC9]  }
0x91: {  	s18 =	sld [smem:$0x3FC8]  }
0x92: {  	s4 =	sld [smem:$0x3FC7];
	(tm) =	ssettm $0x1  }
0x93: {  	s5 =	sld [smem:$0x3FFB];
	_ =	sdelay $0x3  }
0x94: {  	_ =	strace s5  }
0x95: {  	s5 =	sld [smem:$0x3FFC];
	_ =	sdelay $0x3  }
0x96: {  	_ =	strace s5  }
0x97: {  	s5 =	sld [smem:$0x3FFD];
	_ =	sdelay $0x3  }
0x98: {  	_ =	strace s5  }
0x99: {  	_ =	strace $0x8FFFFFFF  }
0x9a: {  	s19 =	sld [smem:$0x3FDB];
	_ =	sdelay $0x1  }
0x9b: {  	s6 =	simm.s32 $_scs_section_size  }
0x9c: {  	s7 =	simm.s32 $_size__tile_overlayer_lowered;
	s8 =	simm.s32 $_tile_overlayer_lowered  }
0x9d: {  	s22 =	simm.s32 $0x1BFF;
	s21 =	sshll.u32 s8, $0x1;
	s5 =	sadd.s32 s6, s19  }
0x9e: {  	s9 =	simm.s32 $0x0;
	s20 =	sshll.u32 s7, $0x1;
	s7 =	sadd.s32 s21, s5  }
0x9f: {  	[timem:s9], [sflag:s22] =	dma.local [hbm:s7], s20  }
0xa0: {  	_ =	swait.ge [sflag:s22], s20  }
0xa1: {  	s6 =	ssub.s32 $0x0, s20;
	[sflag:s22] =	ssyncset.done $0x0  }
0xa2: {  	[sflag:s22] =	ssyncadd.s32 s6;
	_ =	sdelay $0x1  }
0xa3: {  	s23 =	simm.s32 $0x1B8B  }
0xa4: {  	_ =	swait.ge [sflag:s23], $0x1  }
0xa5: {  	[sflag:s23] =	ssyncset.done $0x0  }
0xa6: {  	s25 =	simm.s32 $0x1B8E;
	s24 =	sld [smem:$0x3FFE];
	[sflag:s23] =	ssyncadd.s32 $0xFFFFFFFF  }
0xa7: {  	s26 =	simm.s32 $execute0_lowered;
	[smem:$0x3FD2] =	sst s25  }
0xa8: {  	s7 =	sshll.u32 s26, $0x1;
	_ =	strace $0x80000046;
	[dreg:$0x1] =	wrdreg $0xFFFFFFFF  }
0xa9: {  	s28 =	simm.s32 $_size_execute0_lowered;
	s5 =	sadd.s32 s5, s7;
	[dreg:$0x0] =	wrdreg $0x0  }
0xaa: {  	s7 =	sshll.u32 s28, $0x1;
	[dreg:$0x2] =	wrdreg s5  }
0xab: {  	[dreg:$0x3] =	wrdreg s7  }
0xac: {  	[dreg:$0x4] =	wrdreg $0xC0  }
0xad: {  	_ =	task [dreg:s9], $0x5FFFF  }
0xae: {  	[dreg:$0x1] =	wrdreg $0xFFFFFFFF  }
0xaf: {  	[dreg:$0x0] =	wrdreg $0x60  }
0xb0: {  	[dreg:$0x2] =	wrdreg s2  }
0xb1: {  	[dreg:$0x3] =	wrdreg s18  }
0xb2: {  	[dreg:$0x4] =	wrdreg s4  }
0xb3: {  	[dreg:$0x5] =	wrdreg s24  }
0xb4: {  	[dreg:$0x6] =	wrdreg $0xA  }
0xb5: {  	_ =	task.clear_ibuf [dreg:s9], $0x7FFFF;
	_ =	strace $0x90000046  }
0xb6: {  	s29 =	simm.s32 $0xA;
	_ =	strace $0x80000048  }
0xb7: {  	_ =	swait.ge [sflag:s29], $0x1  }
0xb8: {  	[sflag:s29] =	ssyncadd.s32 $0xFFFFFFFF  }
0xb9: {  	_ =	strace $0x90000048  }
0xba: {  	_ =	sfence  }
0xbb: {  	s30 =	sld [smem:$0x0];
	_ =	sdelay $0x2  }
0xbc: {  	s31 =	sshll.u32 s1, $0xD;
	s1 =	sshrl.u32 s1, $0x2  }
0xbd: {  	s3 =	sand.u32 $0x4000, s31;
	s1 =	sadd.s32 s1, s30  }
0xbe: {  	s0 =	sor.u32 s3, s0;
	s1 =	sshll.u32 s1, $0x11  }
0xbf: {  	s0 =	sor.u32 s1, s0  }
0xc0: {  	s0 =	sadd.s32 $0x8F2B, s0  }
0xc1: {  	[sflag:s0] =	ssyncadd.remote.s32 $0x1  }
0xc2: {  	_ =	sfence.sel $0xFFFF  }
0xc3: {  	[dreg:$0x0] =	wrdreg $0xFFFFFFFF;
	(pc) =	sbr.abs _section_cstart, $3  }
0xc4: {  	[dreg:$0x1] =	wrdreg $0xFFFFFFFF  }
0xc5: {  	_ =	task.clear_ibuf [dreg:s9], $0x2FFFF;
	_ =	strace $0x9FFFFFFF  }
0xc6: {  	(tm) =	ssettm $0x7FFFFFFF  }
0xc7: {  	_ =	shalt  }
tec
execute0_lowered:
.L_overlay_start_1:
0x0: {  	(tag) =	ssettag $0x1  }
0x1: {  	s3 =	rddreg [dreg:$0x0]  }
0x2: {  	s4 =	rddreg [dreg:$0x1]  }
0x3: {  	s0 =	rddreg [dreg:$0x2]  }
0x4: {  	s5 =	rddreg [dreg:$0x3];
	s2 =	srdreg.scid  }
0x5: {  	[dreg:$0x5] =	wrdreg s0;
	s7 =	sand.u32 $0x1, s2;
	s2 =	simm.s32 $0x0  }
0x6: {  	s13 =	simm.s32 $0x100;
	[smem:$0x7FF] =	sst s2  }
0x7: {  	s14 =	simm.s32 $0x500;
	_ =	strace $0x80000047;
	[dreg:$0x7] =	wrdreg s13  }
0x8: {  	s15 =	simm.s32 $0x900;
	[dreg:$0x8] =	wrdreg s14  }
0x9: {  	s16 =	simm.s32 $0xD00;
	[dreg:$0x9] =	wrdreg s15  }
0xa: {  	s17 =	simm.s32 $0x1100;
	[dreg:$0xa] =	wrdreg s16  }
0xb: {  	s19 =	simm.s32 $0x1500;
	[dreg:$0xb] =	wrdreg s17  }
0xc: {  	s20 =	simm.s32 $0x1900;
	[dreg:$0xc] =	wrdreg s19  }
0xd: {  	s11 =	stileid.u32;
	s21 =	simm.s32 $0x1D00;
	[dreg:$0xd] =	wrdreg s20  }
0xe: {  	s23 =	simm.s32 $0x2100;
	s24 =	simm.s32 $0x2500;
	[dreg:$0xe] =	wrdreg s21  }
0xf: {  	s25 =	simm.s32 $0x2900;
	s26 =	simm.s32 $0x2D00;
	[dreg:$0xf] =	wrdreg s23  }
0x10: {  	s28 =	simm.s32 $0x3100;
	s29 =	simm.s32 $0x3500;
	[dreg:$0x10] =	wrdreg s24  }
0x11: {  	s30 =	simm.s32 $0x3900;
	s31 =	simm.s32 $0x3D00;
	[dreg:$0x11] =	wrdreg s25  }
0x12: {  	s6 =	sshll.u32 s11, $0xC;
	s22 =	sshll.u32 s11, $0x8;
	[dreg:$0x12] =	wrdreg s26  }
0x13: {  	s5 =	sadd.s32 s6, s5;
	s12 =	sshll.u32 s7, $0xB;
	[dreg:$0x13] =	wrdreg s28  }
0x14: {  	s18 =	ssub.s32 $0x2, s7;
	s7 =	sshll.u32 s7, $0x7;
	[dreg:$0x14] =	wrdreg s29  }
0x15: {  	s5 =	sadd.s32 s12, s5;
	s8 =	sshrl.u32 s18, $0x1;
	[dreg:$0x15] =	wrdreg s30  }
0x16: {  	s7 =	sor.u32 s7, s22;
	[dreg:$0x16] =	wrdreg s31;
	s5 =	sadd.s32 $0x3600, s5  }
0x17: {  	s6 =	ssub.s32 s18, s8;
	s7 =	sshrl.u32 s7, $0x3;
	s8 =	simm.s32 $0x0  }
0x18: {  	[dreg:$0x6] =	wrdreg s5;
	s3 =	sadd.s32 s3, s7;
	s4 =	sadd.s32 s4, s7  }
0x19: {  	s5 =	smax.u32 s6, $0x1;
	s6 =	simm.s32 $0x2;
	s7 =	simm.s32 $0x1  }
.LBB2_1:
0x1a: {  	[tilespmem:s2], [sflag:$0x2] =	stream.linear.gather [hbm4b:s3+s2], $0x80, $0x38;
	[tilespmem:$0x4100] =	vst v63  }
0x1b: {  	_ =	swait.ge [sflag:s6], $0x80  }
0x1c: {  	[sflag:s6] =	ssyncset.done $0x0  }
0x1d: {  	s9 =	simm.s32 $0x80;
	[sflag:s6] =	ssyncadd.s32 $0xFFFFFF80  }
0x1e: {  	[tilespmem:s9], [sflag:$0x2] =	stream.linear.gather [hbm4b:s4+s2], $0x80, $0x38;
	[tilespmem:$0x4100] =	vst v63  }
0x1f: {  	_ =	swait.ge [sflag:s6], $0x80  }
0x20: {  	[sflag:s6] =	ssyncset.done $0x0  }
0x21: {  	[sflag:s6] =	ssyncadd.s32 $0xFFFFFF80  }
0x22: {  	v0 =	vld [tilespmem:s2+$0x0];
	_ =	sdelay $0x4  }
0x23: {  	s10 =	rddreg [dreg:$0x5];
	v0 =	vand.u32 $0xFFFFFF80, v0  }
0x24: {  	v0 =	vadd.s32 s10, v0  }
0x25: {  	(v2sf) =	vpush v0, $0xE  }
0x26: {  	(v2sf) =	vpush v0, $0xF  }
0x27: {  	(v2sf) =	vpush v0, $0xD  }
0x28: {  	(v2sf) =	vpush v0, $0xC  }
0x29: {  	(v2sf) =	vpush v0, $0xA  }
0x2a: {  	v1 =	vld [tilespmem:s9+$0x0];
	(v2sf) =	vpush v0, $0xB  }
0x2b: {  	(v2sf) =	vpush v0, $0x8  }
0x2c: {  	(v2sf) =	vpush v0, $0x9  }
0x2d: {  	(v2sf) =	vpush v0, $0x6  }
0x2e: {  	(v2sf) =	vpush v0, $0x7  }
0x2f: {  	v2 =	vshrl.u32 v1, $0x3;
	(v2sf) =	vpush v0, $0x4  }
0x30: {  	v2 =	vmul.u32 $0x2780, v2;
	(v2sf) =	vpush v0, $0x5  }
0x31: {  	(v2sf) =	vpush v0, $0x3  }
0x32: {  	(v2sf) =	vpush v2, $0x1  }
0x33: {  	(v2sf) =	vpush v0, $0x2  }
0x34: {  	(v2sf) =	vpush v0, $0x1;
	s11 =	spop (v2sf)  }
0x35: {  	(v2sf) =	vpush v2, $0x0;
	s10 =	spop (v2sf)  }
0x36: {  	(v2sf) =	vpush v0, $0x0;
	s12 =	spop (v2sf)  }
0x37: {  	s13 =	spop (v2sf)  }
0x38: {  	s15 =	spop (v2sf)  }
0x39: {  	s14 =	spop (v2sf)  }
0x3a: {  	s17 =	spop (v2sf)  }
0x3b: {  	(v2sf) =	vpush v2, $0x2;
	s16 =	spop (v2sf)  }
0x3c: {  	(v2sf) =	vpush v2, $0x3;
	s18 =	spop (v2sf)  }
0x3d: {  	s19 =	spop (v2sf)  }
0x3e: {  	(v2sf) =	vpush v2, $0x4;
	s20 =	spop (v2sf)  }
0x3f: {  	(v2sf) =	vpush v2, $0x5;
	s21 =	spop (v2sf)  }
0x40: {  	s22 =	spop (v2sf)  }
0x41: {  	(v2sf) =	vpush v2, $0x6;
	s23 =	spop (v2sf)  }
0x42: {  	s24 =	spop (v2sf)  }
0x43: {  	(v2sf) =	vpush v2, $0x7;
	s25 =	spop (v2sf)  }
0x44: {  	s28 =	spop (v2sf)  }
0x45: {  	(v2sf) =	vpush v2, $0x8;
	s29 =	spop (v2sf)  }
0x46: {  	s26 =	rddreg [dreg:$0x7];
	s28 =	sadd.s32 s28, s29  }
0x47: {  	(v2sf) =	vpush v2, $0x9;
	[tilespmem:s26], [sflag:$0x1] =	stream.linear.gather [hbm4b:s28+s2], $0x400, $0x38;
	[tilespmem:$0x4100] =	vst v63  }
0x48: {  	s23 =	sadd.s32 s23, s25;
	s29 =	rddreg [dreg:$0x8]  }
0x49: {  	(v2sf) =	vpush v2, $0xA;
	[tilespmem:s29], [sflag:$0x1] =	stream.linear.gather [hbm4b:s23+s2], $0x400, $0x38;
	[tilespmem:$0x4100] =	vst v63  }
0x4a: {  	s26 =	spop (v2sf)  }
0x4b: {  	s1 =	rddreg [dreg:$0x9];
	(v2sf) =	vpush v2, $0xB;
	s23 =	sadd.s32 s26, s24;
	s28 =	spop (v2sf)  }
0x4c: {  	[tilespmem:s1], [sflag:$0x1] =	stream.linear.gather [hbm4b:s23+s2], $0x400, $0x38;
	[tilespmem:$0x4100] =	vst v63  }
0x4d: {  	s31 =	spop (v2sf);
	(v2sf) =	vpush v2, $0xC  }
0x4e: {  	s30 =	rddreg [dreg:$0xa];
	s22 =	sadd.s32 s28, s22;
	s1 =	spop (v2sf)  }
0x4f: {  	[tilespmem:s30], [sflag:$0x1] =	stream.linear.gather [hbm4b:s22+s2], $0x400, $0x38;
	(v2sf) =	vpush v2, $0xD;
	[tilespmem:$0x4100] =	vst v63  }
0x50: {  	s0 =	rddreg [dreg:$0xb];
	s20 =	sadd.s32 s31, s20;
	s26 =	spop (v2sf)  }
0x51: {  	(v2sf) =	vpush v2, $0xE;
	[tilespmem:s0], [sflag:$0x1] =	stream.linear.gather [hbm4b:s20+s2], $0x400, $0x38;
	[tilespmem:$0x4100] =	vst v63  }
0x52: {  	s23 =	rddreg [dreg:$0xc];
	s28 =	sadd.s32 s1, s21;
	s31 =	spop (v2sf)  }
0x53: {  	v63 =	vand.u32 $0x7, v1;
	(v2sf) =	vpush v2, $0xF;
	[tilespmem:s23], [sflag:$0x1] =	stream.linear.gather [hbm4b:s28+s2], $0x400, $0x38;
	[tilespmem:$0x4100] =	vst v63  }
0x54: {  	v0 =	vshll.u32 v63, $0x7;
	s30 =	rddreg [dreg:$0xd];
	s18 =	sadd.s32 s26, s18;
	s1 =	spop (v2sf)  }
0x55: {  	(v2sf) =	vpush v0, $0x0;
	[tilespmem:s30], [sflag:$0x1] =	stream.linear.gather [hbm4b:s18+s2], $0x400, $0x38;
	[tilespmem:$0x4100] =	vst v63  }
0x56: {  	s0 =	rddreg [dreg:$0xe];
	s19 =	sadd.s32 s31, s19;
	s23 =	spop (v2sf)  }
0x57: {  	(v2sf) =	vpush v0, $0x1;
	[tilespmem:s0], [sflag:$0x1] =	stream.linear.gather [hbm4b:s19+s2], $0x400, $0x38;
	[tilespmem:$0x4100] =	vst v63  }
0x58: {  	s21 =	rddreg [dreg:$0xf];
	s17 =	sadd.s32 s1, s17;
	s25 =	spop (v2sf)  }
0x59: {  	[tilespmem:s21], [sflag:$0x1] =	stream.linear.gather [hbm4b:s17+s2], $0x400, $0x38;
	[tilespmem:$0x4100] =	vst v63  }
0x5a: {  	s24 =	rddreg [dreg:$0x10];
	s16 =	sadd.s32 s23, s16;
	(v2sf) =	vpush v0, $0x2;
	s28 =	spop (v2sf)  }
0x5b: {  	(v2sf) =	vpush v0, $0x3;
	[tilespmem:s24], [sflag:$0x1] =	stream.linear.gather [hbm4b:s16+s2], $0x400, $0x38;
	[tilespmem:$0x4100] =	vst v63  }
0x5c: {  	s26 =	rddreg [dreg:$0x11];
	s15 =	sadd.s32 s25, s15;
	(v2sf) =	vpush v0, $0x4;
	s31 =	spop (v2sf)  }
0x5d: {  	(v2sf) =	vpush v0, $0x5;
	[tilespmem:s26], [sflag:$0x1] =	stream.linear.gather [hbm4b:s15+s2], $0x400, $0x38;
	[tilespmem:$0x4100] =	vst v63  }
0x5e: {  	s30 =	rddreg [dreg:$0x12];
	s14 =	sadd.s32 s28, s14;
	(v2sf) =	vpush v0, $0x6;
	s1 =	spop (v2sf)  }
0x5f: {  	(v2sf) =	vpush v0, $0x7;
	[tilespmem:s30], [sflag:$0x1] =	stream.linear.gather [hbm4b:s14+s2], $0x400, $0x38;
	[tilespmem:$0x4100] =	vst v63  }
0x60: {  	s0 =	rddreg [dreg:$0x13];
	s13 =	sadd.s32 s31, s13;
	(v2sf) =	vpush v0, $0x8;
	s19 =	spop (v2sf)  }
0x61: {  	(v2sf) =	vpush v0, $0x9;
	[tilespmem:s0], [sflag:$0x1] =	stream.linear.gather [hbm4b:s13+s2], $0x400, $0x38;
	[tilespmem:$0x4100] =	vst v63  }
0x62: {  	s18 =	rddreg [dreg:$0x14];
	s12 =	sadd.s32 s1, s12;
	s21 =	spop (v2sf);
	(v2sf) =	vpush v0, $0xA  }
0x63: {  	(v2sf) =	vpush v0, $0xB;
	[tilespmem:s18], [sflag:$0x1] =	stream.linear.gather [hbm4b:s12+s2], $0x400, $0x38;
	[tilespmem:$0x4100] =	vst v63  }
0x64: {  	s20 =	rddreg [dreg:$0x15];
	s11 =	sadd.s32 s19, s11;
	s23 =	spop (v2sf);
	(v2sf) =	vpush v0, $0xC  }
0x65: {  	(v2sf) =	vpush v0, $0xD;
	[tilespmem:s20], [sflag:$0x1] =	stream.linear.gather [hbm4b:s11+s2], $0x400, $0x38;
	[tilespmem:$0x4100] =	vst v63  }
0x66: {  	s22 =	rddreg [dreg:$0x16];
	s10 =	sadd.s32 s21, s10;
	(v2sf) =	vpush v0, $0xE;
	s24 =	spop (v2sf)  }
0x67: {  	(v2sf) =	vpush v0, $0xF;
	[tilespmem:s22], [sflag:$0x1] =	stream.linear.gather [hbm4b:s10+s2], $0x400, $0x38;
	[tilespmem:$0x4100] =	vst v63  }
0x68: {  	_ =	swait.ge [sflag:s7], $0x400  }
0x69: {  	s31 =	spop (v2sf)  }
0x6a: {  	[sflag:s7] =	ssyncset.done $0x0;
	s0 =	spop (v2sf)  }
0x6b: {  	[sflag:s7] =	ssyncadd.s32 $0xFFFFFC00;
	s22 =	spop (v2sf)  }
0x6c: {  	_ =	swait.ge [sflag:s7], $0x400  }
0x6d: {  	s21 =	spop (v2sf)  }
0x6e: {  	[sflag:s7] =	ssyncset.done $0x0;
	s20 =	spop (v2sf)  }
0x6f: {  	[sflag:s7] =	ssyncadd.s32 $0xFFFFFC00;
	s19 =	spop (v2sf)  }
0x70: {  	_ =	swait.ge [sflag:s7], $0x400  }
0x71: {  	s18 =	spop (v2sf)  }
0x72: {  	[sflag:s7] =	ssyncset.done $0x0;
	s17 =	spop (v2sf)  }
0x73: {  	[sflag:s7] =	ssyncadd.s32 $0xFFFFFC00;
	s12 =	spop (v2sf)  }
0x74: {  	_ =	swait.ge [sflag:s7], $0x400  }
0x75: {  	s10 =	spop (v2sf)  }
0x76: {  	[sflag:s7] =	ssyncset.done $0x0;
	s11 =	spop (v2sf)  }
0x77: {  	[sflag:s7] =	ssyncadd.s32 $0xFFFFFC00;
	s15 =	spop (v2sf)  }
0x78: {  	_ =	swait.ge [sflag:s7], $0x400  }
0x79: {  	s14 =	spop (v2sf);
	[sflag:s7] =	ssyncset.done $0x0  }
0x7a: {  	s13 =	spop (v2sf);
	[sflag:s7] =	ssyncadd.s32 $0xFFFFFC00  }
0x7b: {  	_ =	swait.ge [sflag:s7], $0x400  }
0x7c: {  	[sflag:s7] =	ssyncset.done $0x0  }
0x7d: {  	[sflag:s7] =	ssyncadd.s32 $0xFFFFFC00  }
0x7e: {  	_ =	swait.ge [sflag:s7], $0x400  }
0x7f: {  	[sflag:s7] =	ssyncset.done $0x0  }
0x80: {  	[sflag:s7] =	ssyncadd.s32 $0xFFFFFC00  }
0x81: {  	_ =	swait.ge [sflag:s7], $0x400  }
0x82: {  	[sflag:s7] =	ssyncset.done $0x0  }
0x83: {  	[sflag:s7] =	ssyncadd.s32 $0xFFFFFC00  }
0x84: {  	_ =	swait.ge [sflag:s7], $0x400  }
0x85: {  	[sflag:s7] =	ssyncset.done $0x0  }
0x86: {  	[sflag:s7] =	ssyncadd.s32 $0xFFFFFC00  }
0x87: {  	_ =	swait.ge [sflag:s7], $0x400  }
0x88: {  	[sflag:s7] =	ssyncset.done $0x0  }
0x89: {  	[sflag:s7] =	ssyncadd.s32 $0xFFFFFC00  }
0x8a: {  	_ =	swait.ge [sflag:s7], $0x400  }
0x8b: {  	[sflag:s7] =	ssyncset.done $0x0  }
0x8c: {  	[sflag:s7] =	ssyncadd.s32 $0xFFFFFC00  }
0x8d: {  	_ =	swait.ge [sflag:s7], $0x400  }
0x8e: {  	[sflag:s7] =	ssyncset.done $0x0  }
0x8f: {  	[sflag:s7] =	ssyncadd.s32 $0xFFFFFC00  }
0x90: {  	_ =	swait.ge [sflag:s7], $0x400  }
0x91: {  	[sflag:s7] =	ssyncset.done $0x0  }
0x92: {  	[sflag:s7] =	ssyncadd.s32 $0xFFFFFC00  }
0x93: {  	_ =	swait.ge [sflag:s7], $0x400  }
0x94: {  	[sflag:s7] =	ssyncset.done $0x0  }
0x95: {  	[sflag:s7] =	ssyncadd.s32 $0xFFFFFC00  }
0x96: {  	_ =	swait.ge [sflag:s7], $0x400  }
0x97: {  	[sflag:s7] =	ssyncset.done $0x0  }
0x98: {  	[sflag:s7] =	ssyncadd.s32 $0xFFFFFC00  }
0x99: {  	_ =	swait.ge [sflag:s7], $0x400  }
0x9a: {  	s1 =	rddreg [dreg:$0x6];
	[sflag:s7] =	ssyncset.done $0x0  }
0x9b: {  	s30 =	sadd.s32 $0x100, s23;
	[sflag:s7] =	ssyncadd.s32 $0xFFFFFC00;
	s16 =	sadd.s32 $0x0, s1  }
0x9c: {  	[hbm4b:s16+s2] =	stream.linear.scatter [tilespmem:s30], [sflag:$0x2], $0x80, $0x38;
	[tilespmem:$0x4100] =	vst v63  }
0x9d: {  	_ =	swait.ge [sflag:s6], $0x80  }
0x9e: {  	[sflag:s6] =	ssyncset.done $0x0  }
0x9f: {  	s25 =	sadd.s32 $0x500, s24;
	s26 =	sadd.s32 $0x10, s16;
	[sflag:s6] =	ssyncadd.s32 $0xFFFFFF80  }
0xa0: {  	[hbm4b:s26+s2] =	stream.linear.scatter [tilespmem:s25], [sflag:$0x2], $0x80, $0x38;
	[tilespmem:$0x4100] =	vst v63  }
0xa1: {  	_ =	swait.ge [sflag:s6], $0x80  }
0xa2: {  	[sflag:s6] =	ssyncset.done $0x0  }
0xa3: {  	s24 =	sadd.s32 $0x900, s31;
	s31 =	sadd.s32 $0x20, s16;
	[sflag:s6] =	ssyncadd.s32 $0xFFFFFF80  }
0xa4: {  	[hbm4b:s31+s2] =	stream.linear.scatter [tilespmem:s24], [sflag:$0x2], $0x80, $0x38;
	[tilespmem:$0x4100] =	vst v63  }
0xa5: {  	_ =	swait.ge [sflag:s6], $0x80  }
0xa6: {  	[sflag:s6] =	ssyncset.done $0x0  }
0xa7: {  	s23 =	sadd.s32 $0xD00, s0;
	s0 =	sadd.s32 $0x30, s16;
	[sflag:s6] =	ssyncadd.s32 $0xFFFFFF80  }
0xa8: {  	[hbm4b:s0+s2] =	stream.linear.scatter [tilespmem:s23], [sflag:$0x2], $0x80, $0x38;
	[tilespmem:$0x4100] =	vst v63  }
0xa9: {  	_ =	swait.ge [sflag:s6], $0x80  }
0xaa: {  	[sflag:s6] =	ssyncset.done $0x0  }
0xab: {  	s22 =	sadd.s32 $0x1100, s22;
	s1 =	sadd.s32 $0x40, s16;
	[sflag:s6] =	ssyncadd.s32 $0xFFFFFF80  }
0xac: {  	[hbm4b:s1+s2] =	stream.linear.scatter [tilespmem:s22], [sflag:$0x2], $0x80, $0x38;
	[tilespmem:$0x4100] =	vst v63  }
0xad: {  	_ =	swait.ge [sflag:s6], $0x80  }
0xae: {  	[sflag:s6] =	ssyncset.done $0x0  }
0xaf: {  	s21 =	sadd.s32 $0x1500, s21;
	s23 =	sadd.s32 $0x50, s16;
	[sflag:s6] =	ssyncadd.s32 $0xFFFFFF80  }
0xb0: {  	[hbm4b:s23+s2] =	stream.linear.scatter [tilespmem:s21], [sflag:$0x2], $0x80, $0x38;
	[tilespmem:$0x4100] =	vst v63  }
0xb1: {  	_ =	swait.ge [sflag:s6], $0x80  }
0xb2: {  	[sflag:s6] =	ssyncset.done $0x0  }
0xb3: {  	s20 =	sadd.s32 $0x1900, s20;
	s24 =	sadd.s32 $0x60, s16;
	[sflag:s6] =	ssyncadd.s32 $0xFFFFFF80  }
0xb4: {  	[hbm4b:s24+s2] =	stream.linear.scatter [tilespmem:s20], [sflag:$0x2], $0x80, $0x38;
	[tilespmem:$0x4100] =	vst v63  }
0xb5: {  	_ =	swait.ge [sflag:s6], $0x80  }
0xb6: {  	[sflag:s6] =	ssyncset.done $0x0  }
0xb7: {  	s19 =	sadd.s32 $0x1D00, s19;
	s25 =	sadd.s32 $0x70, s16;
	[sflag:s6] =	ssyncadd.s32 $0xFFFFFF80  }
0xb8: {  	[hbm4b:s25+s2] =	stream.linear.scatter [tilespmem:s19], [sflag:$0x2], $0x80, $0x38;
	[tilespmem:$0x4100] =	vst v63  }
0xb9: {  	_ =	swait.ge [sflag:s6], $0x80  }
0xba: {  	[sflag:s6] =	ssyncset.done $0x0  }
0xbb: {  	s18 =	sadd.s32 $0x2100, s18;
	s26 =	sadd.s32 $0x80, s16;
	[sflag:s6] =	ssyncadd.s32 $0xFFFFFF80  }
0xbc: {  	[hbm4b:s26+s2] =	stream.linear.scatter [tilespmem:s18], [sflag:$0x2], $0x80, $0x38;
	[tilespmem:$0x4100] =	vst v63  }
0xbd: {  	_ =	swait.ge [sflag:s6], $0x80  }
0xbe: {  	[sflag:s6] =	ssyncset.done $0x0  }
0xbf: {  	s17 =	sadd.s32 $0x2500, s17;
	s28 =	sadd.s32 $0x90, s16;
	[sflag:s6] =	ssyncadd.s32 $0xFFFFFF80  }
0xc0: {  	[hbm4b:s28+s2] =	stream.linear.scatter [tilespmem:s17], [sflag:$0x2], $0x80, $0x38;
	[tilespmem:$0x4100] =	vst v63  }
0xc1: {  	_ =	swait.ge [sflag:s6], $0x80  }
0xc2: {  	[sflag:s6] =	ssyncset.done $0x0  }
0xc3: {  	s12 =	sadd.s32 $0x2900, s12;
	s30 =	sadd.s32 $0xA0, s16;
	[sflag:s6] =	ssyncadd.s32 $0xFFFFFF80  }
0xc4: {  	[hbm4b:s30+s2] =	stream.linear.scatter [tilespmem:s12], [sflag:$0x2], $0x80, $0x38;
	[tilespmem:$0x4100] =	vst v63  }
0xc5: {  	_ =	swait.ge [sflag:s6], $0x80  }
0xc6: {  	s10 =	sadd.s32 $0x2D00, s10;
	s29 =	sadd.s32 $0xC0, s16;
	[sflag:s6] =	ssyncset.done $0x0  }
0xc7: {  	s31 =	sadd.s32 $0xB0, s16;
	s17 =	sadd.s32 $0x3100, s11;
	[sflag:s6] =	ssyncadd.s32 $0xFFFFFF80  }
0xc8: {  	[hbm4b:s31+s2] =	stream.linear.scatter [tilespmem:s10], [sflag:$0x2], $0x80, $0x38;
	[tilespmem:$0x4100] =	vst v63  }
0xc9: {  	s11 =	simm.s32 $0x0;
	s10 =	simm.s32 $0x100;
	_ =	swait.ge [sflag:s6], $0x80  }
.LBB2_2:
0xca: {  	[sflag:s6] =	ssyncset.done $0x0  }
0xcb: {  	[sflag:s6] =	ssyncadd.s32 $0xFFFFFF80  }
0xcc: {  	[hbm4b:s29+s2] =	stream.linear.scatter [tilespmem:s17], [sflag:$0x2], $0x80, $0x38;
	[tilespmem:$0x4100] =	vst v63  }
0xcd: {  	_ =	swait.ge [sflag:s6], $0x80  }
0xce: {  	[sflag:s6] =	ssyncset.done $0x0  }
0xcf: {  	s15 =	sadd.s32 $0x3500, s15;
	s24 =	sadd.s32 $0xD0, s16;
	[sflag:s6] =	ssyncadd.s32 $0xFFFFFF80  }
0xd0: {  	[hbm4b:s24+s2] =	stream.linear.scatter [tilespmem:s15], [sflag:$0x2], $0x80, $0x38;
	[tilespmem:$0x4100] =	vst v63  }
0xd1: {  	_ =	swait.ge [sflag:s6], $0x80  }
0xd2: {  	[sflag:s6] =	ssyncset.done $0x0  }
0xd3: {  	s14 =	sadd.s32 $0x3900, s14;
	s25 =	sadd.s32 $0xE0, s16;
	[sflag:s6] =	ssyncadd.s32 $0xFFFFFF80  }
0xd4: {  	[hbm4b:s25+s2] =	stream.linear.scatter [tilespmem:s14], [sflag:$0x2], $0x80, $0x38;
	[tilespmem:$0x4100] =	vst v63  }
0xd5: {  	_ =	swait.ge [sflag:s6], $0x80  }
0xd6: {  	[sflag:s6] =	ssyncset.done $0x0  }
0xd7: {  	s13 =	sadd.s32 $0x3D00, s13;
	s26 =	sadd.s32 $0xF0, s16;
	[sflag:s6] =	ssyncadd.s32 $0xFFFFFF80  }
0xd8: {  	[hbm4b:s26+s2] =	stream.linear.scatter [tilespmem:s13], [sflag:$0x2], $0x80, $0x38;
	[tilespmem:$0x4100] =	vst v63  }
0xd9: {  	_ =	swait.ge [sflag:s6], $0x80  }
0xda: {  	[sflag:s6] =	ssyncset.done $0x0  }
0xdb: {  	s11 =	sadd.s32 $0x10, s11;
	[sflag:s6] =	ssyncadd.s32 $0xFFFFFF80  }
0xdc: {  	v0 =	vld [tilespmem:s11+$0x0];
	_ =	sdelay $0x4  }
0xdd: {  	s28 =	rddreg [dreg:$0x5];
	v0 =	vand.u32 $0xFFFFFF80, v0  }
0xde: {  	v1 =	vadd.s32 s28, v0  }
0xdf: {  	(v2sf) =	vpush v1, $0xE  }
0xe0: {  	(v2sf) =	vpush v1, $0xF  }
0xe1: {  	(v2sf) =	vpush v1, $0xD  }
0xe2: {  	(v2sf) =	vpush v1, $0xC  }
0xe3: {  	s9 =	sadd.s32 $0x10, s9;
	(v2sf) =	vpush v1, $0xA  }
0xe4: {  	v62 =	vld [tilespmem:s9+$0x0];
	(v2sf) =	vpush v1, $0xB  }
0xe5: {  	(v2sf) =	vpush v1, $0x8  }
0xe6: {  	(v2sf) =	vpush v1, $0x9  }
0xe7: {  	(v2sf) =	vpush v1, $0x6  }
0xe8: {  	(v2sf) =	vpush v1, $0x7  }
0xe9: {  	v0 =	vshrl.u32 v62, $0x3;
	(v2sf) =	vpush v1, $0x4  }
0xea: {  	v3 =	vmul.u32 $0x2780, v0;
	(v2sf) =	vpush v1, $0x5  }
0xeb: {  	(v2sf) =	vpush v1, $0x3  }
0xec: {  	(v2sf) =	vpush v3, $0x1  }
0xed: {  	(v2sf) =	vpush v1, $0x2  }
0xee: {  	(v2sf) =	vpush v1, $0x1;
	s14 =	spop (v2sf)  }
0xef: {  	(v2sf) =	vpush v3, $0x0;
	s13 =	spop (v2sf)  }
0xf0: {  	(v2sf) =	vpush v1, $0x0;
	s15 =	spop (v2sf)  }
0xf1: {  	(v2sf) =	vpush v3, $0x2;
	s16 =	spop (v2sf)  }
0xf2: {  	s18 =	spop (v2sf)  }
0xf3: {  	(v2sf) =	vpush v3, $0x3;
	s17 =	spop (v2sf)  }
0xf4: {  	s20 =	spop (v2sf)  }
0xf5: {  	(v2sf) =	vpush v3, $0x4;
	s19 =	spop (v2sf)  }
0xf6: {  	s22 =	spop (v2sf)  }
0xf7: {  	(v2sf) =	vpush v3, $0x5;
	s21 =	spop (v2sf)  }
0xf8: {  	s23 =	spop (v2sf)  }
0xf9: {  	s24 =	spop (v2sf);
	(v2sf) =	vpush v3, $0x6  }
0xfa: {  	s26 =	spop (v2sf)  }
0xfb: {  	s28 =	spop (v2sf);
	(v2sf) =	vpush v3, $0x7  }
0xfc: {  	s29 =	spop (v2sf)  }
0xfd: {  	s31 =	spop (v2sf);
	(v2sf) =	vpush v3, $0x8  }
0xfe: {  	s0 =	spop (v2sf)  }
0xff: {  	s25 =	rddreg [dreg:$0x7];
	s1 =	spop (v2sf);
	(v2sf) =	vpush v3, $0x9  }
0x100: {  	s30 =	rddreg [dreg:$0x8];
	s0 =	sadd.s32 s0, s1;
	s1 =	spop (v2sf)  }
0x101: {  	(v2sf) =	vpush v3, $0xA;
	[tilespmem:s25], [sflag:$0x1] =	stream.linear.gather [hbm4b:s0+s2], $0x400, $0x38;
	[tilespmem:$0x4100] =	vst v63  }
0x102: {  	s28 =	sadd.s32 s28, s31;
	s31 =	rddreg [dreg:$0x9];
	s25 =	spop (v2sf)  }
0x103: {  	(v2sf) =	vpush v3, $0xB;
	[tilespmem:s30], [sflag:$0x1] =	stream.linear.gather [hbm4b:s28+s2], $0x400, $0x38;
	[tilespmem:$0x4100] =	vst v63  }
0x104: {  	s0 =	sadd.s32 s1, s29;
	s25 =	sadd.s32 s25, s26;
	s30 =	spop (v2sf)  }
0x105: {  	(v2sf) =	vpush v3, $0xC;
	[tilespmem:s31], [sflag:$0x1] =	stream.linear.gather [hbm4b:s0+s2], $0x400, $0x38;
	[tilespmem:$0x4100] =	vst v63  }
0x106: {  	s26 =	rddreg [dreg:$0xa];
	s0 =	sadd.s32 s30, s23;
	s30 =	spop (v2sf)  }
0x107: {  	(v2sf) =	vpush v3, $0xD;
	[tilespmem:s26], [sflag:$0x1] =	stream.linear.gather [hbm4b:s25+s2], $0x400, $0x38;
	[tilespmem:$0x4100] =	vst v63  }
0x108: {  	s1 =	rddreg [dreg:$0xb];
	s31 =	spop (v2sf)  }
0x109: {  	(v2sf) =	vpush v3, $0xE;
	[tilespmem:s1], [sflag:$0x1] =	stream.linear.gather [hbm4b:s0+s2], $0x400, $0x38;
	[tilespmem:$0x4100] =	vst v63  }
0x10a: {  	s23 =	rddreg [dreg:$0xc];
	s24 =	sadd.s32 s30, s24;
	s30 =	spop (v2sf)  }
0x10b: {  	v2 =	vand.u32 $0x7, v62;
	(v2sf) =	vpush v3, $0xF;
	[tilespmem:s23], [sflag:$0x1] =	stream.linear.gather [hbm4b:s24+s2], $0x400, $0x38;
	[tilespmem:$0x4100] =	vst v63  }
0x10c: {  	v63 =	vshll.u32 v2, $0x7;
	s25 =	rddreg [dreg:$0xd];
	s26 =	sadd.s32 s31, s22;
	s31 =	spop (v2sf)  }
0x10d: {  	(v2sf) =	vpush v63, $0x0;
	[tilespmem:s25], [sflag:$0x1] =	stream.linear.gather [hbm4b:s26+s2], $0x400, $0x38;
	[tilespmem:$0x4100] =	vst v63  }
0x10e: {  	s28 =	rddreg [dreg:$0xe];
	s21 =	sadd.s32 s30, s21;
	s26 =	spop (v2sf)  }
0x10f: {  	(v2sf) =	vpush v63, $0x1;
	[tilespmem:s28], [sflag:$0x1] =	stream.linear.gather [hbm4b:s21+s2], $0x400, $0x38;
	[tilespmem:$0x4100] =	vst v63  }
0x110: {  	s22 =	rddreg [dreg:$0xf];
	s24 =	sadd.s32 s31, s20;
	s31 =	spop (v2sf)  }
0x111: {  	[tilespmem:s22], [sflag:$0x1] =	stream.linear.gather [hbm4b:s24+s2], $0x400, $0x38;
	[tilespmem:$0x4100] =	vst v63  }
0x112: {  	s25 =	rddreg [dreg:$0x10];
	s28 =	sadd.s32 s26, s19;
	(v2sf) =	vpush v63, $0x2;
	s24 =	spop (v2sf)  }
0x113: {  	(v2sf) =	vpush v63, $0x3;
	[tilespmem:s25], [sflag:$0x1] =	stream.linear.gather [hbm4b:s28+s2], $0x400, $0x38;
	[tilespmem:$0x4100] =	vst v63  }
0x114: {  	s30 =	rddreg [dreg:$0x11];
	s22 =	sadd.s32 s31, s18;
	(v2sf) =	vpush v63, $0x4;
	s28 =	spop (v2sf)  }
0x115: {  	(v2sf) =	vpush v63, $0x5;
	[tilespmem:s30], [sflag:$0x1] =	stream.linear.gather [hbm4b:s22+s2], $0x400, $0x38;
	[tilespmem:$0x4100] =	vst v63  }
0x116: {  	s23 =	rddreg [dreg:$0x12];
	s25 =	sadd.s32 s24, s17;
	(v2sf) =	vpush v63, $0x6;
	s20 =	spop (v2sf)  }
0x117: {  	(v2sf) =	vpush v63, $0x7;
	[tilespmem:s23], [sflag:$0x1] =	stream.linear.gather [hbm4b:s25+s2], $0x400, $0x38;
	[tilespmem:$0x4100] =	vst v63  }
0x118: {  	s26 =	rddreg [dreg:$0x13];
	s30 =	sadd.s32 s28, s16;
	(v2sf) =	vpush v63, $0x8;
	s23 =	spop (v2sf)  }
0x119: {  	(v2sf) =	vpush v63, $0x9;
	[tilespmem:s26], [sflag:$0x1] =	stream.linear.gather [hbm4b:s30+s2], $0x400, $0x38;
	[tilespmem:$0x4100] =	vst v63  }
0x11a: {  	s31 =	rddreg [dreg:$0x14];
	s21 =	sadd.s32 s20, s15;
	(v2sf) =	vpush v63, $0xA;
	s26 =	spop (v2sf)  }
0x11b: {  	(v2sf) =	vpush v63, $0xB;
	[tilespmem:s31], [sflag:$0x1] =	stream.linear.gather [hbm4b:s21+s2], $0x400, $0x38;
	[tilespmem:$0x4100] =	vst v63  }
0x11c: {  	s22 =	rddreg [dreg:$0x15];
	s24 =	sadd.s32 s23, s14;
	(v2sf) =	vpush v63, $0xC;
	s16 =	spop (v2sf)  }
0x11d: {  	(v2sf) =	vpush v63, $0xD;
	[tilespmem:s22], [sflag:$0x1] =	stream.linear.gather [hbm4b:s24+s2], $0x400, $0x38;
	[tilespmem:$0x4100] =	vst v63  }
0x11e: {  	s25 =	rddreg [dreg:$0x16];
	s28 =	sadd.s32 s26, s13;
	(v2sf) =	vpush v63, $0xE;
	s30 =	spop (v2sf)  }
0x11f: {  	(v2sf) =	vpush v63, $0xF;
	[tilespmem:s25], [sflag:$0x1] =	stream.linear.gather [hbm4b:s28+s2], $0x400, $0x38;
	[tilespmem:$0x4100] =	vst v63  }
0x120: {  	_ =	swait.ge [sflag:s7], $0x400  }
0x121: {  	s28 =	spop (v2sf)  }
0x122: {  	[sflag:s7] =	ssyncset.done $0x0;
	s26 =	spop (v2sf)  }
0x123: {  	[sflag:s7] =	ssyncadd.s32 $0xFFFFFC00;
	s25 =	spop (v2sf)  }
0x124: {  	_ =	swait.ge [sflag:s7], $0x400  }
0x125: {  	s24 =	spop (v2sf)  }
0x126: {  	[sflag:s7] =	ssyncset.done $0x0;
	s23 =	spop (v2sf)  }
0x127: {  	[sflag:s7] =	ssyncadd.s32 $0xFFFFFC00;
	s22 =	spop (v2sf)  }
0x128: {  	_ =	swait.ge [sflag:s7], $0x400  }
0x129: {  	s21 =	spop (v2sf)  }
0x12a: {  	[sflag:s7] =	ssyncset.done $0x0;
	s20 =	spop (v2sf)  }
0x12b: {  	[sflag:s7] =	ssyncadd.s32 $0xFFFFFC00;
	s19 =	spop (v2sf)  }
0x12c: {  	_ =	swait.ge [sflag:s7], $0x400  }
0x12d: {  	s18 =	spop (v2sf)  }
0x12e: {  	[sflag:s7] =	ssyncset.done $0x0;
	s31 =	spop (v2sf)  }
0x12f: {  	[sflag:s7] =	ssyncadd.s32 $0xFFFFFC00;
	s15 =	spop (v2sf)  }
0x130: {  	_ =	swait.ge [sflag:s7], $0x400  }
0x131: {  	s14 =	spop (v2sf);
	[sflag:s7] =	ssyncset.done $0x0  }
0x132: {  	s13 =	spop (v2sf);
	[sflag:s7] =	ssyncadd.s32 $0xFFFFFC00  }
0x133: {  	_ =	swait.ge [sflag:s7], $0x400  }
0x134: {  	[sflag:s7] =	ssyncset.done $0x0  }
0x135: {  	[sflag:s7] =	ssyncadd.s32 $0xFFFFFC00  }
0x136: {  	_ =	swait.ge [sflag:s7], $0x400  }
0x137: {  	[sflag:s7] =	ssyncset.done $0x0  }
0x138: {  	[sflag:s7] =	ssyncadd.s32 $0xFFFFFC00  }
0x139: {  	_ =	swait.ge [sflag:s7], $0x400  }
0x13a: {  	[sflag:s7] =	ssyncset.done $0x0  }
0x13b: {  	[sflag:s7] =	ssyncadd.s32 $0xFFFFFC00  }
0x13c: {  	_ =	swait.ge [sflag:s7], $0x400  }
0x13d: {  	[sflag:s7] =	ssyncset.done $0x0  }
0x13e: {  	[sflag:s7] =	ssyncadd.s32 $0xFFFFFC00  }
0x13f: {  	_ =	swait.ge [sflag:s7], $0x400  }
0x140: {  	[sflag:s7] =	ssyncset.done $0x0  }
0x141: {  	[sflag:s7] =	ssyncadd.s32 $0xFFFFFC00  }
0x142: {  	_ =	swait.ge [sflag:s7], $0x400  }
0x143: {  	[sflag:s7] =	ssyncset.done $0x0  }
0x144: {  	[sflag:s7] =	ssyncadd.s32 $0xFFFFFC00  }
0x145: {  	_ =	swait.ge [sflag:s7], $0x400  }
0x146: {  	[sflag:s7] =	ssyncset.done $0x0  }
0x147: {  	[sflag:s7] =	ssyncadd.s32 $0xFFFFFC00  }
0x148: {  	_ =	swait.ge [sflag:s7], $0x400  }
0x149: {  	[sflag:s7] =	ssyncset.done $0x0  }
0x14a: {  	[sflag:s7] =	ssyncadd.s32 $0xFFFFFC00  }
0x14b: {  	_ =	swait.ge [sflag:s7], $0x400  }
0x14c: {  	[sflag:s7] =	ssyncset.done $0x0  }
0x14d: {  	[sflag:s7] =	ssyncadd.s32 $0xFFFFFC00  }
0x14e: {  	_ =	swait.ge [sflag:s7], $0x400  }
0x14f: {  	[sflag:s7] =	ssyncset.done $0x0  }
0x150: {  	[sflag:s7] =	ssyncadd.s32 $0xFFFFFC00  }
0x151: {  	s12 =	smov.u32 s10;
	_ =	swait.ge [sflag:s7], $0x400  }
0x152: {  	s17 =	sadd.s32 $0x3100, s31;
	s1 =	rddreg [dreg:$0x6];
	[sflag:s7] =	ssyncset.done $0x0  }
0x153: {  	s31 =	sadd.s32 $0x100, s16;
	[sflag:s7] =	ssyncadd.s32 $0xFFFFFC00;
	s16 =	sadd.s32 s12, s1  }
0x154: {  	[hbm4b:s16+s2] =	stream.linear.scatter [tilespmem:s31], [sflag:$0x2], $0x80, $0x38;
	[tilespmem:$0x4100] =	vst v63  }
0x155: {  	_ =	swait.ge [sflag:s6], $0x80  }
0x156: {  	[sflag:s6] =	ssyncset.done $0x0  }
0x157: {  	s30 =	sadd.s32 $0x500, s30;
	s31 =	sadd.s32 $0x10, s16;
	[sflag:s6] =	ssyncadd.s32 $0xFFFFFF80  }
0x158: {  	[hbm4b:s31+s2] =	stream.linear.scatter [tilespmem:s30], [sflag:$0x2], $0x80, $0x38;
	[tilespmem:$0x4100] =	vst v63  }
0x159: {  	_ =	swait.ge [sflag:s6], $0x80  }
0x15a: {  	[sflag:s6] =	ssyncset.done $0x0  }
0x15b: {  	s12 =	sadd.s32 $0x900, s28;
	s28 =	sadd.s32 $0x20, s16;
	[sflag:s6] =	ssyncadd.s32 $0xFFFFFF80  }
0x15c: {  	[hbm4b:s28+s2] =	stream.linear.scatter [tilespmem:s12], [sflag:$0x2], $0x80, $0x38;
	[tilespmem:$0x4100] =	vst v63  }
0x15d: {  	_ =	swait.ge [sflag:s6], $0x80  }
0x15e: {  	[sflag:s6] =	ssyncset.done $0x0  }
0x15f: {  	s30 =	sadd.s32 $0xD00, s26;
	s31 =	sadd.s32 $0x30, s16;
	[sflag:s6] =	ssyncadd.s32 $0xFFFFFF80  }
0x160: {  	[hbm4b:s31+s2] =	stream.linear.scatter [tilespmem:s30], [sflag:$0x2], $0x80, $0x38;
	[tilespmem:$0x4100] =	vst v63  }
0x161: {  	_ =	swait.ge [sflag:s6], $0x80  }
0x162: {  	[sflag:s6] =	ssyncset.done $0x0  }
0x163: {  	s12 =	sadd.s32 $0x1100, s25;
	s25 =	sadd.s32 $0x40, s16;
	[sflag:s6] =	ssyncadd.s32 $0xFFFFFF80  }
0x164: {  	[hbm4b:s25+s2] =	stream.linear.scatter [tilespmem:s12], [sflag:$0x2], $0x80, $0x38;
	[tilespmem:$0x4100] =	vst v63  }
0x165: {  	_ =	swait.ge [sflag:s6], $0x80  }
0x166: {  	[sflag:s6] =	ssyncset.done $0x0  }
0x167: {  	s26 =	sadd.s32 $0x1500, s24;
	s28 =	sadd.s32 $0x50, s16;
	[sflag:s6] =	ssyncadd.s32 $0xFFFFFF80  }
0x168: {  	[hbm4b:s28+s2] =	stream.linear.scatter [tilespmem:s26], [sflag:$0x2], $0x80, $0x38;
	[tilespmem:$0x4100] =	vst v63  }
0x169: {  	_ =	swait.ge [sflag:s6], $0x80  }
0x16a: {  	[sflag:s6] =	ssyncset.done $0x0  }
0x16b: {  	s30 =	sadd.s32 $0x1900, s23;
	s31 =	sadd.s32 $0x60, s16;
	[sflag:s6] =	ssyncadd.s32 $0xFFFFFF80  }
0x16c: {  	[hbm4b:s31+s2] =	stream.linear.scatter [tilespmem:s30], [sflag:$0x2], $0x80, $0x38;
	[tilespmem:$0x4100] =	vst v63  }
0x16d: {  	_ =	swait.ge [sflag:s6], $0x80  }
0x16e: {  	[sflag:s6] =	ssyncset.done $0x0  }
0x16f: {  	s1 =	sadd.s32 $0x1D00, s22;
	s12 =	sadd.s32 $0x70, s16;
	[sflag:s6] =	ssyncadd.s32 $0xFFFFFF80  }
0x170: {  	[hbm4b:s12+s2] =	stream.linear.scatter [tilespmem:s1], [sflag:$0x2], $0x80, $0x38;
	[tilespmem:$0x4100] =	vst v63  }
0x171: {  	_ =	swait.ge [sflag:s6], $0x80  }
0x172: {  	[sflag:s6] =	ssyncset.done $0x0  }
0x173: {  	s22 =	sadd.s32 $0x2100, s21;
	s23 =	sadd.s32 $0x80, s16;
	[sflag:s6] =	ssyncadd.s32 $0xFFFFFF80  }
0x174: {  	[hbm4b:s23+s2] =	stream.linear.scatter [tilespmem:s22], [sflag:$0x2], $0x80, $0x38;
	[tilespmem:$0x4100] =	vst v63  }
0x175: {  	_ =	swait.ge [sflag:s6], $0x80  }
0x176: {  	[sflag:s6] =	ssyncset.done $0x0  }
0x177: {  	s24 =	sadd.s32 $0x2500, s20;
	s25 =	sadd.s32 $0x90, s16;
	[sflag:s6] =	ssyncadd.s32 $0xFFFFFF80  }
0x178: {  	[hbm4b:s25+s2] =	stream.linear.scatter [tilespmem:s24], [sflag:$0x2], $0x80, $0x38;
	[tilespmem:$0x4100] =	vst v63  }
0x179: {  	_ =	swait.ge [sflag:s6], $0x80  }
0x17a: {  	p0 =	sne.s32 s10, $0x700;
	[sflag:s6] =	ssyncset.done $0x0  }
0x17b: {  	s26 =	sadd.s32 $0x2900, s19;
	s28 =	sadd.s32 $0xA0, s16;
	[sflag:s6] =	ssyncadd.s32 $0xFFFFFF80  }
0x17c: {  	[hbm4b:s28+s2] =	stream.linear.scatter [tilespmem:s26], [sflag:$0x2], $0x80, $0x38;
	[tilespmem:$0x4100] =	vst v63  }
.Ltmp0:
0x17d: {  	_ =	swait.ge [sflag:s6], $0x80;
	(pc) =	sbr.rel @p0 .LBB2_2-.Ltmp0, $4  }
0x17e: {  	[sflag:s6] =	ssyncset.done $0x0  }
0x17f: {  	s30 =	sadd.s32 $0x2D00, s18;
	s31 =	sadd.s32 $0xB0, s16;
	[sflag:s6] =	ssyncadd.s32 $0xFFFFFF80  }
0x180: {  	[hbm4b:s31+s2] =	stream.linear.scatter [tilespmem:s30], [sflag:$0x2], $0x80, $0x38;
	[tilespmem:$0x4100] =	vst v63  }
0x181: {  	s10 =	sadd.s32 $0x100, s10;
	s29 =	sadd.s32 $0xC0, s16;
	_ =	swait.ge [sflag:s6], $0x80  }
0x182: {  	[sflag:s6] =	ssyncset.done $0x0  }
0x183: {  	[sflag:s6] =	ssyncadd.s32 $0xFFFFFF80  }
0x184: {  	[hbm4b:s29+s2] =	stream.linear.scatter [tilespmem:s17], [sflag:$0x2], $0x80, $0x38;
	[tilespmem:$0x4100] =	vst v63  }
0x185: {  	_ =	swait.ge [sflag:s6], $0x80  }
0x186: {  	[sflag:s6] =	ssyncset.done $0x0  }
0x187: {  	s0 =	sadd.s32 $0x3500, s15;
	s1 =	sadd.s32 $0xD0, s16;
	[sflag:s6] =	ssyncadd.s32 $0xFFFFFF80  }
0x188: {  	[hbm4b:s1+s2] =	stream.linear.scatter [tilespmem:s0], [sflag:$0x2], $0x80, $0x38;
	[tilespmem:$0x4100] =	vst v63  }
0x189: {  	_ =	swait.ge [sflag:s6], $0x80  }
0x18a: {  	[sflag:s6] =	ssyncset.done $0x0  }
0x18b: {  	s28 =	sadd.s32 $0x3900, s14;
	s29 =	sadd.s32 $0xE0, s16;
	[sflag:s6] =	ssyncadd.s32 $0xFFFFFF80  }
0x18c: {  	[hbm4b:s29+s2] =	stream.linear.scatter [tilespmem:s28], [sflag:$0x2], $0x80, $0x38;
	[tilespmem:$0x4100] =	vst v63  }
0x18d: {  	s8 =	sadd.s32 $0x1, s8;
	_ =	swait.ge [sflag:s6], $0x80  }
0x18e: {  	s30 =	sadd.s32 $0x3D00, s13;
	p0 =	sne.s32 s8, s5;
	[sflag:s6] =	ssyncset.done $0x0  }
.Ltmp1:
0x18f: {  	s31 =	sadd.s32 $0xF0, s16;
	[sflag:s6] =	ssyncadd.s32 $0xFFFFFF80;
	(pc) =	sbr.rel @p0 .LBB2_1-.Ltmp1, $4  }
0x190: {  	[hbm4b:s31+s2] =	stream.linear.scatter [tilespmem:s30], [sflag:$0x2], $0x80, $0x38;
	[tilespmem:$0x4100] =	vst v63  }
0x191: {  	_ =	swait.ge [sflag:s6], $0x80  }
0x192: {  	[sflag:s6] =	ssyncset.done $0x0  }
0x193: {  	[sflag:s6] =	ssyncadd.s32 $0xFFFFFF80  }
0x194: {  	_ =	sfence.sel $0x180000  }
0x195: {  	[bflag:$0x0] =	sbarrier.arrive $0xFFFF  }
0x196: {  	_ =	strace $0x90000047  }
0x197: {  	s0 =	stileid.u32;
	[bflag:$0x2] =	sbarrier.arrive $0xFFFF  }
0x198: {  	p0 =	sne.s32 s0, $0x0;
	s0 =	rddreg [dreg:$0x4]  }
0x199: {  	s0 =	sadd.s32 @!p0 $0x100000, s0  }
0x19a: {  	[sflag:s0] =	ssyncadd.tile.s32 @!p0 $0x1;
	_ =	shalt  }
.Lfunc_end2:
_tile_overlayer_lowered:
.L_overlay_start_2:
0x19b: {  	(tag) =	ssettag $0x2  }
0x19c: {  	s0 =	rddreg [dreg:$0x0];
	s2 =	stileid.u32  }
0x19d: {  	s1 =	rddreg [dreg:$0x1];
	p0 =	sne.s32 s2, $0x0  }
0x19e: {  	s3 =	rddreg [dreg:$0x2];
	[bflag:$0x3] =	sbarrier.arrive $0xFFFF;
	s2 =	simm.s32 @!p0 $0x1C02  }
0x19f: {  	[timem:s3], [sflag:s2] =	dma.local @!p0 [hbm:s0], s1  }
0x1a0: {  	s0 =	simm.s32 @!p0 $0x2  }
0x1a1: {  	_ =	swait.ge @!p0 [sflag:s0], s1  }
0x1a2: {  	s1 =	ssub.s32 @!p0 $0x0, s1;
	[sflag:s0] =	ssyncset.done @!p0 $0x0  }
0x1a3: {  	[sflag:s0] =	ssyncadd.s32 @!p0 s1  }
0x1a4: {  	[bflag:$0x3] =	sbarrier.arrive $0xFFFF  }
0x1a5: {  	_ =	shalt  }

</sc_bundles>
